<compile_context>
chip_gen: v7x
topology: tpu7x:2x2x1
jax: 0.10.2.dev20260603
libtpu: 0.0.44.dev20260713+nightly
codegen_flags: <defaults>
</compile_context>

<pallas_src>
import jax
import jax.numpy as jnp
from jax import lax
from jax.experimental import pallas as pl
from jax.experimental.pallas import tpu as pltpu
from jax.experimental.pallas import tpu_sc as plsc

N = 10000
E = 320000
D = 128
H = 512

NC = 2
NS = 16
NW = NC * NS
NP = 10240

EPT = 10240
EP = NW * EPT
K = 80
G = EPT // K
RPT = NP // NS
BR = 640
GRID = NP // BR

f32 = jnp.float32


def _mesh():
    return plsc.VectorSubcoreMesh(core_axis_name="c", subcore_axis_name="s")



def _bincount_body(src_hbm, dst_hbm, out_hbm, eidx_s, eidx_d, acc_s, acc_d):
    cid = lax.axis_index("c")
    sid = lax.axis_index("s")
    w = cid * NS + sid
    pltpu.sync_copy(src_hbm.at[pl.ds(w * EPT, EPT)], eidx_s)
    pltpu.sync_copy(dst_hbm.at[pl.ds(w * EPT, EPT)], eidx_d)

    zeros16 = jnp.zeros((16,), f32)

    def zero_blk(i, c):
        acc_s[pl.ds(i * 16, 16)] = zeros16
        acc_d[pl.ds(i * 16, 16)] = zeros16
        return c
    lax.fori_loop(0, NP // 16, zero_blk, 0, unroll=False)

    ones16 = jnp.ones((16,), f32)

    def count_blk(i, c):
        plsc.addupdate_scatter(acc_s, [eidx_s[pl.ds(i * 16, 16)]], ones16)
        plsc.addupdate_scatter(acc_d, [eidx_d[pl.ds(i * 16, 16)]], ones16)
        return c
    lax.fori_loop(0, EPT // 16, count_blk, 0, unroll=False)

    pltpu.sync_copy(acc_s, out_hbm.at[pl.ds(w * NP, NP)])
    pltpu.sync_copy(acc_d, out_hbm.at[pl.ds((NW + w) * NP, NP)])


_bincount = pl.kernel(
    _bincount_body,
    out_type=jax.ShapeDtypeStruct((2 * NW * NP,), f32),
    mesh=_mesh(),
    compiler_params=pltpu.CompilerParams(needs_layout_passes=False),
    scratch_types=[
        pltpu.VMEM((EPT,), jnp.int32),
        pltpu.VMEM((EPT,), jnp.int32),
        pltpu.VMEM((NP,), f32),
        pltpu.VMEM((NP,), f32),
    ],
)



def _make_agg(T):
    def body(src_hbm, dst_hbm, zeros_hbm, *rest):
        tables = rest[:T]
        outs = rest[T:2 * T]
        idx_s, idx_d, rows, sem0, sem1, acc = rest[2 * T:]
        cid = lax.axis_index("c")
        sid = lax.axis_index("s")
        w = cid * NS + sid
        pltpu.sync_copy(src_hbm.at[pl.ds(w * EPT, EPT)], idx_s)
        pltpu.sync_copy(dst_hbm.at[pl.ds(w * G, G)], idx_d)

        def src_at(g):
            return idx_s.at[pl.ds(g * K, K)]

        for t in range(T):
            pltpu.sync_copy(zeros_hbm, acc.at[pl.ds(sid * RPT, RPT)])
            plsc.subcore_barrier()
            tbl = tables[t]
            pltpu.async_copy(tbl.at[src_at(0)], rows.at[0], sem0)

            def pair(h, c):
                g = 2 * h
                pltpu.async_copy(tbl.at[src_at(g + 1)], rows.at[1], sem1)
                pltpu.make_async_copy(tbl.at[src_at(g)], rows.at[0],
                                      sem0).wait()
                pltpu.sync_copy(rows.at[0], acc.at[idx_d.at[g]], add=True)
                gn = jnp.minimum(g + 2, G - 2)
                pltpu.async_copy(tbl.at[src_at(gn)], rows.at[0], sem0)
                pltpu.make_async_copy(tbl.at[src_at(g + 1)], rows.at[1],
                                      sem1).wait()
                pltpu.sync_copy(rows.at[1], acc.at[idx_d.at[g + 1]], add=True)
                return c
            lax.fori_loop(0, G // 2, pair, 0, unroll=False)
            pltpu.make_async_copy(tbl.at[src_at(0)], rows.at[0],
                                  sem0).wait()
            plsc.subcore_barrier()
            pltpu.sync_copy(acc.at[pl.ds(sid * RPT, RPT)],
                            outs[t].at[pl.ds(cid * NP + sid * RPT, RPT)])
    out_type = [jax.ShapeDtypeStruct((2 * NP, D), f32)] * T
    if T == 1:
        out_type = out_type[0]
    return pl.kernel(
        body,
        out_type=out_type,
        mesh=_mesh(),
        compiler_params=pltpu.CompilerParams(needs_layout_passes=False),
        scratch_types=[
            pltpu.VMEM((EPT,), jnp.int32),
            pltpu.VMEM((G, K), jnp.int32),
            pltpu.VMEM((2, K, D), f32),
            pltpu.SemaphoreType.DMA,
            pltpu.SemaphoreType.DMA,
            pltpu.VMEM_SHARED((NP, D), f32),
        ],
    )


_agg1 = _make_agg(1)
_agg4 = _make_agg(4)



def _tc_scale_body(dego, degi, x, xs, so, si):
    so_v = lax.rsqrt(jnp.maximum(
        jnp.sum(dego[...], axis=1, keepdims=True), 1.0))
    si_v = lax.rsqrt(jnp.maximum(
        jnp.sum(degi[...], axis=1, keepdims=True), 1.0))
    xs[...] = x[...] * so_v
    so[...] = so_v
    si[...] = si_v


def _row_spec(width):
    return pl.BlockSpec((BR, width), lambda i: (i, 0))


def _row_spec_off(width, off):
    return pl.BlockSpec((BR, width), lambda i, o=off: (i + o, 0))


def _full_spec(r, c):
    return pl.BlockSpec((r, c), lambda i: (0, 0))


_tc_scale = pl.pallas_call(
    _tc_scale_body,
    grid=(GRID,),
    in_specs=[_row_spec(NW), _row_spec(NW), _row_spec(D)],
    out_specs=[_row_spec(D), _row_spec(1), _row_spec(1)],
    out_shape=[jax.ShapeDtypeStruct((NP, D), f32),
               jax.ShapeDtypeStruct((NP, 1), f32),
               jax.ShapeDtypeStruct((NP, 1), f32)],
)


def _tc_l1_body(p0, p1, si, so, W1, b1, a1, out):
    agg = (p0[...] + p1[...]) * si[...]
    z = jnp.dot(agg, W1[...], preferred_element_type=f32) + b1[...]
    a = a1[0, 0]
    h = jnp.where(z > 0, z, a * z)
    hs = h * so[...]
    for c in range(4):
        out[c] = hs[:, c * 128:(c + 1) * 128]


_tc_l1 = pl.pallas_call(
    _tc_l1_body,
    grid=(GRID,),
    in_specs=[_row_spec(D), _row_spec_off(D, GRID), _row_spec(1), _row_spec(1),
              _full_spec(D, H), _full_spec(1, H), _full_spec(1, 1)],
    out_specs=pl.BlockSpec((4, BR, 128), lambda i: (0, i, 0)),
    out_shape=jax.ShapeDtypeStruct((4, NP, 128), f32),
)


def _tc_l2_body(q00, q01, q10, q11, q20, q21, q30, q31, si, so, W2, b2, a2,
                We2d, Wd, out, Wc):
    @pl.when(pl.program_id(0) == 0)
    def _():
        Wc[...] = jnp.dot(We2d[...], Wd[...], preferred_element_type=f32)
    siv = si[...]
    W2v = W2[...]
    qs = ((q00, q01), (q10, q11), (q20, q21), (q30, q31))
    z = jnp.zeros((BR, H), f32) + b2[...]
    for c in range(4):
        agg_c = (qs[c][0][...] + qs[c][1][...]) * siv
        z = z + jnp.dot(agg_c, W2v[c * 128:(c + 1) * 128, :],
                        preferred_element_type=f32)
    a = a2[0, 0]
    h = jnp.where(z > 0, z, a * z)
    t = jnp.dot(h, Wc[...], preferred_element_type=f32)
    out[...] = t * so[...]


_tc_l2 = pl.pallas_call(
    _tc_l2_body,
    grid=(GRID,),
    in_specs=[_row_spec(D), _row_spec_off(D, GRID)] * 4
    + [_row_spec(1), _row_spec(1), _full_spec(H, H), _full_spec(1, H),
       _full_spec(1, 1), _full_spec(H, H), _full_spec(H, D)],
    out_specs=_row_spec(D),
    out_shape=jax.ShapeDtypeStruct((NP, D), f32),
    scratch_shapes=[pltpu.VMEM((H, D), f32)],
)


def _tc_fin_body(r0, r1, si, bd, out):
    out[...] = (r0[...] + r1[...]) * si[...] + bd[...]


_tc_fin = pl.pallas_call(
    _tc_fin_body,
    grid=(GRID,),
    in_specs=[_row_spec(D), _row_spec_off(D, GRID), _row_spec(1),
              _full_spec(1, D)],
    out_specs=_row_spec(D),
    out_shape=jax.ShapeDtypeStruct((NP, D), f32),
)



def kernel(x, edge_index, W1, b1, a1, W2, b2, a2, We2d, Wd, bd):
    src = edge_index[0]
    dst = edge_index[1]
    pad = N + (jnp.arange(EP - E, dtype=jnp.int32) % (NP - N))
    src_f = jnp.concatenate([src, pad])
    dst_f = jnp.concatenate([dst, pad])
    dst_a = dst_f.reshape(NW * G, K)
    zeros = jnp.zeros((RPT, D), f32)
    xp = jnp.pad(x, ((0, NP - N), (0, 0)))

    deg = _bincount(src_f, dst_f)
    degt = deg.reshape(2, NW, NP).transpose(2, 0, 1)

    xs, so, si = _tc_scale(degt[:, 0], degt[:, 1], xp)

    p = _agg1(src_f, dst_a, zeros, xs)
    h1s = _tc_l1(p, p, si, so, W1, b1.reshape(1, H), a1.reshape(1, 1))

    q0, q1, q2, q3 = _agg4(src_f, dst_a, zeros,
                           h1s[0], h1s[1], h1s[2], h1s[3])
    ts = _tc_l2(q0, q0, q1, q1, q2, q2, q3, q3, si, so, W2,
                b2.reshape(1, H), a2.reshape(1, 1), We2d, Wd)

    r = _agg1(src_f, dst_a, zeros, ts)
    recon = _tc_fin(r, r, si, bd.reshape(1, D))
    return recon[:N]

# --- scband reference (transcript-rebuilt; emitter-appended) ---
"""Pipeline reference for scband-pre-model-13048110645519 (READ-ONLY COPY).

The authoritative reference and input builder live on the scoring server;
editing this copy changes nothing except your own understanding.
"""

import jax, jax.numpy as jnp
import numpy as np

N, E, D, H = 10000, 320000, 128, 512


def prelu(x, a):
    return jnp.where(x > 0, x, a * x)


def gcn_layer(x, src, dst, W, b, n_nodes):
    # GraphConv with symmetric degree normalization: D^{-1/2} A D^{-1/2} X W + b
    h = x @ W
    deg_out = jnp.bincount(src, length=n_nodes).astype(jnp.float32)
    deg_in = jnp.bincount(dst, length=n_nodes).astype(jnp.float32)
    inv_sqrt_out = jax.lax.rsqrt(jnp.clip(deg_out, 1.0, None))
    inv_sqrt_in = jax.lax.rsqrt(jnp.clip(deg_in, 1.0, None))
    norm = inv_sqrt_out[src] * inv_sqrt_in[dst]
    msg = h[src] * norm[:, None]
    agg = jax.ops.segment_sum(msg, dst, num_segments=n_nodes)
    return agg + b


def setup_inputs(seed: int = 0) -> dict:
    key = jax.random.key(seed)
    ks = jax.random.split(key, 12)
    x = jax.random.normal(ks[0], (N, D), dtype=jnp.float32)
    edge_index = jax.random.randint(ks[1], (2, E), 0, N, dtype=jnp.int32)

    def xavier(k, fan_in, fan_out):
        std = 1.414 * np.sqrt(2.0 / (fan_in + fan_out))
        return jax.random.normal(k, (fan_in, fan_out), dtype=jnp.float32) * std

    # encoder: 2-layer GCN (in_dim -> num_hidden -> num_hidden), PReLU activations
    W1 = xavier(ks[2], D, H)
    b1 = jnp.zeros((H,), dtype=jnp.float32)
    a1 = jnp.asarray(0.25, dtype=jnp.float32)
    W2 = xavier(ks[3], H, H)
    b2 = jnp.zeros((H,), dtype=jnp.float32)
    a2 = jnp.asarray(0.25, dtype=jnp.float32)
    # encoder_to_decoder: Linear(num_hidden, num_hidden, bias=False)
    We2d = xavier(ks[4], H, H)
    # decoder: 1-layer GCN (num_hidden -> in_dim)
    Wd = xavier(ks[5], H, D)
    bd = jnp.zeros((D,), dtype=jnp.float32)
    return {"x": x, "edge_index": edge_index, "W1": W1, "b1": b1, "a1": a1,
            "W2": W2, "b2": b2, "a2": a2, "We2d": We2d, "Wd": Wd, "bd": bd}


def reference(x, edge_index, W1, b1, a1, W2, b2, a2, We2d, Wd, bd):
    src = edge_index[0]
    dst = edge_index[1]
    n_nodes = x.shape[0]
    # encoder (eval mode: dropouts are identity)
    h = prelu(gcn_layer(x, src, dst, W1, b1, n_nodes), a1)
    h = prelu(gcn_layer(h, src, dst, W2, b2, n_nodes), a2)
    # encoder -> decoder projection
    rep = h @ We2d
    # decoder reconstructs node features
    recon = gcn_layer(rep, src, dst, Wd, bd, n_nodes)
    return recon

if __name__ == "__main__":
    import jax
    _d = setup_inputs()
    print(jax.jit(kernel)(*tuple(_d.values())))

</pallas_src>

<mosaic_0001>
#map = affine_map<(d0, d1) -> (0)>
#map1 = affine_map<(d0, d1) -> (0, 0)>
module attributes {stable_mosaic.version = 14 : i64} {
  func.func @body(%arg0: i32, %arg1: i32, %arg2: memref<327680xi32, #tpu.memory_space<hbm>>, %arg3: memref<4096x80xi32, #tpu.memory_space<hbm>>, %arg4: memref<640x128xf32, #tpu.memory_space<hbm>>, %arg5: memref<10240x128xf32, #tpu.memory_space<hbm>>, %arg6: memref<20480x128xf32, #tpu.memory_space<hbm>>, %arg7: memref<10240xi32, #tpu.memory_space<vmem>>, %arg8: memref<128x80xi32, #tpu.memory_space<vmem>>, %arg9: memref<2x80x128xf32, #tpu.memory_space<vmem>>, %arg10: memref<!tpu.dma_semaphore, #tpu.memory_space<semaphore_mem>>, %arg11: memref<!tpu.dma_semaphore, #tpu.memory_space<semaphore_mem>>, %arg12: memref<10240x128xf32, #tpu.memory_space<vmem_shared>>) attributes {dimension_semantics = [#tpu.dimension_semantics<core_parallel>, #tpu.dimension_semantics<subcore_parallel>], iteration_bounds = array<i64: 2, 16>, scalar_prefetch = 0 : i64, scratch_operands = 6 : i64, tpu.core_type = #tpu.core_type<sc_vector_subcore>, window_params = [{transform_indices = #map}, {transform_indices = #map1}, {transform_indices = #map1}, {transform_indices = #map1}, {transform_indices = #map1}]} {
    %mul3A = arith.constant 16 : i32
    %mul3A_0 = arith.muli %arg0, %mul3A : i32
    %add3A = arith.addi %mul3A_0, %arg1 : i32
    %mul3A_1 = arith.constant 10240 : i32
    %mul3A_2 = arith.muli %add3A, %mul3A_1 : i32
    "tpu.region"() ({
      %run_scoped3A = tpu.sem_alloc : memref<!tpu.dma_semaphore, #tpu.memory_space<semaphore_mem>>
      %dma_start3A_38 = tpu.memref_slice %arg2[%mul3A_2] : memref<327680xi32, #tpu.memory_space<hbm>> -> memref<10240xi32, #tpu.memory_space<hbm>>
      %dma_start3A_39 = tpu.memref_slice %arg2[%mul3A_2] : memref<327680xi32, #tpu.memory_space<hbm>> -> memref<10240xi32, #tpu.memory_space<hbm>>
      tpu.enqueue_dma source(%dma_start3A_39 : memref<10240xi32, #tpu.memory_space<hbm>>) target(%arg7 : memref<10240xi32, #tpu.memory_space<vmem>>) target_semaphore(%run_scoped3A : memref<!tpu.dma_semaphore, #tpu.memory_space<semaphore_mem>>)
      %dma_wait3A_40 = tpu.memref_slice %arg2[%mul3A_2] : memref<327680xi32, #tpu.memory_space<hbm>> -> memref<10240xi32, #tpu.memory_space<hbm>>
      %dma_wait3A_41 = tpu.memref_slice %arg2[%mul3A_2] : memref<327680xi32, #tpu.memory_space<hbm>> -> memref<10240xi32, #tpu.memory_space<hbm>>
      tpu.wait_dma2 semaphore(%run_scoped3A : memref<!tpu.dma_semaphore, #tpu.memory_space<semaphore_mem>>) src(%dma_wait3A_41 : memref<10240xi32, #tpu.memory_space<hbm>>) dst(%arg7 : memref<10240xi32, #tpu.memory_space<vmem>>)
      tpu.yield
    }) : () -> ()
    %mul3A_3 = arith.constant 128 : i32
    %mul3A_4 = arith.muli %add3A, %mul3A_3 : i32
    "tpu.region"() ({
      %run_scoped3A = tpu.sem_alloc : memref<!tpu.dma_semaphore, #tpu.memory_space<semaphore_mem>>
      %dma_start3A_38 = arith.constant 0 : i32
      %dma_start3A_39 = tpu.memref_slice %arg3[%mul3A_4, %dma_start3A_38] : memref<4096x80xi32, #tpu.memory_space<hbm>> -> memref<128x80xi32, #tpu.memory_space<hbm>>
      %dma_start3A_40 = arith.constant 0 : i32
      %dma_start3A_41 = tpu.memref_slice %arg3[%mul3A_4, %dma_start3A_40] : memref<4096x80xi32, #tpu.memory_space<hbm>> -> memref<128x80xi32, #tpu.memory_space<hbm>>
      tpu.enqueue_dma source(%dma_start3A_41 : memref<128x80xi32, #tpu.memory_space<hbm>>) target(%arg8 : memref<128x80xi32, #tpu.memory_space<vmem>>) target_semaphore(%run_scoped3A : memref<!tpu.dma_semaphore, #tpu.memory_space<semaphore_mem>>)
      %dma_wait3A_42 = arith.constant 0 : i32
      %dma_wait3A_43 = tpu.memref_slice %arg3[%mul3A_4, %dma_wait3A_42] : memref<4096x80xi32, #tpu.memory_space<hbm>> -> memref<128x80xi32, #tpu.memory_space<hbm>>
      %dma_wait3A_44 = arith.constant 0 : i32
      %dma_wait3A_45 = tpu.memref_slice %arg3[%mul3A_4, %dma_wait3A_44] : memref<4096x80xi32, #tpu.memory_space<hbm>> -> memref<128x80xi32, #tpu.memory_space<hbm>>
      tpu.wait_dma2 semaphore(%run_scoped3A : memref<!tpu.dma_semaphore, #tpu.memory_space<semaphore_mem>>) src(%dma_wait3A_45 : memref<128x80xi32, #tpu.memory_space<hbm>>) dst(%arg8 : memref<128x80xi32, #tpu.memory_space<vmem>>)
      tpu.yield
    }) : () -> ()
    %mul3A_5 = arith.constant 640 : i32
    %mul3A_6 = arith.muli %arg1, %mul3A_5 : i32
    "tpu.region"() ({
      %run_scoped3A = tpu.sem_alloc : memref<!tpu.dma_semaphore, #tpu.memory_space<semaphore_mem>>
      %dma_start3A_38 = arith.constant 0 : i32
      %dma_start3A_39 = tpu.memref_slice %arg12[%mul3A_6, %dma_start3A_38] : memref<10240x128xf32, #tpu.memory_space<vmem_shared>> -> memref<640x128xf32, #tpu.memory_space<vmem_shared>>
      tpu.enqueue_dma source(%arg4 : memref<640x128xf32, #tpu.memory_space<hbm>>) target(%dma_start3A_39 : memref<640x128xf32, #tpu.memory_space<vmem_shared>>) target_semaphore(%run_scoped3A : memref<!tpu.dma_semaphore, #tpu.memory_space<semaphore_mem>>)
      %dma_wait3A_40 = arith.constant 0 : i32
      %dma_wait3A_41 = tpu.memref_slice %arg12[%mul3A_6, %dma_wait3A_40] : memref<10240x128xf32, #tpu.memory_space<vmem_shared>> -> memref<640x128xf32, #tpu.memory_space<vmem_shared>>
      tpu.wait_dma2 semaphore(%run_scoped3A : memref<!tpu.dma_semaphore, #tpu.memory_space<semaphore_mem>>) src(%arg4 : memref<640x128xf32, #tpu.memory_space<hbm>>) dst(%dma_wait3A_41 : memref<640x128xf32, #tpu.memory_space<vmem_shared>>)
      tpu.yield
    }) : () -> ()
    %barrier3A = arith.constant 0 : index
    tpu.barrier barrier_id(%barrier3A)
    %dma_start3A = arith.constant 0 : i32
    %dma_start3A_7 = arith.constant 0 : i32
    %dma_start3A_8 = arith.constant 0 : i32
    %dma_start3A_9 = tpu.memref_slice %arg9[%dma_start3A, %dma_start3A_7, %dma_start3A_8] : memref<2x80x128xf32, #tpu.memory_space<vmem>> -> memref<1x80x128xf32, #tpu.memory_space<vmem>>
    %dma_start3A_10 = tpu.memref_squeeze %dma_start3A_9 : memref<1x80x128xf32, #tpu.memory_space<vmem>> -> memref<80x128xf32, #tpu.memory_space<vmem>>
    %dma_start3A_11 = arith.constant 0 : i32
    %dma_start3A_12 = tpu.memref_slice %arg7[%dma_start3A_11] : memref<10240xi32, #tpu.memory_space<vmem>> -> memref<80xi32, #tpu.memory_space<vmem>>
    %dma_start3A_13 = arith.constant 0 : i32
    %dma_start3A_14 = arith.constant 0 : i32
    %dma_start3A_15 = tpu.memref_slice %arg5[%dma_start3A_13, %dma_start3A_14] : memref<10240x128xf32, #tpu.memory_space<hbm>> -> memref<10240x128xf32, #tpu.memory_space<hbm>>
    tpu.enqueue_indirect_dma source(%dma_start3A_15 : memref<10240x128xf32, #tpu.memory_space<hbm>>) target(%dma_start3A_10 : memref<80x128xf32, #tpu.memory_space<vmem>>) offsets(%dma_start3A_12 : memref<80xi32, #tpu.memory_space<vmem>>) semaphore(%arg10 : memref<!tpu.dma_semaphore, #tpu.memory_space<semaphore_mem>>)
    %scan3A = arith.constant 0 : i32
    %scan3A_16 = arith.constant 0 : i32
    %scan3A_17 = arith.constant 64 : i32
    %scan3A_18 = arith.addi %scan3A_16, %scan3A_17 : i32
    %scan3A_19 = arith.constant 1 : i32
    scf.for %scan3A_38 = %scan3A_16 to %scan3A_18 step %scan3A_19  : i32 {
      %mul3A_39 = arith.constant 2 : i32
      %mul3A_40 = arith.muli %mul3A_39, %scan3A_38 : i32
      %add3A_41 = arith.constant 1 : i32
      %add3A_42 = arith.addi %mul3A_40, %add3A_41 : i32
      %mul3A_43 = arith.constant 80 : i32
      %mul3A_44 = arith.muli %add3A_42, %mul3A_43 : i32
      %dma_start3A_45 = arith.constant 1 : i32
      %dma_start3A_46 = arith.constant 0 : i32
      %dma_start3A_47 = arith.constant 0 : i32
      %dma_start3A_48 = tpu.memref_slice %arg9[%dma_start3A_45, %dma_start3A_46, %dma_start3A_47] : memref<2x80x128xf32, #tpu.memory_space<vmem>> -> memref<1x80x128xf32, #tpu.memory_space<vmem>>
      %dma_start3A_49 = tpu.memref_squeeze %dma_start3A_48 : memref<1x80x128xf32, #tpu.memory_space<vmem>> -> memref<80x128xf32, #tpu.memory_space<vmem>>
      %dma_start3A_50 = tpu.memref_slice %arg7[%mul3A_44] : memref<10240xi32, #tpu.memory_space<vmem>> -> memref<80xi32, #tpu.memory_space<vmem>>
      %dma_start3A_51 = arith.constant 0 : i32
      %dma_start3A_52 = arith.constant 0 : i32
      %dma_start3A_53 = tpu.memref_slice %arg5[%dma_start3A_51, %dma_start3A_52] : memref<10240x128xf32, #tpu.memory_space<hbm>> -> memref<10240x128xf32, #tpu.memory_space<hbm>>
      tpu.enqueue_indirect_dma source(%dma_start3A_53 : memref<10240x128xf32, #tpu.memory_space<hbm>>) target(%dma_start3A_49 : memref<80x128xf32, #tpu.memory_space<vmem>>) offsets(%dma_start3A_50 : memref<80xi32, #tpu.memory_space<vmem>>) semaphore(%arg11 : memref<!tpu.dma_semaphore, #tpu.memory_space<semaphore_mem>>)
      %mul3A_54 = arith.constant 80 : i32
      %mul3A_55 = arith.muli %mul3A_40, %mul3A_54 : i32
      %dma_wait3A_56 = arith.constant 0 : i32
      %dma_wait3A_57 = arith.constant 0 : i32
      %dma_wait3A_58 = arith.constant 0 : i32
      %dma_wait3A_59 = tpu.memref_slice %arg9[%dma_wait3A_56, %dma_wait3A_57, %dma_wait3A_58] : memref<2x80x128xf32, #tpu.memory_space<vmem>> -> memref<1x80x128xf32, #tpu.memory_space<vmem>>
      %dma_wait3A_60 = tpu.memref_squeeze %dma_wait3A_59 : memref<1x80x128xf32, #tpu.memory_space<vmem>> -> memref<80x128xf32, #tpu.memory_space<vmem>>
      %dma_wait3A_61 = tpu.memref_slice %arg7[%mul3A_55] : memref<10240xi32, #tpu.memory_space<vmem>> -> memref<80xi32, #tpu.memory_space<vmem>>
      %dma_wait3A_62 = arith.constant 0 : i32
      %dma_wait3A_63 = arith.constant 0 : i32
      %dma_wait3A_64 = tpu.memref_slice %arg5[%dma_wait3A_62, %dma_wait3A_63] : memref<10240x128xf32, #tpu.memory_space<hbm>> -> memref<10240x128xf32, #tpu.memory_space<hbm>>
      tpu.wait_indirect_dma semaphore(%arg10 : memref<!tpu.dma_semaphore, #tpu.memory_space<semaphore_mem>>) src(%dma_wait3A_64 : memref<10240x128xf32, #tpu.memory_space<hbm>>) dst(%dma_wait3A_60 : memref<80x128xf32, #tpu.memory_space<vmem>>)
      %run_scoped3A = arith.constant 0 : i32
      "tpu.region"() ({
        %run_scoped3A_95 = tpu.sem_alloc : memref<!tpu.dma_semaphore, #tpu.memory_space<semaphore_mem>>
        %dma_start3A_96 = arith.constant 0 : i32
        %dma_start3A_97 = arith.constant 0 : i32
        %dma_start3A_98 = tpu.memref_slice %arg9[%run_scoped3A, %dma_start3A_96, %dma_start3A_97] : memref<2x80x128xf32, #tpu.memory_space<vmem>> -> memref<1x80x128xf32, #tpu.memory_space<vmem>>
        %dma_start3A_99 = tpu.memref_squeeze %dma_start3A_98 : memref<1x80x128xf32, #tpu.memory_space<vmem>> -> memref<80x128xf32, #tpu.memory_space<vmem>>
        %dma_start3A_100 = arith.constant 0 : i32
        %dma_start3A_101 = tpu.memref_slice %arg8[%mul3A_40, %dma_start3A_100] : memref<128x80xi32, #tpu.memory_space<vmem>> -> memref<1x80xi32, #tpu.memory_space<vmem>>
        %dma_start3A_102 = tpu.memref_squeeze %dma_start3A_101 : memref<1x80xi32, #tpu.memory_space<vmem>> -> memref<80xi32, #tpu.memory_space<vmem>>
        %dma_start3A_103 = arith.constant 0 : i32
        %dma_start3A_104 = arith.constant 0 : i32
        %dma_start3A_105 = tpu.memref_slice %arg12[%dma_start3A_103, %dma_start3A_104] : memref<10240x128xf32, #tpu.memory_space<vmem_shared>> -> memref<10240x128xf32, #tpu.memory_space<vmem_shared>>
        tpu.enqueue_indirect_dma source(%dma_start3A_99 : memref<80x128xf32, #tpu.memory_space<vmem>>) target(%dma_start3A_105 : memref<10240x128xf32, #tpu.memory_space<vmem_shared>>) offsets(%dma_start3A_102 : memref<80xi32, #tpu.memory_space<vmem>>) semaphore(%run_scoped3A_95 : memref<!tpu.dma_semaphore, #tpu.memory_space<semaphore_mem>>) {add = true}
        %dma_wait3A_106 = arith.constant 0 : i32
        %dma_wait3A_107 = arith.constant 0 : i32
        %dma_wait3A_108 = tpu.memref_slice %arg9[%run_scoped3A, %dma_wait3A_106, %dma_wait3A_107] : memref<2x80x128xf32, #tpu.memory_space<vmem>> -> memref<1x80x128xf32, #tpu.memory_space<vmem>>
        %dma_wait3A_109 = tpu.memref_squeeze %dma_wait3A_108 : memref<1x80x128xf32, #tpu.memory_space<vmem>> -> memref<80x128xf32, #tpu.memory_space<vmem>>
        %dma_wait3A_110 = arith.constant 0 : i32
        %dma_wait3A_111 = tpu.memref_slice %arg8[%mul3A_40, %dma_wait3A_110] : memref<128x80xi32, #tpu.memory_space<vmem>> -> memref<1x80xi32, #tpu.memory_space<vmem>>
        %dma_wait3A_112 = tpu.memref_squeeze %dma_wait3A_111 : memref<1x80xi32, #tpu.memory_space<vmem>> -> memref<80xi32, #tpu.memory_space<vmem>>
        %dma_wait3A_113 = arith.constant 0 : i32
        %dma_wait3A_114 = arith.constant 0 : i32
        %dma_wait3A_115 = tpu.memref_slice %arg12[%dma_wait3A_113, %dma_wait3A_114] : memref<10240x128xf32, #tpu.memory_space<vmem_shared>> -> memref<10240x128xf32, #tpu.memory_space<vmem_shared>>
        tpu.wait_indirect_dma semaphore(%run_scoped3A_95 : memref<!tpu.dma_semaphore, #tpu.memory_space<semaphore_mem>>) src(%dma_wait3A_109 : memref<80x128xf32, #tpu.memory_space<vmem>>) dst(%dma_wait3A_115 : memref<10240x128xf32, #tpu.memory_space<vmem_shared>>)
        tpu.yield
      }) : () -> ()
      %add3A_65 = arith.constant 2 : i32
      %add3A_66 = arith.addi %mul3A_40, %add3A_65 : i32
      %min3A = arith.constant 126 : i32
      %min3A_67 = arith.minsi %add3A_66, %min3A : i32
      %mul3A_68 = arith.constant 80 : i32
      %mul3A_69 = arith.muli %min3A_67, %mul3A_68 : i32
      %dma_start3A_70 = arith.constant 0 : i32
      %dma_start3A_71 = arith.constant 0 : i32
      %dma_start3A_72 = arith.constant 0 : i32
      %dma_start3A_73 = tpu.memref_slice %arg9[%dma_start3A_70, %dma_start3A_71, %dma_start3A_72] : memref<2x80x128xf32, #tpu.memory_space<vmem>> -> memref<1x80x128xf32, #tpu.memory_space<vmem>>
      %dma_start3A_74 = tpu.memref_squeeze %dma_start3A_73 : memref<1x80x128xf32, #tpu.memory_space<vmem>> -> memref<80x128xf32, #tpu.memory_space<vmem>>
      %dma_start3A_75 = tpu.memref_slice %arg7[%mul3A_69] : memref<10240xi32, #tpu.memory_space<vmem>> -> memref<80xi32, #tpu.memory_space<vmem>>
      %dma_start3A_76 = arith.constant 0 : i32
      %dma_start3A_77 = arith.constant 0 : i32
      %dma_start3A_78 = tpu.memref_slice %arg5[%dma_start3A_76, %dma_start3A_77] : memref<10240x128xf32, #tpu.memory_space<hbm>> -> memref<10240x128xf32, #tpu.memory_space<hbm>>
      tpu.enqueue_indirect_dma source(%dma_start3A_78 : memref<10240x128xf32, #tpu.memory_space<hbm>>) target(%dma_start3A_74 : memref<80x128xf32, #tpu.memory_space<vmem>>) offsets(%dma_start3A_75 : memref<80xi32, #tpu.memory_space<vmem>>) semaphore(%arg10 : memref<!tpu.dma_semaphore, #tpu.memory_space<semaphore_mem>>)
      %add3A_79 = arith.constant 1 : i32
      %add3A_80 = arith.addi %mul3A_40, %add3A_79 : i32
      %mul3A_81 = arith.constant 80 : i32
      %mul3A_82 = arith.muli %add3A_80, %mul3A_81 : i32
      %dma_wait3A_83 = arith.constant 1 : i32
      %dma_wait3A_84 = arith.constant 0 : i32
      %dma_wait3A_85 = arith.constant 0 : i32
      %dma_wait3A_86 = tpu.memref_slice %arg9[%dma_wait3A_83, %dma_wait3A_84, %dma_wait3A_85] : memref<2x80x128xf32, #tpu.memory_space<vmem>> -> memref<1x80x128xf32, #tpu.memory_space<vmem>>
      %dma_wait3A_87 = tpu.memref_squeeze %dma_wait3A_86 : memref<1x80x128xf32, #tpu.memory_space<vmem>> -> memref<80x128xf32, #tpu.memory_space<vmem>>
      %dma_wait3A_88 = tpu.memref_slice %arg7[%mul3A_82] : memref<10240xi32, #tpu.memory_space<vmem>> -> memref<80xi32, #tpu.memory_space<vmem>>
      %dma_wait3A_89 = arith.constant 0 : i32
      %dma_wait3A_90 = arith.constant 0 : i32
      %dma_wait3A_91 = tpu.memref_slice %arg5[%dma_wait3A_89, %dma_wait3A_90] : memref<10240x128xf32, #tpu.memory_space<hbm>> -> memref<10240x128xf32, #tpu.memory_space<hbm>>
      tpu.wait_indirect_dma semaphore(%arg11 : memref<!tpu.dma_semaphore, #tpu.memory_space<semaphore_mem>>) src(%dma_wait3A_91 : memref<10240x128xf32, #tpu.memory_space<hbm>>) dst(%dma_wait3A_87 : memref<80x128xf32, #tpu.memory_space<vmem>>)
      %add3A_92 = arith.constant 1 : i32
      %add3A_93 = arith.addi %mul3A_40, %add3A_92 : i32
      %run_scoped3A_94 = arith.constant 1 : i32
      "tpu.region"() ({
        %run_scoped3A_95 = tpu.sem_alloc : memref<!tpu.dma_semaphore, #tpu.memory_space<semaphore_mem>>
        %dma_start3A_96 = arith.constant 0 : i32
        %dma_start3A_97 = arith.constant 0 : i32
        %dma_start3A_98 = tpu.memref_slice %arg9[%run_scoped3A_94, %dma_start3A_96, %dma_start3A_97] : memref<2x80x128xf32, #tpu.memory_space<vmem>> -> memref<1x80x128xf32, #tpu.memory_space<vmem>>
        %dma_start3A_99 = tpu.memref_squeeze %dma_start3A_98 : memref<1x80x128xf32, #tpu.memory_space<vmem>> -> memref<80x128xf32, #tpu.memory_space<vmem>>
        %dma_start3A_100 = arith.constant 0 : i32
        %dma_start3A_101 = tpu.memref_slice %arg8[%add3A_93, %dma_start3A_100] : memref<128x80xi32, #tpu.memory_space<vmem>> -> memref<1x80xi32, #tpu.memory_space<vmem>>
        %dma_start3A_102 = tpu.memref_squeeze %dma_start3A_101 : memref<1x80xi32, #tpu.memory_space<vmem>> -> memref<80xi32, #tpu.memory_space<vmem>>
        %dma_start3A_103 = arith.constant 0 : i32
        %dma_start3A_104 = arith.constant 0 : i32
        %dma_start3A_105 = tpu.memref_slice %arg12[%dma_start3A_103, %dma_start3A_104] : memref<10240x128xf32, #tpu.memory_space<vmem_shared>> -> memref<10240x128xf32, #tpu.memory_space<vmem_shared>>
        tpu.enqueue_indirect_dma source(%dma_start3A_99 : memref<80x128xf32, #tpu.memory_space<vmem>>) target(%dma_start3A_105 : memref<10240x128xf32, #tpu.memory_space<vmem_shared>>) offsets(%dma_start3A_102 : memref<80xi32, #tpu.memory_space<vmem>>) semaphore(%run_scoped3A_95 : memref<!tpu.dma_semaphore, #tpu.memory_space<semaphore_mem>>) {add = true}
        %dma_wait3A_106 = arith.constant 0 : i32
        %dma_wait3A_107 = arith.constant 0 : i32
        %dma_wait3A_108 = tpu.memref_slice %arg9[%run_scoped3A_94, %dma_wait3A_106, %dma_wait3A_107] : memref<2x80x128xf32, #tpu.memory_space<vmem>> -> memref<1x80x128xf32, #tpu.memory_space<vmem>>
        %dma_wait3A_109 = tpu.memref_squeeze %dma_wait3A_108 : memref<1x80x128xf32, #tpu.memory_space<vmem>> -> memref<80x128xf32, #tpu.memory_space<vmem>>
        %dma_wait3A_110 = arith.constant 0 : i32
        %dma_wait3A_111 = tpu.memref_slice %arg8[%add3A_93, %dma_wait3A_110] : memref<128x80xi32, #tpu.memory_space<vmem>> -> memref<1x80xi32, #tpu.memory_space<vmem>>
        %dma_wait3A_112 = tpu.memref_squeeze %dma_wait3A_111 : memref<1x80xi32, #tpu.memory_space<vmem>> -> memref<80xi32, #tpu.memory_space<vmem>>
        %dma_wait3A_113 = arith.constant 0 : i32
        %dma_wait3A_114 = arith.constant 0 : i32
        %dma_wait3A_115 = tpu.memref_slice %arg12[%dma_wait3A_113, %dma_wait3A_114] : memref<10240x128xf32, #tpu.memory_space<vmem_shared>> -> memref<10240x128xf32, #tpu.memory_space<vmem_shared>>
        tpu.wait_indirect_dma semaphore(%run_scoped3A_95 : memref<!tpu.dma_semaphore, #tpu.memory_space<semaphore_mem>>) src(%dma_wait3A_109 : memref<80x128xf32, #tpu.memory_space<vmem>>) dst(%dma_wait3A_115 : memref<10240x128xf32, #tpu.memory_space<vmem_shared>>)
        tpu.yield
      }) : () -> ()
    }
    %scan3A_20 = arith.constant 64 : i32
    %dma_wait3A = arith.constant 0 : i32
    %dma_wait3A_21 = arith.constant 0 : i32
    %dma_wait3A_22 = arith.constant 0 : i32
    %dma_wait3A_23 = tpu.memref_slice %arg9[%dma_wait3A, %dma_wait3A_21, %dma_wait3A_22] : memref<2x80x128xf32, #tpu.memory_space<vmem>> -> memref<1x80x128xf32, #tpu.memory_space<vmem>>
    %dma_wait3A_24 = tpu.memref_squeeze %dma_wait3A_23 : memref<1x80x128xf32, #tpu.memory_space<vmem>> -> memref<80x128xf32, #tpu.memory_space<vmem>>
    %dma_wait3A_25 = arith.constant 0 : i32
    %dma_wait3A_26 = tpu.memref_slice %arg7[%dma_wait3A_25] : memref<10240xi32, #tpu.memory_space<vmem>> -> memref<80xi32, #tpu.memory_space<vmem>>
    %dma_wait3A_27 = arith.constant 0 : i32
    %dma_wait3A_28 = arith.constant 0 : i32
    %dma_wait3A_29 = tpu.memref_slice %arg5[%dma_wait3A_27, %dma_wait3A_28] : memref<10240x128xf32, #tpu.memory_space<hbm>> -> memref<10240x128xf32, #tpu.memory_space<hbm>>
    tpu.wait_indirect_dma semaphore(%arg10 : memref<!tpu.dma_semaphore, #tpu.memory_space<semaphore_mem>>) src(%dma_wait3A_29 : memref<10240x128xf32, #tpu.memory_space<hbm>>) dst(%dma_wait3A_24 : memref<80x128xf32, #tpu.memory_space<vmem>>)
    %barrier3A_30 = arith.constant 0 : index
    tpu.barrier barrier_id(%barrier3A_30)
    %mul3A_31 = arith.constant 640 : i32
    %mul3A_32 = arith.muli %arg1, %mul3A_31 : i32
    %mul3A_33 = arith.constant 10240 : i32
    %mul3A_34 = arith.muli %arg0, %mul3A_33 : i32
    %mul3A_35 = arith.constant 640 : i32
    %mul3A_36 = arith.muli %arg1, %mul3A_35 : i32
    %add3A_37 = arith.addi %mul3A_34, %mul3A_36 : i32
    "tpu.region"() ({
      %run_scoped3A = tpu.sem_alloc : memref<!tpu.dma_semaphore, #tpu.memory_space<semaphore_mem>>
      %dma_start3A_38 = arith.constant 0 : i32
      %dma_start3A_39 = tpu.memref_slice %arg6[%add3A_37, %dma_start3A_38] : memref<20480x128xf32, #tpu.memory_space<hbm>> -> memref<640x128xf32, #tpu.memory_space<hbm>>
      %dma_start3A_40 = arith.constant 0 : i32
      %dma_start3A_41 = tpu.memref_slice %arg12[%mul3A_32, %dma_start3A_40] : memref<10240x128xf32, #tpu.memory_space<vmem_shared>> -> memref<640x128xf32, #tpu.memory_space<vmem_shared>>
      tpu.enqueue_dma source(%dma_start3A_41 : memref<640x128xf32, #tpu.memory_space<vmem_shared>>) target(%dma_start3A_39 : memref<640x128xf32, #tpu.memory_space<hbm>>) target_semaphore(%run_scoped3A : memref<!tpu.dma_semaphore, #tpu.memory_space<semaphore_mem>>)
      %dma_wait3A_42 = arith.constant 0 : i32
      %dma_wait3A_43 = tpu.memref_slice %arg6[%add3A_37, %dma_wait3A_42] : memref<20480x128xf32, #tpu.memory_space<hbm>> -> memref<640x128xf32, #tpu.memory_space<hbm>>
      %dma_wait3A_44 = arith.constant 0 : i32
      %dma_wait3A_45 = tpu.memref_slice %arg12[%mul3A_32, %dma_wait3A_44] : memref<10240x128xf32, #tpu.memory_space<vmem_shared>> -> memref<640x128xf32, #tpu.memory_space<vmem_shared>>
      tpu.wait_dma2 semaphore(%run_scoped3A : memref<!tpu.dma_semaphore, #tpu.memory_space<semaphore_mem>>) src(%dma_wait3A_45 : memref<640x128xf32, #tpu.memory_space<vmem_shared>>) dst(%dma_wait3A_43 : memref<640x128xf32, #tpu.memory_space<hbm>>)
      tpu.yield
    }) : () -> ()
    return
  }
}

#map = affine_map<(d0, d1) -> (0)>
module attributes {stable_mosaic.version = 14 : i64} {
  func.func @_bincount_body(%arg0: i32, %arg1: i32, %arg2: memref<327680xi32, #tpu.memory_space<hbm>>, %arg3: memref<327680xi32, #tpu.memory_space<hbm>>, %arg4: memref<655360xf32, #tpu.memory_space<hbm>>, %arg5: memref<10240xi32, #tpu.memory_space<vmem>>, %arg6: memref<10240xi32, #tpu.memory_space<vmem>>, %arg7: memref<10240xf32, #tpu.memory_space<vmem>>, %arg8: memref<10240xf32, #tpu.memory_space<vmem>>) attributes {dimension_semantics = [#tpu.dimension_semantics<core_parallel>, #tpu.dimension_semantics<subcore_parallel>], iteration_bounds = array<i64: 2, 16>, scalar_prefetch = 0 : i64, scratch_operands = 4 : i64, tpu.core_type = #tpu.core_type<sc_vector_subcore>, window_params = [{transform_indices = #map}, {transform_indices = #map}, {transform_indices = #map}]} {
    %mul3A = arith.constant 16 : i32
    %mul3A_0 = arith.muli %arg0, %mul3A : i32
    %add3A = arith.addi %mul3A_0, %arg1 : i32
    %mul3A_1 = arith.constant 10240 : i32
    %mul3A_2 = arith.muli %add3A, %mul3A_1 : i32
    "tpu.region"() ({
      %run_scoped3A = tpu.sem_alloc : memref<!tpu.dma_semaphore, #tpu.memory_space<semaphore_mem>>
      %dma_start3A = tpu.memref_slice %arg2[%mul3A_2] : memref<327680xi32, #tpu.memory_space<hbm>> -> memref<10240xi32, #tpu.memory_space<hbm>>
      %dma_start3A_25 = tpu.memref_slice %arg2[%mul3A_2] : memref<327680xi32, #tpu.memory_space<hbm>> -> memref<10240xi32, #tpu.memory_space<hbm>>
      tpu.enqueue_dma source(%dma_start3A_25 : memref<10240xi32, #tpu.memory_space<hbm>>) target(%arg5 : memref<10240xi32, #tpu.memory_space<vmem>>) target_semaphore(%run_scoped3A : memref<!tpu.dma_semaphore, #tpu.memory_space<semaphore_mem>>)
      %dma_wait3A = tpu.memref_slice %arg2[%mul3A_2] : memref<327680xi32, #tpu.memory_space<hbm>> -> memref<10240xi32, #tpu.memory_space<hbm>>
      %dma_wait3A_26 = tpu.memref_slice %arg2[%mul3A_2] : memref<327680xi32, #tpu.memory_space<hbm>> -> memref<10240xi32, #tpu.memory_space<hbm>>
      tpu.wait_dma2 semaphore(%run_scoped3A : memref<!tpu.dma_semaphore, #tpu.memory_space<semaphore_mem>>) src(%dma_wait3A_26 : memref<10240xi32, #tpu.memory_space<hbm>>) dst(%arg5 : memref<10240xi32, #tpu.memory_space<vmem>>)
      tpu.yield
    }) : () -> ()
    %mul3A_3 = arith.constant 10240 : i32
    %mul3A_4 = arith.muli %add3A, %mul3A_3 : i32
    "tpu.region"() ({
      %run_scoped3A = tpu.sem_alloc : memref<!tpu.dma_semaphore, #tpu.memory_space<semaphore_mem>>
      %dma_start3A = tpu.memref_slice %arg3[%mul3A_4] : memref<327680xi32, #tpu.memory_space<hbm>> -> memref<10240xi32, #tpu.memory_space<hbm>>
      %dma_start3A_25 = tpu.memref_slice %arg3[%mul3A_4] : memref<327680xi32, #tpu.memory_space<hbm>> -> memref<10240xi32, #tpu.memory_space<hbm>>
      tpu.enqueue_dma source(%dma_start3A_25 : memref<10240xi32, #tpu.memory_space<hbm>>) target(%arg6 : memref<10240xi32, #tpu.memory_space<vmem>>) target_semaphore(%run_scoped3A : memref<!tpu.dma_semaphore, #tpu.memory_space<semaphore_mem>>)
      %dma_wait3A = tpu.memref_slice %arg3[%mul3A_4] : memref<327680xi32, #tpu.memory_space<hbm>> -> memref<10240xi32, #tpu.memory_space<hbm>>
      %dma_wait3A_26 = tpu.memref_slice %arg3[%mul3A_4] : memref<327680xi32, #tpu.memory_space<hbm>> -> memref<10240xi32, #tpu.memory_space<hbm>>
      tpu.wait_dma2 semaphore(%run_scoped3A : memref<!tpu.dma_semaphore, #tpu.memory_space<semaphore_mem>>) src(%dma_wait3A_26 : memref<10240xi32, #tpu.memory_space<hbm>>) dst(%arg6 : memref<10240xi32, #tpu.memory_space<vmem>>)
      tpu.yield
    }) : () -> ()
    %broadcast_in_dim3A = arith.constant 0.000000e+00 : f32
    %broadcast_in_dim3A_5 = vector.broadcast %broadcast_in_dim3A : f32 to vector<16xf32>
    %scan3A = arith.constant 0 : i32
    %scan3A_6 = arith.constant 0 : i32
    %scan3A_7 = arith.constant 640 : i32
    %scan3A_8 = arith.addi %scan3A_6, %scan3A_7 : i32
    %scan3A_9 = arith.constant 1 : i32
    scf.for %scan3A_25 = %scan3A_6 to %scan3A_8 step %scan3A_9  : i32 {
      %mul3A_26 = arith.constant 16 : i32
      %mul3A_27 = arith.muli %scan3A_25, %mul3A_26 : i32
      %swap3A = arith.index_cast %mul3A_27 : i32 to index
      %swap3A_28 = tpu.vector_load %arg7[%swap3A] {strides = array<i32>} : memref<10240xf32, #tpu.memory_space<vmem>>, vector<16xf32>,
      tpu.vector_store %arg7[%swap3A], %broadcast_in_dim3A_5 {strides = array<i32>} : memref<10240xf32, #tpu.memory_space<vmem>>, vector<16xf32>,
      %mul3A_29 = arith.constant 16 : i32
      %mul3A_30 = arith.muli %scan3A_25, %mul3A_29 : i32
      %swap3A_31 = arith.index_cast %mul3A_30 : i32 to index
      %swap3A_32 = tpu.vector_load %arg8[%swap3A_31] {strides = array<i32>} : memref<10240xf32, #tpu.memory_space<vmem>>, vector<16xf32>,
      tpu.vector_store %arg8[%swap3A_31], %broadcast_in_dim3A_5 {strides = array<i32>} : memref<10240xf32, #tpu.memory_space<vmem>>, vector<16xf32>,
    }
    %scan3A_10 = arith.constant 640 : i32
    %broadcast_in_dim3A_11 = arith.constant 1.000000e+00 : f32
    %broadcast_in_dim3A_12 = vector.broadcast %broadcast_in_dim3A_11 : f32 to vector<16xf32>
    %scan3A_13 = arith.constant 0 : i32
    %scan3A_14 = arith.constant 0 : i32
    %scan3A_15 = arith.constant 640 : i32
    %scan3A_16 = arith.addi %scan3A_14, %scan3A_15 : i32
    %scan3A_17 = arith.constant 1 : i32
    scf.for %scan3A_25 = %scan3A_14 to %scan3A_16 step %scan3A_17  : i32 {
      %mul3A_26 = arith.constant 16 : i32
      %mul3A_27 = arith.muli %scan3A_25, %mul3A_26 : i32
      %get3A = arith.index_cast %mul3A_27 : i32 to index
      %get3A_28 = tpu.vector_load %arg5[%get3A] {strides = array<i32>} : memref<10240xi32, #tpu.memory_space<vmem>>, vector<16xi32>,
      tpu.vector_store_idx %arg7[%get3A_28], %broadcast_in_dim3A_12 {add = true} : memref<10240xf32, #tpu.memory_space<vmem>>[vector<16xi32>], vector<16xf32>,
      %mul3A_29 = arith.constant 16 : i32
      %mul3A_30 = arith.muli %scan3A_25, %mul3A_29 : i32
      %get3A_31 = arith.index_cast %mul3A_30 : i32 to index
      %get3A_32 = tpu.vector_load %arg6[%get3A_31] {strides = array<i32>} : memref<10240xi32, #tpu.memory_space<vmem>>, vector<16xi32>,
      tpu.vector_store_idx %arg8[%get3A_32], %broadcast_in_dim3A_12 {add = true} : memref<10240xf32, #tpu.memory_space<vmem>>[vector<16xi32>], vector<16xf32>,
    }
    %scan3A_18 = arith.constant 640 : i32
    %mul3A_19 = arith.constant 10240 : i32
    %mul3A_20 = arith.muli %add3A, %mul3A_19 : i32
    "tpu.region"() ({
      %run_scoped3A = tpu.sem_alloc : memref<!tpu.dma_semaphore, #tpu.memory_space<semaphore_mem>>
      %dma_start3A = tpu.memref_slice %arg4[%mul3A_20] : memref<655360xf32, #tpu.memory_space<hbm>> -> memref<10240xf32, #tpu.memory_space<hbm>>
      %dma_start3A_25 = tpu.memref_slice %arg4[%mul3A_20] : memref<655360xf32, #tpu.memory_space<hbm>> -> memref<10240xf32, #tpu.memory_space<hbm>>
      tpu.enqueue_dma source(%arg7 : memref<10240xf32, #tpu.memory_space<vmem>>) target(%dma_start3A_25 : memref<10240xf32, #tpu.memory_space<hbm>>) target_semaphore(%run_scoped3A : memref<!tpu.dma_semaphore, #tpu.memory_space<semaphore_mem>>)
      %dma_wait3A = tpu.memref_slice %arg4[%mul3A_20] : memref<655360xf32, #tpu.memory_space<hbm>> -> memref<10240xf32, #tpu.memory_space<hbm>>
      %dma_wait3A_26 = tpu.memref_slice %arg4[%mul3A_20] : memref<655360xf32, #tpu.memory_space<hbm>> -> memref<10240xf32, #tpu.memory_space<hbm>>
      tpu.wait_dma2 semaphore(%run_scoped3A : memref<!tpu.dma_semaphore, #tpu.memory_space<semaphore_mem>>) src(%arg7 : memref<10240xf32, #tpu.memory_space<vmem>>) dst(%dma_wait3A_26 : memref<10240xf32, #tpu.memory_space<hbm>>)
      tpu.yield
    }) : () -> ()
    %add3A_21 = arith.constant 32 : i32
    %add3A_22 = arith.addi %add3A_21, %add3A : i32
    %mul3A_23 = arith.constant 10240 : i32
    %mul3A_24 = arith.muli %add3A_22, %mul3A_23 : i32
    "tpu.region"() ({
      %run_scoped3A = tpu.sem_alloc : memref<!tpu.dma_semaphore, #tpu.memory_space<semaphore_mem>>
      %dma_start3A = tpu.memref_slice %arg4[%mul3A_24] : memref<655360xf32, #tpu.memory_space<hbm>> -> memref<10240xf32, #tpu.memory_space<hbm>>
      %dma_start3A_25 = tpu.memref_slice %arg4[%mul3A_24] : memref<655360xf32, #tpu.memory_space<hbm>> -> memref<10240xf32, #tpu.memory_space<hbm>>
      tpu.enqueue_dma source(%arg8 : memref<10240xf32, #tpu.memory_space<vmem>>) target(%dma_start3A_25 : memref<10240xf32, #tpu.memory_space<hbm>>) target_semaphore(%run_scoped3A : memref<!tpu.dma_semaphore, #tpu.memory_space<semaphore_mem>>)
      %dma_wait3A = tpu.memref_slice %arg4[%mul3A_24] : memref<655360xf32, #tpu.memory_space<hbm>> -> memref<10240xf32, #tpu.memory_space<hbm>>
      %dma_wait3A_26 = tpu.memref_slice %arg4[%mul3A_24] : memref<655360xf32, #tpu.memory_space<hbm>> -> memref<10240xf32, #tpu.memory_space<hbm>>
      tpu.wait_dma2 semaphore(%run_scoped3A : memref<!tpu.dma_semaphore, #tpu.memory_space<semaphore_mem>>) src(%arg8 : memref<10240xf32, #tpu.memory_space<vmem>>) dst(%dma_wait3A_26 : memref<10240xf32, #tpu.memory_space<hbm>>)
      tpu.yield
    }) : () -> ()
    return
  }
}

#map = affine_map<(d0, d1) -> (0)>
#map1 = affine_map<(d0, d1) -> (0, 0)>
module attributes {stable_mosaic.version = 14 : i64} {
  func.func @body(%arg0: i32, %arg1: i32, %arg2: memref<327680xi32, #tpu.memory_space<hbm>>, %arg3: memref<4096x80xi32, #tpu.memory_space<hbm>>, %arg4: memref<640x128xf32, #tpu.memory_space<hbm>>, %arg5: memref<10240x128xf32, #tpu.memory_space<hbm>>, %arg6: memref<20480x128xf32, #tpu.memory_space<hbm>>, %arg7: memref<10240xi32, #tpu.memory_space<vmem>>, %arg8: memref<128x80xi32, #tpu.memory_space<vmem>>, %arg9: memref<2x80x128xf32, #tpu.memory_space<vmem>>, %arg10: memref<!tpu.dma_semaphore, #tpu.memory_space<semaphore_mem>>, %arg11: memref<!tpu.dma_semaphore, #tpu.memory_space<semaphore_mem>>, %arg12: memref<10240x128xf32, #tpu.memory_space<vmem_shared>>) attributes {dimension_semantics = [#tpu.dimension_semantics<core_parallel>, #tpu.dimension_semantics<subcore_parallel>], iteration_bounds = array<i64: 2, 16>, scalar_prefetch = 0 : i64, scratch_operands = 6 : i64, tpu.core_type = #tpu.core_type<sc_vector_subcore>, window_params = [{transform_indices = #map}, {transform_indices = #map1}, {transform_indices = #map1}, {transform_indices = #map1}, {transform_indices = #map1}]} {
    %mul3A = arith.constant 16 : i32
    %mul3A_0 = arith.muli %arg0, %mul3A : i32
    %add3A = arith.addi %mul3A_0, %arg1 : i32
    %mul3A_1 = arith.constant 10240 : i32
    %mul3A_2 = arith.muli %add3A, %mul3A_1 : i32
    "tpu.region"() ({
      %run_scoped3A = tpu.sem_alloc : memref<!tpu.dma_semaphore, #tpu.memory_space<semaphore_mem>>
      %dma_start3A_38 = tpu.memref_slice %arg2[%mul3A_2] : memref<327680xi32, #tpu.memory_space<hbm>> -> memref<10240xi32, #tpu.memory_space<hbm>>
      %dma_start3A_39 = tpu.memref_slice %arg2[%mul3A_2] : memref<327680xi32, #tpu.memory_space<hbm>> -> memref<10240xi32, #tpu.memory_space<hbm>>
      tpu.enqueue_dma source(%dma_start3A_39 : memref<10240xi32, #tpu.memory_space<hbm>>) target(%arg7 : memref<10240xi32, #tpu.memory_space<vmem>>) target_semaphore(%run_scoped3A : memref<!tpu.dma_semaphore, #tpu.memory_space<semaphore_mem>>)
      %dma_wait3A_40 = tpu.memref_slice %arg2[%mul3A_2] : memref<327680xi32, #tpu.memory_space<hbm>> -> memref<10240xi32, #tpu.memory_space<hbm>>
      %dma_wait3A_41 = tpu.memref_slice %arg2[%mul3A_2] : memref<327680xi32, #tpu.memory_space<hbm>> -> memref<10240xi32, #tpu.memory_space<hbm>>
      tpu.wait_dma2 semaphore(%run_scoped3A : memref<!tpu.dma_semaphore, #tpu.memory_space<semaphore_mem>>) src(%dma_wait3A_41 : memref<10240xi32, #tpu.memory_space<hbm>>) dst(%arg7 : memref<10240xi32, #tpu.memory_space<vmem>>)
      tpu.yield
    }) : () -> ()
    %mul3A_3 = arith.constant 128 : i32
    %mul3A_4 = arith.muli %add3A, %mul3A_3 : i32
    "tpu.region"() ({
      %run_scoped3A = tpu.sem_alloc : memref<!tpu.dma_semaphore, #tpu.memory_space<semaphore_mem>>
      %dma_start3A_38 = arith.constant 0 : i32
      %dma_start3A_39 = tpu.memref_slice %arg3[%mul3A_4, %dma_start3A_38] : memref<4096x80xi32, #tpu.memory_space<hbm>> -> memref<128x80xi32, #tpu.memory_space<hbm>>
      %dma_start3A_40 = arith.constant 0 : i32
      %dma_start3A_41 = tpu.memref_slice %arg3[%mul3A_4, %dma_start3A_40] : memref<4096x80xi32, #tpu.memory_space<hbm>> -> memref<128x80xi32, #tpu.memory_space<hbm>>
      tpu.enqueue_dma source(%dma_start3A_41 : memref<128x80xi32, #tpu.memory_space<hbm>>) target(%arg8 : memref<128x80xi32, #tpu.memory_space<vmem>>) target_semaphore(%run_scoped3A : memref<!tpu.dma_semaphore, #tpu.memory_space<semaphore_mem>>)
      %dma_wait3A_42 = arith.constant 0 : i32
      %dma_wait3A_43 = tpu.memref_slice %arg3[%mul3A_4, %dma_wait3A_42] : memref<4096x80xi32, #tpu.memory_space<hbm>> -> memref<128x80xi32, #tpu.memory_space<hbm>>
      %dma_wait3A_44 = arith.constant 0 : i32
      %dma_wait3A_45 = tpu.memref_slice %arg3[%mul3A_4, %dma_wait3A_44] : memref<4096x80xi32, #tpu.memory_space<hbm>> -> memref<128x80xi32, #tpu.memory_space<hbm>>
      tpu.wait_dma2 semaphore(%run_scoped3A : memref<!tpu.dma_semaphore, #tpu.memory_space<semaphore_mem>>) src(%dma_wait3A_45 : memref<128x80xi32, #tpu.memory_space<hbm>>) dst(%arg8 : memref<128x80xi32, #tpu.memory_space<vmem>>)
      tpu.yield
    }) : () -> ()
    %mul3A_5 = arith.constant 640 : i32
    %mul3A_6 = arith.muli %arg1, %mul3A_5 : i32
    "tpu.region"() ({
      %run_scoped3A = tpu.sem_alloc : memref<!tpu.dma_semaphore, #tpu.memory_space<semaphore_mem>>
      %dma_start3A_38 = arith.constant 0 : i32
      %dma_start3A_39 = tpu.memref_slice %arg12[%mul3A_6, %dma_start3A_38] : memref<10240x128xf32, #tpu.memory_space<vmem_shared>> -> memref<640x128xf32, #tpu.memory_space<vmem_shared>>
      tpu.enqueue_dma source(%arg4 : memref<640x128xf32, #tpu.memory_space<hbm>>) target(%dma_start3A_39 : memref<640x128xf32, #tpu.memory_space<vmem_shared>>) target_semaphore(%run_scoped3A : memref<!tpu.dma_semaphore, #tpu.memory_space<semaphore_mem>>)
      %dma_wait3A_40 = arith.constant 0 : i32
      %dma_wait3A_41 = tpu.memref_slice %arg12[%mul3A_6, %dma_wait3A_40] : memref<10240x128xf32, #tpu.memory_space<vmem_shared>> -> memref<640x128xf32, #tpu.memory_space<vmem_shared>>
      tpu.wait_dma2 semaphore(%run_scoped3A : memref<!tpu.dma_semaphore, #tpu.memory_space<semaphore_mem>>) src(%arg4 : memref<640x128xf32, #tpu.memory_space<hbm>>) dst(%dma_wait3A_41 : memref<640x128xf32, #tpu.memory_space<vmem_shared>>)
      tpu.yield
    }) : () -> ()
    %barrier3A = arith.constant 0 : index
    tpu.barrier barrier_id(%barrier3A)
    %dma_start3A = arith.constant 0 : i32
    %dma_start3A_7 = arith.constant 0 : i32
    %dma_start3A_8 = arith.constant 0 : i32
    %dma_start3A_9 = tpu.memref_slice %arg9[%dma_start3A, %dma_start3A_7, %dma_start3A_8] : memref<2x80x128xf32, #tpu.memory_space<vmem>> -> memref<1x80x128xf32, #tpu.memory_space<vmem>>
    %dma_start3A_10 = tpu.memref_squeeze %dma_start3A_9 : memref<1x80x128xf32, #tpu.memory_space<vmem>> -> memref<80x128xf32, #tpu.memory_space<vmem>>
    %dma_start3A_11 = arith.constant 0 : i32
    %dma_start3A_12 = tpu.memref_slice %arg7[%dma_start3A_11] : memref<10240xi32, #tpu.memory_space<vmem>> -> memref<80xi32, #tpu.memory_space<vmem>>
    %dma_start3A_13 = arith.constant 0 : i32
    %dma_start3A_14 = arith.constant 0 : i32
    %dma_start3A_15 = tpu.memref_slice %arg5[%dma_start3A_13, %dma_start3A_14] : memref<10240x128xf32, #tpu.memory_space<hbm>> -> memref<10240x128xf32, #tpu.memory_space<hbm>>
    tpu.enqueue_indirect_dma source(%dma_start3A_15 : memref<10240x128xf32, #tpu.memory_space<hbm>>) target(%dma_start3A_10 : memref<80x128xf32, #tpu.memory_space<vmem>>) offsets(%dma_start3A_12 : memref<80xi32, #tpu.memory_space<vmem>>) semaphore(%arg10 : memref<!tpu.dma_semaphore, #tpu.memory_space<semaphore_mem>>)
    %scan3A = arith.constant 0 : i32
    %scan3A_16 = arith.constant 0 : i32
    %scan3A_17 = arith.constant 64 : i32
    %scan3A_18 = arith.addi %scan3A_16, %scan3A_17 : i32
    %scan3A_19 = arith.constant 1 : i32
    scf.for %scan3A_38 = %scan3A_16 to %scan3A_18 step %scan3A_19  : i32 {
      %mul3A_39 = arith.constant 2 : i32
      %mul3A_40 = arith.muli %mul3A_39, %scan3A_38 : i32
      %add3A_41 = arith.constant 1 : i32
      %add3A_42 = arith.addi %mul3A_40, %add3A_41 : i32
      %mul3A_43 = arith.constant 80 : i32
      %mul3A_44 = arith.muli %add3A_42, %mul3A_43 : i32
      %dma_start3A_45 = arith.constant 1 : i32
      %dma_start3A_46 = arith.constant 0 : i32
      %dma_start3A_47 = arith.constant 0 : i32
      %dma_start3A_48 = tpu.memref_slice %arg9[%dma_start3A_45, %dma_start3A_46, %dma_start3A_47] : memref<2x80x128xf32, #tpu.memory_space<vmem>> -> memref<1x80x128xf32, #tpu.memory_space<vmem>>
      %dma_start3A_49 = tpu.memref_squeeze %dma_start3A_48 : memref<1x80x128xf32, #tpu.memory_space<vmem>> -> memref<80x128xf32, #tpu.memory_space<vmem>>
      %dma_start3A_50 = tpu.memref_slice %arg7[%mul3A_44] : memref<10240xi32, #tpu.memory_space<vmem>> -> memref<80xi32, #tpu.memory_space<vmem>>
      %dma_start3A_51 = arith.constant 0 : i32
      %dma_start3A_52 = arith.constant 0 : i32
      %dma_start3A_53 = tpu.memref_slice %arg5[%dma_start3A_51, %dma_start3A_52] : memref<10240x128xf32, #tpu.memory_space<hbm>> -> memref<10240x128xf32, #tpu.memory_space<hbm>>
      tpu.enqueue_indirect_dma source(%dma_start3A_53 : memref<10240x128xf32, #tpu.memory_space<hbm>>) target(%dma_start3A_49 : memref<80x128xf32, #tpu.memory_space<vmem>>) offsets(%dma_start3A_50 : memref<80xi32, #tpu.memory_space<vmem>>) semaphore(%arg11 : memref<!tpu.dma_semaphore, #tpu.memory_space<semaphore_mem>>)
      %mul3A_54 = arith.constant 80 : i32
      %mul3A_55 = arith.muli %mul3A_40, %mul3A_54 : i32
      %dma_wait3A_56 = arith.constant 0 : i32
      %dma_wait3A_57 = arith.constant 0 : i32
      %dma_wait3A_58 = arith.constant 0 : i32
      %dma_wait3A_59 = tpu.memref_slice %arg9[%dma_wait3A_56, %dma_wait3A_57, %dma_wait3A_58] : memref<2x80x128xf32, #tpu.memory_space<vmem>> -> memref<1x80x128xf32, #tpu.memory_space<vmem>>
      %dma_wait3A_60 = tpu.memref_squeeze %dma_wait3A_59 : memref<1x80x128xf32, #tpu.memory_space<vmem>> -> memref<80x128xf32, #tpu.memory_space<vmem>>
      %dma_wait3A_61 = tpu.memref_slice %arg7[%mul3A_55] : memref<10240xi32, #tpu.memory_space<vmem>> -> memref<80xi32, #tpu.memory_space<vmem>>
      %dma_wait3A_62 = arith.constant 0 : i32
      %dma_wait3A_63 = arith.constant 0 : i32
      %dma_wait3A_64 = tpu.memref_slice %arg5[%dma_wait3A_62, %dma_wait3A_63] : memref<10240x128xf32, #tpu.memory_space<hbm>> -> memref<10240x128xf32, #tpu.memory_space<hbm>>
      tpu.wait_indirect_dma semaphore(%arg10 : memref<!tpu.dma_semaphore, #tpu.memory_space<semaphore_mem>>) src(%dma_wait3A_64 : memref<10240x128xf32, #tpu.memory_space<hbm>>) dst(%dma_wait3A_60 : memref<80x128xf32, #tpu.memory_space<vmem>>)
      %run_scoped3A = arith.constant 0 : i32
      "tpu.region"() ({
        %run_scoped3A_95 = tpu.sem_alloc : memref<!tpu.dma_semaphore, #tpu.memory_space<semaphore_mem>>
        %dma_start3A_96 = arith.constant 0 : i32
        %dma_start3A_97 = arith.constant 0 : i32
        %dma_start3A_98 = tpu.memref_slice %arg9[%run_scoped3A, %dma_start3A_96, %dma_start3A_97] : memref<2x80x128xf32, #tpu.memory_space<vmem>> -> memref<1x80x128xf32, #tpu.memory_space<vmem>>
        %dma_start3A_99 = tpu.memref_squeeze %dma_start3A_98 : memref<1x80x128xf32, #tpu.memory_space<vmem>> -> memref<80x128xf32, #tpu.memory_space<vmem>>
        %dma_start3A_100 = arith.constant 0 : i32
        %dma_start3A_101 = tpu.memref_slice %arg8[%mul3A_40, %dma_start3A_100] : memref<128x80xi32, #tpu.memory_space<vmem>> -> memref<1x80xi32, #tpu.memory_space<vmem>>
        %dma_start3A_102 = tpu.memref_squeeze %dma_start3A_101 : memref<1x80xi32, #tpu.memory_space<vmem>> -> memref<80xi32, #tpu.memory_space<vmem>>
        %dma_start3A_103 = arith.constant 0 : i32
        %dma_start3A_104 = arith.constant 0 : i32
        %dma_start3A_105 = tpu.memref_slice %arg12[%dma_start3A_103, %dma_start3A_104] : memref<10240x128xf32, #tpu.memory_space<vmem_shared>> -> memref<10240x128xf32, #tpu.memory_space<vmem_shared>>
        tpu.enqueue_indirect_dma source(%dma_start3A_99 : memref<80x128xf32, #tpu.memory_space<vmem>>) target(%dma_start3A_105 : memref<10240x128xf32, #tpu.memory_space<vmem_shared>>) offsets(%dma_start3A_102 : memref<80xi32, #tpu.memory_space<vmem>>) semaphore(%run_scoped3A_95 : memref<!tpu.dma_semaphore, #tpu.memory_space<semaphore_mem>>) {add = true}
        %dma_wait3A_106 = arith.constant 0 : i32
        %dma_wait3A_107 = arith.constant 0 : i32
        %dma_wait3A_108 = tpu.memref_slice %arg9[%run_scoped3A, %dma_wait3A_106, %dma_wait3A_107] : memref<2x80x128xf32, #tpu.memory_space<vmem>> -> memref<1x80x128xf32, #tpu.memory_space<vmem>>
        %dma_wait3A_109 = tpu.memref_squeeze %dma_wait3A_108 : memref<1x80x128xf32, #tpu.memory_space<vmem>> -> memref<80x128xf32, #tpu.memory_space<vmem>>
        %dma_wait3A_110 = arith.constant 0 : i32
        %dma_wait3A_111 = tpu.memref_slice %arg8[%mul3A_40, %dma_wait3A_110] : memref<128x80xi32, #tpu.memory_space<vmem>> -> memref<1x80xi32, #tpu.memory_space<vmem>>
        %dma_wait3A_112 = tpu.memref_squeeze %dma_wait3A_111 : memref<1x80xi32, #tpu.memory_space<vmem>> -> memref<80xi32, #tpu.memory_space<vmem>>
        %dma_wait3A_113 = arith.constant 0 : i32
        %dma_wait3A_114 = arith.constant 0 : i32
        %dma_wait3A_115 = tpu.memref_slice %arg12[%dma_wait3A_113, %dma_wait3A_114] : memref<10240x128xf32, #tpu.memory_space<vmem_shared>> -> memref<10240x128xf32, #tpu.memory_space<vmem_shared>>
        tpu.wait_indirect_dma semaphore(%run_scoped3A_95 : memref<!tpu.dma_semaphore, #tpu.memory_space<semaphore_mem>>) src(%dma_wait3A_109 : memref<80x128xf32, #tpu.memory_space<vmem>>) dst(%dma_wait3A_115 : memref<10240x128xf32, #tpu.memory_space<vmem_shared>>)
        tpu.yield
      }) : () -> ()
      %add3A_65 = arith.constant 2 : i32
      %add3A_66 = arith.addi %mul3A_40, %add3A_65 : i32
      %min3A = arith.constant 126 : i32
      %min3A_67 = arith.minsi %add3A_66, %min3A : i32
      %mul3A_68 = arith.constant 80 : i32
      %mul3A_69 = arith.muli %min3A_67, %mul3A_68 : i32
      %dma_start3A_70 = arith.constant 0 : i32
      %dma_start3A_71 = arith.constant 0 : i32
      %dma_start3A_72 = arith.constant 0 : i32
      %dma_start3A_73 = tpu.memref_slice %arg9[%dma_start3A_70, %dma_start3A_71, %dma_start3A_72] : memref<2x80x128xf32, #tpu.memory_space<vmem>> -> memref<1x80x128xf32, #tpu.memory_space<vmem>>
      %dma_start3A_74 = tpu.memref_squeeze %dma_start3A_73 : memref<1x80x128xf32, #tpu.memory_space<vmem>> -> memref<80x128xf32, #tpu.memory_space<vmem>>
      %dma_start3A_75 = tpu.memref_slice %arg7[%mul3A_69] : memref<10240xi32, #tpu.memory_space<vmem>> -> memref<80xi32, #tpu.memory_space<vmem>>
      %dma_start3A_76 = arith.constant 0 : i32
      %dma_start3A_77 = arith.constant 0 : i32
      %dma_start3A_78 = tpu.memref_slice %arg5[%dma_start3A_76, %dma_start3A_77] : memref<10240x128xf32, #tpu.memory_space<hbm>> -> memref<10240x128xf32, #tpu.memory_space<hbm>>
      tpu.enqueue_indirect_dma source(%dma_start3A_78 : memref<10240x128xf32, #tpu.memory_space<hbm>>) target(%dma_start3A_74 : memref<80x128xf32, #tpu.memory_space<vmem>>) offsets(%dma_start3A_75 : memref<80xi32, #tpu.memory_space<vmem>>) semaphore(%arg10 : memref<!tpu.dma_semaphore, #tpu.memory_space<semaphore_mem>>)
      %add3A_79 = arith.constant 1 : i32
      %add3A_80 = arith.addi %mul3A_40, %add3A_79 : i32
      %mul3A_81 = arith.constant 80 : i32
      %mul3A_82 = arith.muli %add3A_80, %mul3A_81 : i32
      %dma_wait3A_83 = arith.constant 1 : i32
      %dma_wait3A_84 = arith.constant 0 : i32
      %dma_wait3A_85 = arith.constant 0 : i32
      %dma_wait3A_86 = tpu.memref_slice %arg9[%dma_wait3A_83, %dma_wait3A_84, %dma_wait3A_85] : memref<2x80x128xf32, #tpu.memory_space<vmem>> -> memref<1x80x128xf32, #tpu.memory_space<vmem>>
      %dma_wait3A_87 = tpu.memref_squeeze %dma_wait3A_86 : memref<1x80x128xf32, #tpu.memory_space<vmem>> -> memref<80x128xf32, #tpu.memory_space<vmem>>
      %dma_wait3A_88 = tpu.memref_slice %arg7[%mul3A_82] : memref<10240xi32, #tpu.memory_space<vmem>> -> memref<80xi32, #tpu.memory_space<vmem>>
      %dma_wait3A_89 = arith.constant 0 : i32
      %dma_wait3A_90 = arith.constant 0 : i32
      %dma_wait3A_91 = tpu.memref_slice %arg5[%dma_wait3A_89, %dma_wait3A_90] : memref<10240x128xf32, #tpu.memory_space<hbm>> -> memref<10240x128xf32, #tpu.memory_space<hbm>>
      tpu.wait_indirect_dma semaphore(%arg11 : memref<!tpu.dma_semaphore, #tpu.memory_space<semaphore_mem>>) src(%dma_wait3A_91 : memref<10240x128xf32, #tpu.memory_space<hbm>>) dst(%dma_wait3A_87 : memref<80x128xf32, #tpu.memory_space<vmem>>)
      %add3A_92 = arith.constant 1 : i32
      %add3A_93 = arith.addi %mul3A_40, %add3A_92 : i32
      %run_scoped3A_94 = arith.constant 1 : i32
      "tpu.region"() ({
        %run_scoped3A_95 = tpu.sem_alloc : memref<!tpu.dma_semaphore, #tpu.memory_space<semaphore_mem>>
        %dma_start3A_96 = arith.constant 0 : i32
        %dma_start3A_97 = arith.constant 0 : i32
        %dma_start3A_98 = tpu.memref_slice %arg9[%run_scoped3A_94, %dma_start3A_96, %dma_start3A_97] : memref<2x80x128xf32, #tpu.memory_space<vmem>> -> memref<1x80x128xf32, #tpu.memory_space<vmem>>
        %dma_start3A_99 = tpu.memref_squeeze %dma_start3A_98 : memref<1x80x128xf32, #tpu.memory_space<vmem>> -> memref<80x128xf32, #tpu.memory_space<vmem>>
        %dma_start3A_100 = arith.constant 0 : i32
        %dma_start3A_101 = tpu.memref_slice %arg8[%add3A_93, %dma_start3A_100] : memref<128x80xi32, #tpu.memory_space<vmem>> -> memref<1x80xi32, #tpu.memory_space<vmem>>
        %dma_start3A_102 = tpu.memref_squeeze %dma_start3A_101 : memref<1x80xi32, #tpu.memory_space<vmem>> -> memref<80xi32, #tpu.memory_space<vmem>>
        %dma_start3A_103 = arith.constant 0 : i32
        %dma_start3A_104 = arith.constant 0 : i32
        %dma_start3A_105 = tpu.memref_slice %arg12[%dma_start3A_103, %dma_start3A_104] : memref<10240x128xf32, #tpu.memory_space<vmem_shared>> -> memref<10240x128xf32, #tpu.memory_space<vmem_shared>>
        tpu.enqueue_indirect_dma source(%dma_start3A_99 : memref<80x128xf32, #tpu.memory_space<vmem>>) target(%dma_start3A_105 : memref<10240x128xf32, #tpu.memory_space<vmem_shared>>) offsets(%dma_start3A_102 : memref<80xi32, #tpu.memory_space<vmem>>) semaphore(%run_scoped3A_95 : memref<!tpu.dma_semaphore, #tpu.memory_space<semaphore_mem>>) {add = true}
        %dma_wait3A_106 = arith.constant 0 : i32
        %dma_wait3A_107 = arith.constant 0 : i32
        %dma_wait3A_108 = tpu.memref_slice %arg9[%run_scoped3A_94, %dma_wait3A_106, %dma_wait3A_107] : memref<2x80x128xf32, #tpu.memory_space<vmem>> -> memref<1x80x128xf32, #tpu.memory_space<vmem>>
        %dma_wait3A_109 = tpu.memref_squeeze %dma_wait3A_108 : memref<1x80x128xf32, #tpu.memory_space<vmem>> -> memref<80x128xf32, #tpu.memory_space<vmem>>
        %dma_wait3A_110 = arith.constant 0 : i32
        %dma_wait3A_111 = tpu.memref_slice %arg8[%add3A_93, %dma_wait3A_110] : memref<128x80xi32, #tpu.memory_space<vmem>> -> memref<1x80xi32, #tpu.memory_space<vmem>>
        %dma_wait3A_112 = tpu.memref_squeeze %dma_wait3A_111 : memref<1x80xi32, #tpu.memory_space<vmem>> -> memref<80xi32, #tpu.memory_space<vmem>>
        %dma_wait3A_113 = arith.constant 0 : i32
        %dma_wait3A_114 = arith.constant 0 : i32
        %dma_wait3A_115 = tpu.memref_slice %arg12[%dma_wait3A_113, %dma_wait3A_114] : memref<10240x128xf32, #tpu.memory_space<vmem_shared>> -> memref<10240x128xf32, #tpu.memory_space<vmem_shared>>
        tpu.wait_indirect_dma semaphore(%run_scoped3A_95 : memref<!tpu.dma_semaphore, #tpu.memory_space<semaphore_mem>>) src(%dma_wait3A_109 : memref<80x128xf32, #tpu.memory_space<vmem>>) dst(%dma_wait3A_115 : memref<10240x128xf32, #tpu.memory_space<vmem_shared>>)
        tpu.yield
      }) : () -> ()
    }
    %scan3A_20 = arith.constant 64 : i32
    %dma_wait3A = arith.constant 0 : i32
    %dma_wait3A_21 = arith.constant 0 : i32
    %dma_wait3A_22 = arith.constant 0 : i32
    %dma_wait3A_23 = tpu.memref_slice %arg9[%dma_wait3A, %dma_wait3A_21, %dma_wait3A_22] : memref<2x80x128xf32, #tpu.memory_space<vmem>> -> memref<1x80x128xf32, #tpu.memory_space<vmem>>
    %dma_wait3A_24 = tpu.memref_squeeze %dma_wait3A_23 : memref<1x80x128xf32, #tpu.memory_space<vmem>> -> memref<80x128xf32, #tpu.memory_space<vmem>>
    %dma_wait3A_25 = arith.constant 0 : i32
    %dma_wait3A_26 = tpu.memref_slice %arg7[%dma_wait3A_25] : memref<10240xi32, #tpu.memory_space<vmem>> -> memref<80xi32, #tpu.memory_space<vmem>>
    %dma_wait3A_27 = arith.constant 0 : i32
    %dma_wait3A_28 = arith.constant 0 : i32
    %dma_wait3A_29 = tpu.memref_slice %arg5[%dma_wait3A_27, %dma_wait3A_28] : memref<10240x128xf32, #tpu.memory_space<hbm>> -> memref<10240x128xf32, #tpu.memory_space<hbm>>
    tpu.wait_indirect_dma semaphore(%arg10 : memref<!tpu.dma_semaphore, #tpu.memory_space<semaphore_mem>>) src(%dma_wait3A_29 : memref<10240x128xf32, #tpu.memory_space<hbm>>) dst(%dma_wait3A_24 : memref<80x128xf32, #tpu.memory_space<vmem>>)
    %barrier3A_30 = arith.constant 0 : index
    tpu.barrier barrier_id(%barrier3A_30)
    %mul3A_31 = arith.constant 640 : i32
    %mul3A_32 = arith.muli %arg1, %mul3A_31 : i32
    %mul3A_33 = arith.constant 10240 : i32
    %mul3A_34 = arith.muli %arg0, %mul3A_33 : i32
    %mul3A_35 = arith.constant 640 : i32
    %mul3A_36 = arith.muli %arg1, %mul3A_35 : i32
    %add3A_37 = arith.addi %mul3A_34, %mul3A_36 : i32
    "tpu.region"() ({
      %run_scoped3A = tpu.sem_alloc : memref<!tpu.dma_semaphore, #tpu.memory_space<semaphore_mem>>
      %dma_start3A_38 = arith.constant 0 : i32
      %dma_start3A_39 = tpu.memref_slice %arg6[%add3A_37, %dma_start3A_38] : memref<20480x128xf32, #tpu.memory_space<hbm>> -> memref<640x128xf32, #tpu.memory_space<hbm>>
      %dma_start3A_40 = arith.constant 0 : i32
      %dma_start3A_41 = tpu.memref_slice %arg12[%mul3A_32, %dma_start3A_40] : memref<10240x128xf32, #tpu.memory_space<vmem_shared>> -> memref<640x128xf32, #tpu.memory_space<vmem_shared>>
      tpu.enqueue_dma source(%dma_start3A_41 : memref<640x128xf32, #tpu.memory_space<vmem_shared>>) target(%dma_start3A_39 : memref<640x128xf32, #tpu.memory_space<hbm>>) target_semaphore(%run_scoped3A : memref<!tpu.dma_semaphore, #tpu.memory_space<semaphore_mem>>)
      %dma_wait3A_42 = arith.constant 0 : i32
      %dma_wait3A_43 = tpu.memref_slice %arg6[%add3A_37, %dma_wait3A_42] : memref<20480x128xf32, #tpu.memory_space<hbm>> -> memref<640x128xf32, #tpu.memory_space<hbm>>
      %dma_wait3A_44 = arith.constant 0 : i32
      %dma_wait3A_45 = tpu.memref_slice %arg12[%mul3A_32, %dma_wait3A_44] : memref<10240x128xf32, #tpu.memory_space<vmem_shared>> -> memref<640x128xf32, #tpu.memory_space<vmem_shared>>
      tpu.wait_dma2 semaphore(%run_scoped3A : memref<!tpu.dma_semaphore, #tpu.memory_space<semaphore_mem>>) src(%dma_wait3A_45 : memref<640x128xf32, #tpu.memory_space<vmem_shared>>) dst(%dma_wait3A_43 : memref<640x128xf32, #tpu.memory_space<hbm>>)
      tpu.yield
    }) : () -> ()
    return
  }
}

#map = affine_map<(d0, d1) -> (0)>
#map1 = affine_map<(d0, d1) -> (0, 0)>
module attributes {stable_mosaic.version = 14 : i64} {
  func.func @body(%arg0: i32, %arg1: i32, %arg2: memref<327680xi32, #tpu.memory_space<hbm>>, %arg3: memref<4096x80xi32, #tpu.memory_space<hbm>>, %arg4: memref<640x128xf32, #tpu.memory_space<hbm>>, %arg5: memref<10240x128xf32, #tpu.memory_space<hbm>>, %arg6: memref<10240x128xf32, #tpu.memory_space<hbm>>, %arg7: memref<10240x128xf32, #tpu.memory_space<hbm>>, %arg8: memref<10240x128xf32, #tpu.memory_space<hbm>>, %arg9: memref<20480x128xf32, #tpu.memory_space<hbm>>, %arg10: memref<20480x128xf32, #tpu.memory_space<hbm>>, %arg11: memref<20480x128xf32, #tpu.memory_space<hbm>>, %arg12: memref<20480x128xf32, #tpu.memory_space<hbm>>, %arg13: memref<10240xi32, #tpu.memory_space<vmem>>, %arg14: memref<128x80xi32, #tpu.memory_space<vmem>>, %arg15: memref<2x80x128xf32, #tpu.memory_space<vmem>>, %arg16: memref<!tpu.dma_semaphore, #tpu.memory_space<semaphore_mem>>, %arg17: memref<!tpu.dma_semaphore, #tpu.memory_space<semaphore_mem>>, %arg18: memref<10240x128xf32, #tpu.memory_space<vmem_shared>>) attributes {dimension_semantics = [#tpu.dimension_semantics<core_parallel>, #tpu.dimension_semantics<subcore_parallel>], iteration_bounds = array<i64: 2, 16>, scalar_prefetch = 0 : i64, scratch_operands = 6 : i64, tpu.core_type = #tpu.core_type<sc_vector_subcore>, window_params = [{transform_indices = #map}, {transform_indices = #map1}, {transform_indices = #map1}, {transform_indices = #map1}, {transform_indices = #map1}, {transform_indices = #map1}, {transform_indices = #map1}, {transform_indices = #map1}, {transform_indices = #map1}, {transform_indices = #map1}, {transform_indices = #map1}]} {
    %mul3A = arith.constant 16 : i32
    %mul3A_0 = arith.muli %arg0, %mul3A : i32
    %add3A = arith.addi %mul3A_0, %arg1 : i32
    %mul3A_1 = arith.constant 10240 : i32
    %mul3A_2 = arith.muli %add3A, %mul3A_1 : i32
    "tpu.region"() ({
      %run_scoped3A = tpu.sem_alloc : memref<!tpu.dma_semaphore, #tpu.memory_space<semaphore_mem>>
      %dma_start3A_149 = tpu.memref_slice %arg2[%mul3A_2] : memref<327680xi32, #tpu.memory_space<hbm>> -> memref<10240xi32, #tpu.memory_space<hbm>>
      %dma_start3A_150 = tpu.memref_slice %arg2[%mul3A_2] : memref<327680xi32, #tpu.memory_space<hbm>> -> memref<10240xi32, #tpu.memory_space<hbm>>
      tpu.enqueue_dma source(%dma_start3A_150 : memref<10240xi32, #tpu.memory_space<hbm>>) target(%arg13 : memref<10240xi32, #tpu.memory_space<vmem>>) target_semaphore(%run_scoped3A : memref<!tpu.dma_semaphore, #tpu.memory_space<semaphore_mem>>)
      %dma_wait3A_151 = tpu.memref_slice %arg2[%mul3A_2] : memref<327680xi32, #tpu.memory_space<hbm>> -> memref<10240xi32, #tpu.memory_space<hbm>>
      %dma_wait3A_152 = tpu.memref_slice %arg2[%mul3A_2] : memref<327680xi32, #tpu.memory_space<hbm>> -> memref<10240xi32, #tpu.memory_space<hbm>>
      tpu.wait_dma2 semaphore(%run_scoped3A : memref<!tpu.dma_semaphore, #tpu.memory_space<semaphore_mem>>) src(%dma_wait3A_152 : memref<10240xi32, #tpu.memory_space<hbm>>) dst(%arg13 : memref<10240xi32, #tpu.memory_space<vmem>>)
      tpu.yield
    }) : () -> ()
    %mul3A_3 = arith.constant 128 : i32
    %mul3A_4 = arith.muli %add3A, %mul3A_3 : i32
    "tpu.region"() ({
      %run_scoped3A = tpu.sem_alloc : memref<!tpu.dma_semaphore, #tpu.memory_space<semaphore_mem>>
      %dma_start3A_149 = arith.constant 0 : i32
      %dma_start3A_150 = tpu.memref_slice %arg3[%mul3A_4, %dma_start3A_149] : memref<4096x80xi32, #tpu.memory_space<hbm>> -> memref<128x80xi32, #tpu.memory_space<hbm>>
      %dma_start3A_151 = arith.constant 0 : i32
      %dma_start3A_152 = tpu.memref_slice %arg3[%mul3A_4, %dma_start3A_151] : memref<4096x80xi32, #tpu.memory_space<hbm>> -> memref<128x80xi32, #tpu.memory_space<hbm>>
      tpu.enqueue_dma source(%dma_start3A_152 : memref<128x80xi32, #tpu.memory_space<hbm>>) target(%arg14 : memref<128x80xi32, #tpu.memory_space<vmem>>) target_semaphore(%run_scoped3A : memref<!tpu.dma_semaphore, #tpu.memory_space<semaphore_mem>>)
      %dma_wait3A_153 = arith.constant 0 : i32
      %dma_wait3A_154 = tpu.memref_slice %arg3[%mul3A_4, %dma_wait3A_153] : memref<4096x80xi32, #tpu.memory_space<hbm>> -> memref<128x80xi32, #tpu.memory_space<hbm>>
      %dma_wait3A_155 = arith.constant 0 : i32
      %dma_wait3A_156 = tpu.memref_slice %arg3[%mul3A_4, %dma_wait3A_155] : memref<4096x80xi32, #tpu.memory_space<hbm>> -> memref<128x80xi32, #tpu.memory_space<hbm>>
      tpu.wait_dma2 semaphore(%run_scoped3A : memref<!tpu.dma_semaphore, #tpu.memory_space<semaphore_mem>>) src(%dma_wait3A_156 : memref<128x80xi32, #tpu.memory_space<hbm>>) dst(%arg14 : memref<128x80xi32, #tpu.memory_space<vmem>>)
      tpu.yield
    }) : () -> ()
    %mul3A_5 = arith.constant 640 : i32
    %mul3A_6 = arith.muli %arg1, %mul3A_5 : i32
    "tpu.region"() ({
      %run_scoped3A = tpu.sem_alloc : memref<!tpu.dma_semaphore, #tpu.memory_space<semaphore_mem>>
      %dma_start3A_149 = arith.constant 0 : i32
      %dma_start3A_150 = tpu.memref_slice %arg18[%mul3A_6, %dma_start3A_149] : memref<10240x128xf32, #tpu.memory_space<vmem_shared>> -> memref<640x128xf32, #tpu.memory_space<vmem_shared>>
      tpu.enqueue_dma source(%arg4 : memref<640x128xf32, #tpu.memory_space<hbm>>) target(%dma_start3A_150 : memref<640x128xf32, #tpu.memory_space<vmem_shared>>) target_semaphore(%run_scoped3A : memref<!tpu.dma_semaphore, #tpu.memory_space<semaphore_mem>>)
      %dma_wait3A_151 = arith.constant 0 : i32
      %dma_wait3A_152 = tpu.memref_slice %arg18[%mul3A_6, %dma_wait3A_151] : memref<10240x128xf32, #tpu.memory_space<vmem_shared>> -> memref<640x128xf32, #tpu.memory_space<vmem_shared>>
      tpu.wait_dma2 semaphore(%run_scoped3A : memref<!tpu.dma_semaphore, #tpu.memory_space<semaphore_mem>>) src(%arg4 : memref<640x128xf32, #tpu.memory_space<hbm>>) dst(%dma_wait3A_152 : memref<640x128xf32, #tpu.memory_space<vmem_shared>>)
      tpu.yield
    }) : () -> ()
    %barrier3A = arith.constant 0 : index
    tpu.barrier barrier_id(%barrier3A)
    %dma_start3A = arith.constant 0 : i32
    %dma_start3A_7 = arith.constant 0 : i32
    %dma_start3A_8 = arith.constant 0 : i32
    %dma_start3A_9 = tpu.memref_slice %arg15[%dma_start3A, %dma_start3A_7, %dma_start3A_8] : memref<2x80x128xf32, #tpu.memory_space<vmem>> -> memref<1x80x128xf32, #tpu.memory_space<vmem>>
    %dma_start3A_10 = tpu.memref_squeeze %dma_start3A_9 : memref<1x80x128xf32, #tpu.memory_space<vmem>> -> memref<80x128xf32, #tpu.memory_space<vmem>>
    %dma_start3A_11 = arith.constant 0 : i32
    %dma_start3A_12 = tpu.memref_slice %arg13[%dma_start3A_11] : memref<10240xi32, #tpu.memory_space<vmem>> -> memref<80xi32, #tpu.memory_space<vmem>>
    %dma_start3A_13 = arith.constant 0 : i32
    %dma_start3A_14 = arith.constant 0 : i32
    %dma_start3A_15 = tpu.memref_slice %arg5[%dma_start3A_13, %dma_start3A_14] : memref<10240x128xf32, #tpu.memory_space<hbm>> -> memref<10240x128xf32, #tpu.memory_space<hbm>>
    tpu.enqueue_indirect_dma source(%dma_start3A_15 : memref<10240x128xf32, #tpu.memory_space<hbm>>) target(%dma_start3A_10 : memref<80x128xf32, #tpu.memory_space<vmem>>) offsets(%dma_start3A_12 : memref<80xi32, #tpu.memory_space<vmem>>) semaphore(%arg16 : memref<!tpu.dma_semaphore, #tpu.memory_space<semaphore_mem>>)
    %scan3A = arith.constant 0 : i32
    %scan3A_16 = arith.constant 0 : i32
    %scan3A_17 = arith.constant 64 : i32
    %scan3A_18 = arith.addi %scan3A_16, %scan3A_17 : i32
    %scan3A_19 = arith.constant 1 : i32
    scf.for %scan3A_149 = %scan3A_16 to %scan3A_18 step %scan3A_19  : i32 {
      %mul3A_150 = arith.constant 2 : i32
      %mul3A_151 = arith.muli %mul3A_150, %scan3A_149 : i32
      %add3A_152 = arith.constant 1 : i32
      %add3A_153 = arith.addi %mul3A_151, %add3A_152 : i32
      %mul3A_154 = arith.constant 80 : i32
      %mul3A_155 = arith.muli %add3A_153, %mul3A_154 : i32
      %dma_start3A_156 = arith.constant 1 : i32
      %dma_start3A_157 = arith.constant 0 : i32
      %dma_start3A_158 = arith.constant 0 : i32
      %dma_start3A_159 = tpu.memref_slice %arg15[%dma_start3A_156, %dma_start3A_157, %dma_start3A_158] : memref<2x80x128xf32, #tpu.memory_space<vmem>> -> memref<1x80x128xf32, #tpu.memory_space<vmem>>
      %dma_start3A_160 = tpu.memref_squeeze %dma_start3A_159 : memref<1x80x128xf32, #tpu.memory_space<vmem>> -> memref<80x128xf32, #tpu.memory_space<vmem>>
      %dma_start3A_161 = tpu.memref_slice %arg13[%mul3A_155] : memref<10240xi32, #tpu.memory_space<vmem>> -> memref<80xi32, #tpu.memory_space<vmem>>
      %dma_start3A_162 = arith.constant 0 : i32
      %dma_start3A_163 = arith.constant 0 : i32
      %dma_start3A_164 = tpu.memref_slice %arg5[%dma_start3A_162, %dma_start3A_163] : memref<10240x128xf32, #tpu.memory_space<hbm>> -> memref<10240x128xf32, #tpu.memory_space<hbm>>
      tpu.enqueue_indirect_dma source(%dma_start3A_164 : memref<10240x128xf32, #tpu.memory_space<hbm>>) target(%dma_start3A_160 : memref<80x128xf32, #tpu.memory_space<vmem>>) offsets(%dma_start3A_161 : memref<80xi32, #tpu.memory_space<vmem>>) semaphore(%arg17 : memref<!tpu.dma_semaphore, #tpu.memory_space<semaphore_mem>>)
      %mul3A_165 = arith.constant 80 : i32
      %mul3A_166 = arith.muli %mul3A_151, %mul3A_165 : i32
      %dma_wait3A_167 = arith.constant 0 : i32
      %dma_wait3A_168 = arith.constant 0 : i32
      %dma_wait3A_169 = arith.constant 0 : i32
      %dma_wait3A_170 = tpu.memref_slice %arg15[%dma_wait3A_167, %dma_wait3A_168, %dma_wait3A_169] : memref<2x80x128xf32, #tpu.memory_space<vmem>> -> memref<1x80x128xf32, #tpu.memory_space<vmem>>
      %dma_wait3A_171 = tpu.memref_squeeze %dma_wait3A_170 : memref<1x80x128xf32, #tpu.memory_space<vmem>> -> memref<80x128xf32, #tpu.memory_space<vmem>>
      %dma_wait3A_172 = tpu.memref_slice %arg13[%mul3A_166] : memref<10240xi32, #tpu.memory_space<vmem>> -> memref<80xi32, #tpu.memory_space<vmem>>
      %dma_wait3A_173 = arith.constant 0 : i32
      %dma_wait3A_174 = arith.constant 0 : i32
      %dma_wait3A_175 = tpu.memref_slice %arg5[%dma_wait3A_173, %dma_wait3A_174] : memref<10240x128xf32, #tpu.memory_space<hbm>> -> memref<10240x128xf32, #tpu.memory_space<hbm>>
      tpu.wait_indirect_dma semaphore(%arg16 : memref<!tpu.dma_semaphore, #tpu.memory_space<semaphore_mem>>) src(%dma_wait3A_175 : memref<10240x128xf32, #tpu.memory_space<hbm>>) dst(%dma_wait3A_171 : memref<80x128xf32, #tpu.memory_space<vmem>>)
      %run_scoped3A = arith.constant 0 : i32
      "tpu.region"() ({
        %run_scoped3A_206 = tpu.sem_alloc : memref<!tpu.dma_semaphore, #tpu.memory_space<semaphore_mem>>
        %dma_start3A_207 = arith.constant 0 : i32
        %dma_start3A_208 = arith.constant 0 : i32
        %dma_start3A_209 = tpu.memref_slice %arg15[%run_scoped3A, %dma_start3A_207, %dma_start3A_208] : memref<2x80x128xf32, #tpu.memory_space<vmem>> -> memref<1x80x128xf32, #tpu.memory_space<vmem>>
        %dma_start3A_210 = tpu.memref_squeeze %dma_start3A_209 : memref<1x80x128xf32, #tpu.memory_space<vmem>> -> memref<80x128xf32, #tpu.memory_space<vmem>>
        %dma_start3A_211 = arith.constant 0 : i32
        %dma_start3A_212 = tpu.memref_slice %arg14[%mul3A_151, %dma_start3A_211] : memref<128x80xi32, #tpu.memory_space<vmem>> -> memref<1x80xi32, #tpu.memory_space<vmem>>
        %dma_start3A_213 = tpu.memref_squeeze %dma_start3A_212 : memref<1x80xi32, #tpu.memory_space<vmem>> -> memref<80xi32, #tpu.memory_space<vmem>>
        %dma_start3A_214 = arith.constant 0 : i32
        %dma_start3A_215 = arith.constant 0 : i32
        %dma_start3A_216 = tpu.memref_slice %arg18[%dma_start3A_214, %dma_start3A_215] : memref<10240x128xf32, #tpu.memory_space<vmem_shared>> -> memref<10240x128xf32, #tpu.memory_space<vmem_shared>>
        tpu.enqueue_indirect_dma source(%dma_start3A_210 : memref<80x128xf32, #tpu.memory_space<vmem>>) target(%dma_start3A_216 : memref<10240x128xf32, #tpu.memory_space<vmem_shared>>) offsets(%dma_start3A_213 : memref<80xi32, #tpu.memory_space<vmem>>) semaphore(%run_scoped3A_206 : memref<!tpu.dma_semaphore, #tpu.memory_space<semaphore_mem>>) {add = true}
        %dma_wait3A_217 = arith.constant 0 : i32
        %dma_wait3A_218 = arith.constant 0 : i32
        %dma_wait3A_219 = tpu.memref_slice %arg15[%run_scoped3A, %dma_wait3A_217, %dma_wait3A_218] : memref<2x80x128xf32, #tpu.memory_space<vmem>> -> memref<1x80x128xf32, #tpu.memory_space<vmem>>
        %dma_wait3A_220 = tpu.memref_squeeze %dma_wait3A_219 : memref<1x80x128xf32, #tpu.memory_space<vmem>> -> memref<80x128xf32, #tpu.memory_space<vmem>>
        %dma_wait3A_221 = arith.constant 0 : i32
        %dma_wait3A_222 = tpu.memref_slice %arg14[%mul3A_151, %dma_wait3A_221] : memref<128x80xi32, #tpu.memory_space<vmem>> -> memref<1x80xi32, #tpu.memory_space<vmem>>
        %dma_wait3A_223 = tpu.memref_squeeze %dma_wait3A_222 : memref<1x80xi32, #tpu.memory_space<vmem>> -> memref<80xi32, #tpu.memory_space<vmem>>
        %dma_wait3A_224 = arith.constant 0 : i32
        %dma_wait3A_225 = arith.constant 0 : i32
        %dma_wait3A_226 = tpu.memref_slice %arg18[%dma_wait3A_224, %dma_wait3A_225] : memref<10240x128xf32, #tpu.memory_space<vmem_shared>> -> memref<10240x128xf32, #tpu.memory_space<vmem_shared>>
        tpu.wait_indirect_dma semaphore(%run_scoped3A_206 : memref<!tpu.dma_semaphore, #tpu.memory_space<semaphore_mem>>) src(%dma_wait3A_220 : memref<80x128xf32, #tpu.memory_space<vmem>>) dst(%dma_wait3A_226 : memref<10240x128xf32, #tpu.memory_space<vmem_shared>>)
        tpu.yield
      }) : () -> ()
      %add3A_176 = arith.constant 2 : i32
      %add3A_177 = arith.addi %mul3A_151, %add3A_176 : i32
      %min3A = arith.constant 126 : i32
      %min3A_178 = arith.minsi %add3A_177, %min3A : i32
      %mul3A_179 = arith.constant 80 : i32
      %mul3A_180 = arith.muli %min3A_178, %mul3A_179 : i32
      %dma_start3A_181 = arith.constant 0 : i32
      %dma_start3A_182 = arith.constant 0 : i32
      %dma_start3A_183 = arith.constant 0 : i32
      %dma_start3A_184 = tpu.memref_slice %arg15[%dma_start3A_181, %dma_start3A_182, %dma_start3A_183] : memref<2x80x128xf32, #tpu.memory_space<vmem>> -> memref<1x80x128xf32, #tpu.memory_space<vmem>>
      %dma_start3A_185 = tpu.memref_squeeze %dma_start3A_184 : memref<1x80x128xf32, #tpu.memory_space<vmem>> -> memref<80x128xf32, #tpu.memory_space<vmem>>
      %dma_start3A_186 = tpu.memref_slice %arg13[%mul3A_180] : memref<10240xi32, #tpu.memory_space<vmem>> -> memref<80xi32, #tpu.memory_space<vmem>>
      %dma_start3A_187 = arith.constant 0 : i32
      %dma_start3A_188 = arith.constant 0 : i32
      %dma_start3A_189 = tpu.memref_slice %arg5[%dma_start3A_187, %dma_start3A_188] : memref<10240x128xf32, #tpu.memory_space<hbm>> -> memref<10240x128xf32, #tpu.memory_space<hbm>>
      tpu.enqueue_indirect_dma source(%dma_start3A_189 : memref<10240x128xf32, #tpu.memory_space<hbm>>) target(%dma_start3A_185 : memref<80x128xf32, #tpu.memory_space<vmem>>) offsets(%dma_start3A_186 : memref<80xi32, #tpu.memory_space<vmem>>) semaphore(%arg16 : memref<!tpu.dma_semaphore, #tpu.memory_space<semaphore_mem>>)
      %add3A_190 = arith.constant 1 : i32
      %add3A_191 = arith.addi %mul3A_151, %add3A_190 : i32
      %mul3A_192 = arith.constant 80 : i32
      %mul3A_193 = arith.muli %add3A_191, %mul3A_192 : i32
      %dma_wait3A_194 = arith.constant 1 : i32
      %dma_wait3A_195 = arith.constant 0 : i32
      %dma_wait3A_196 = arith.constant 0 : i32
      %dma_wait3A_197 = tpu.memref_slice %arg15[%dma_wait3A_194, %dma_wait3A_195, %dma_wait3A_196] : memref<2x80x128xf32, #tpu.memory_space<vmem>> -> memref<1x80x128xf32, #tpu.memory_space<vmem>>
      %dma_wait3A_198 = tpu.memref_squeeze %dma_wait3A_197 : memref<1x80x128xf32, #tpu.memory_space<vmem>> -> memref<80x128xf32, #tpu.memory_space<vmem>>
      %dma_wait3A_199 = tpu.memref_slice %arg13[%mul3A_193] : memref<10240xi32, #tpu.memory_space<vmem>> -> memref<80xi32, #tpu.memory_space<vmem>>
      %dma_wait3A_200 = arith.constant 0 : i32
      %dma_wait3A_201 = arith.constant 0 : i32
      %dma_wait3A_202 = tpu.memref_slice %arg5[%dma_wait3A_200, %dma_wait3A_201] : memref<10240x128xf32, #tpu.memory_space<hbm>> -> memref<10240x128xf32, #tpu.memory_space<hbm>>
      tpu.wait_indirect_dma semaphore(%arg17 : memref<!tpu.dma_semaphore, #tpu.memory_space<semaphore_mem>>) src(%dma_wait3A_202 : memref<10240x128xf32, #tpu.memory_space<hbm>>) dst(%dma_wait3A_198 : memref<80x128xf32, #tpu.memory_space<vmem>>)
      %add3A_203 = arith.constant 1 : i32
      %add3A_204 = arith.addi %mul3A_151, %add3A_203 : i32
      %run_scoped3A_205 = arith.constant 1 : i32
      "tpu.region"() ({
        %run_scoped3A_206 = tpu.sem_alloc : memref<!tpu.dma_semaphore, #tpu.memory_space<semaphore_mem>>
        %dma_start3A_207 = arith.constant 0 : i32
        %dma_start3A_208 = arith.constant 0 : i32
        %dma_start3A_209 = tpu.memref_slice %arg15[%run_scoped3A_205, %dma_start3A_207, %dma_start3A_208] : memref<2x80x128xf32, #tpu.memory_space<vmem>> -> memref<1x80x128xf32, #tpu.memory_space<vmem>>
        %dma_start3A_210 = tpu.memref_squeeze %dma_start3A_209 : memref<1x80x128xf32, #tpu.memory_space<vmem>> -> memref<80x128xf32, #tpu.memory_space<vmem>>
        %dma_start3A_211 = arith.constant 0 : i32
        %dma_start3A_212 = tpu.memref_slice %arg14[%add3A_204, %dma_start3A_211] : memref<128x80xi32, #tpu.memory_space<vmem>> -> memref<1x80xi32, #tpu.memory_space<vmem>>
        %dma_start3A_213 = tpu.memref_squeeze %dma_start3A_212 : memref<1x80xi32, #tpu.memory_space<vmem>> -> memref<80xi32, #tpu.memory_space<vmem>>
        %dma_start3A_214 = arith.constant 0 : i32
        %dma_start3A_215 = arith.constant 0 : i32
        %dma_start3A_216 = tpu.memref_slice %arg18[%dma_start3A_214, %dma_start3A_215] : memref<10240x128xf32, #tpu.memory_space<vmem_shared>> -> memref<10240x128xf32, #tpu.memory_space<vmem_shared>>
        tpu.enqueue_indirect_dma source(%dma_start3A_210 : memref<80x128xf32, #tpu.memory_space<vmem>>) target(%dma_start3A_216 : memref<10240x128xf32, #tpu.memory_space<vmem_shared>>) offsets(%dma_start3A_213 : memref<80xi32, #tpu.memory_space<vmem>>) semaphore(%run_scoped3A_206 : memref<!tpu.dma_semaphore, #tpu.memory_space<semaphore_mem>>) {add = true}
        %dma_wait3A_217 = arith.constant 0 : i32
        %dma_wait3A_218 = arith.constant 0 : i32
        %dma_wait3A_219 = tpu.memref_slice %arg15[%run_scoped3A_205, %dma_wait3A_217, %dma_wait3A_218] : memref<2x80x128xf32, #tpu.memory_space<vmem>> -> memref<1x80x128xf32, #tpu.memory_space<vmem>>
        %dma_wait3A_220 = tpu.memref_squeeze %dma_wait3A_219 : memref<1x80x128xf32, #tpu.memory_space<vmem>> -> memref<80x128xf32, #tpu.memory_space<vmem>>
        %dma_wait3A_221 = arith.constant 0 : i32
        %dma_wait3A_222 = tpu.memref_slice %arg14[%add3A_204, %dma_wait3A_221] : memref<128x80xi32, #tpu.memory_space<vmem>> -> memref<1x80xi32, #tpu.memory_space<vmem>>
        %dma_wait3A_223 = tpu.memref_squeeze %dma_wait3A_222 : memref<1x80xi32, #tpu.memory_space<vmem>> -> memref<80xi32, #tpu.memory_space<vmem>>
        %dma_wait3A_224 = arith.constant 0 : i32
        %dma_wait3A_225 = arith.constant 0 : i32
        %dma_wait3A_226 = tpu.memref_slice %arg18[%dma_wait3A_224, %dma_wait3A_225] : memref<10240x128xf32, #tpu.memory_space<vmem_shared>> -> memref<10240x128xf32, #tpu.memory_space<vmem_shared>>
        tpu.wait_indirect_dma semaphore(%run_scoped3A_206 : memref<!tpu.dma_semaphore, #tpu.memory_space<semaphore_mem>>) src(%dma_wait3A_220 : memref<80x128xf32, #tpu.memory_space<vmem>>) dst(%dma_wait3A_226 : memref<10240x128xf32, #tpu.memory_space<vmem_shared>>)
        tpu.yield
      }) : () -> ()
    }
    %scan3A_20 = arith.constant 64 : i32
    %dma_wait3A = arith.constant 0 : i32
    %dma_wait3A_21 = arith.constant 0 : i32
    %dma_wait3A_22 = arith.constant 0 : i32
    %dma_wait3A_23 = tpu.memref_slice %arg15[%dma_wait3A, %dma_wait3A_21, %dma_wait3A_22] : memref<2x80x128xf32, #tpu.memory_space<vmem>> -> memref<1x80x128xf32, #tpu.memory_space<vmem>>
    %dma_wait3A_24 = tpu.memref_squeeze %dma_wait3A_23 : memref<1x80x128xf32, #tpu.memory_space<vmem>> -> memref<80x128xf32, #tpu.memory_space<vmem>>
    %dma_wait3A_25 = arith.constant 0 : i32
    %dma_wait3A_26 = tpu.memref_slice %arg13[%dma_wait3A_25] : memref<10240xi32, #tpu.memory_space<vmem>> -> memref<80xi32, #tpu.memory_space<vmem>>
    %dma_wait3A_27 = arith.constant 0 : i32
    %dma_wait3A_28 = arith.constant 0 : i32
    %dma_wait3A_29 = tpu.memref_slice %arg5[%dma_wait3A_27, %dma_wait3A_28] : memref<10240x128xf32, #tpu.memory_space<hbm>> -> memref<10240x128xf32, #tpu.memory_space<hbm>>
    tpu.wait_indirect_dma semaphore(%arg16 : memref<!tpu.dma_semaphore, #tpu.memory_space<semaphore_mem>>) src(%dma_wait3A_29 : memref<10240x128xf32, #tpu.memory_space<hbm>>) dst(%dma_wait3A_24 : memref<80x128xf32, #tpu.memory_space<vmem>>)
    %barrier3A_30 = arith.constant 0 : index
    tpu.barrier barrier_id(%barrier3A_30)
    %mul3A_31 = arith.constant 640 : i32
    %mul3A_32 = arith.muli %arg1, %mul3A_31 : i32
    %mul3A_33 = arith.constant 10240 : i32
    %mul3A_34 = arith.muli %arg0, %mul3A_33 : i32
    %mul3A_35 = arith.constant 640 : i32
    %mul3A_36 = arith.muli %arg1, %mul3A_35 : i32
    %add3A_37 = arith.addi %mul3A_34, %mul3A_36 : i32
    "tpu.region"() ({
      %run_scoped3A = tpu.sem_alloc : memref<!tpu.dma_semaphore, #tpu.memory_space<semaphore_mem>>
      %dma_start3A_149 = arith.constant 0 : i32
      %dma_start3A_150 = tpu.memref_slice %arg9[%add3A_37, %dma_start3A_149] : memref<20480x128xf32, #tpu.memory_space<hbm>> -> memref<640x128xf32, #tpu.memory_space<hbm>>
      %dma_start3A_151 = arith.constant 0 : i32
      %dma_start3A_152 = tpu.memref_slice %arg18[%mul3A_32, %dma_start3A_151] : memref<10240x128xf32, #tpu.memory_space<vmem_shared>> -> memref<640x128xf32, #tpu.memory_space<vmem_shared>>
      tpu.enqueue_dma source(%dma_start3A_152 : memref<640x128xf32, #tpu.memory_space<vmem_shared>>) target(%dma_start3A_150 : memref<640x128xf32, #tpu.memory_space<hbm>>) target_semaphore(%run_scoped3A : memref<!tpu.dma_semaphore, #tpu.memory_space<semaphore_mem>>)
      %dma_wait3A_153 = arith.constant 0 : i32
      %dma_wait3A_154 = tpu.memref_slice %arg9[%add3A_37, %dma_wait3A_153] : memref<20480x128xf32, #tpu.memory_space<hbm>> -> memref<640x128xf32, #tpu.memory_space<hbm>>
      %dma_wait3A_155 = arith.constant 0 : i32
      %dma_wait3A_156 = tpu.memref_slice %arg18[%mul3A_32, %dma_wait3A_155] : memref<10240x128xf32, #tpu.memory_space<vmem_shared>> -> memref<640x128xf32, #tpu.memory_space<vmem_shared>>
      tpu.wait_dma2 semaphore(%run_scoped3A : memref<!tpu.dma_semaphore, #tpu.memory_space<semaphore_mem>>) src(%dma_wait3A_156 : memref<640x128xf32, #tpu.memory_space<vmem_shared>>) dst(%dma_wait3A_154 : memref<640x128xf32, #tpu.memory_space<hbm>>)
      tpu.yield
    }) : () -> ()
    %mul3A_38 = arith.constant 640 : i32
    %mul3A_39 = arith.muli %arg1, %mul3A_38 : i32
    "tpu.region"() ({
      %run_scoped3A = tpu.sem_alloc : memref<!tpu.dma_semaphore, #tpu.memory_space<semaphore_mem>>
      %dma_start3A_149 = arith.constant 0 : i32
      %dma_start3A_150 = tpu.memref_slice %arg18[%mul3A_39, %dma_start3A_149] : memref<10240x128xf32, #tpu.memory_space<vmem_shared>> -> memref<640x128xf32, #tpu.memory_space<vmem_shared>>
      tpu.enqueue_dma source(%arg4 : memref<640x128xf32, #tpu.memory_space<hbm>>) target(%dma_start3A_150 : memref<640x128xf32, #tpu.memory_space<vmem_shared>>) target_semaphore(%run_scoped3A : memref<!tpu.dma_semaphore, #tpu.memory_space<semaphore_mem>>)
      %dma_wait3A_151 = arith.constant 0 : i32
      %dma_wait3A_152 = tpu.memref_slice %arg18[%mul3A_39, %dma_wait3A_151] : memref<10240x128xf32, #tpu.memory_space<vmem_shared>> -> memref<640x128xf32, #tpu.memory_space<vmem_shared>>
      tpu.wait_dma2 semaphore(%run_scoped3A : memref<!tpu.dma_semaphore, #tpu.memory_space<semaphore_mem>>) src(%arg4 : memref<640x128xf32, #tpu.memory_space<hbm>>) dst(%dma_wait3A_152 : memref<640x128xf32, #tpu.memory_space<vmem_shared>>)
      tpu.yield
    }) : () -> ()
    %barrier3A_40 = arith.constant 0 : index
    tpu.barrier barrier_id(%barrier3A_40)
    %dma_start3A_41 = arith.constant 0 : i32
    %dma_start3A_42 = arith.constant 0 : i32
    %dma_start3A_43 = arith.constant 0 : i32
    %dma_start3A_44 = tpu.memref_slice %arg15[%dma_start3A_41, %dma_start3A_42, %dma_start3A_43] : memref<2x80x128xf32, #tpu.memory_space<vmem>> -> memref<1x80x128xf32, #tpu.memory_space<vmem>>
    %dma_start3A_45 = tpu.memref_squeeze %dma_start3A_44 : memref<1x80x128xf32, #tpu.memory_space<vmem>> -> memref<80x128xf32, #tpu.memory_space<vmem>>
    %dma_start3A_46 = arith.constant 0 : i32
    %dma_start3A_47 = tpu.memref_slice %arg13[%dma_start3A_46] : memref<10240xi32, #tpu.memory_space<vmem>> -> memref<80xi32, #tpu.memory_space<vmem>>
    %dma_start3A_48 = arith.constant 0 : i32
    %dma_start3A_49 = arith.constant 0 : i32
    %dma_start3A_50 = tpu.memref_slice %arg6[%dma_start3A_48, %dma_start3A_49] : memref<10240x128xf32, #tpu.memory_space<hbm>> -> memref<10240x128xf32, #tpu.memory_space<hbm>>
    tpu.enqueue_indirect_dma source(%dma_start3A_50 : memref<10240x128xf32, #tpu.memory_space<hbm>>) target(%dma_start3A_45 : memref<80x128xf32, #tpu.memory_space<vmem>>) offsets(%dma_start3A_47 : memref<80xi32, #tpu.memory_space<vmem>>) semaphore(%arg16 : memref<!tpu.dma_semaphore, #tpu.memory_space<semaphore_mem>>)
    %scan3A_51 = arith.constant 0 : i32
    %scan3A_52 = arith.constant 0 : i32
    %scan3A_53 = arith.constant 64 : i32
    %scan3A_54 = arith.addi %scan3A_52, %scan3A_53 : i32
    %scan3A_55 = arith.constant 1 : i32
    scf.for %scan3A_149 = %scan3A_52 to %scan3A_54 step %scan3A_55  : i32 {
      %mul3A_150 = arith.constant 2 : i32
      %mul3A_151 = arith.muli %mul3A_150, %scan3A_149 : i32
      %add3A_152 = arith.constant 1 : i32
      %add3A_153 = arith.addi %mul3A_151, %add3A_152 : i32
      %mul3A_154 = arith.constant 80 : i32
      %mul3A_155 = arith.muli %add3A_153, %mul3A_154 : i32
      %dma_start3A_156 = arith.constant 1 : i32
      %dma_start3A_157 = arith.constant 0 : i32
      %dma_start3A_158 = arith.constant 0 : i32
      %dma_start3A_159 = tpu.memref_slice %arg15[%dma_start3A_156, %dma_start3A_157, %dma_start3A_158] : memref<2x80x128xf32, #tpu.memory_space<vmem>> -> memref<1x80x128xf32, #tpu.memory_space<vmem>>
      %dma_start3A_160 = tpu.memref_squeeze %dma_start3A_159 : memref<1x80x128xf32, #tpu.memory_space<vmem>> -> memref<80x128xf32, #tpu.memory_space<vmem>>
      %dma_start3A_161 = tpu.memref_slice %arg13[%mul3A_155] : memref<10240xi32, #tpu.memory_space<vmem>> -> memref<80xi32, #tpu.memory_space<vmem>>
      %dma_start3A_162 = arith.constant 0 : i32
      %dma_start3A_163 = arith.constant 0 : i32
      %dma_start3A_164 = tpu.memref_slice %arg6[%dma_start3A_162, %dma_start3A_163] : memref<10240x128xf32, #tpu.memory_space<hbm>> -> memref<10240x128xf32, #tpu.memory_space<hbm>>
      tpu.enqueue_indirect_dma source(%dma_start3A_164 : memref<10240x128xf32, #tpu.memory_space<hbm>>) target(%dma_start3A_160 : memref<80x128xf32, #tpu.memory_space<vmem>>) offsets(%dma_start3A_161 : memref<80xi32, #tpu.memory_space<vmem>>) semaphore(%arg17 : memref<!tpu.dma_semaphore, #tpu.memory_space<semaphore_mem>>)
      %mul3A_165 = arith.constant 80 : i32
      %mul3A_166 = arith.muli %mul3A_151, %mul3A_165 : i32
      %dma_wait3A_167 = arith.constant 0 : i32
      %dma_wait3A_168 = arith.constant 0 : i32
      %dma_wait3A_169 = arith.constant 0 : i32
      %dma_wait3A_170 = tpu.memref_slice %arg15[%dma_wait3A_167, %dma_wait3A_168, %dma_wait3A_169] : memref<2x80x128xf32, #tpu.memory_space<vmem>> -> memref<1x80x128xf32, #tpu.memory_space<vmem>>
      %dma_wait3A_171 = tpu.memref_squeeze %dma_wait3A_170 : memref<1x80x128xf32, #tpu.memory_space<vmem>> -> memref<80x128xf32, #tpu.memory_space<vmem>>
      %dma_wait3A_172 = tpu.memref_slice %arg13[%mul3A_166] : memref<10240xi32, #tpu.memory_space<vmem>> -> memref<80xi32, #tpu.memory_space<vmem>>
      %dma_wait3A_173 = arith.constant 0 : i32
      %dma_wait3A_174 = arith.constant 0 : i32
      %dma_wait3A_175 = tpu.memref_slice %arg6[%dma_wait3A_173, %dma_wait3A_174] : memref<10240x128xf32, #tpu.memory_space<hbm>> -> memref<10240x128xf32, #tpu.memory_space<hbm>>
      tpu.wait_indirect_dma semaphore(%arg16 : memref<!tpu.dma_semaphore, #tpu.memory_space<semaphore_mem>>) src(%dma_wait3A_175 : memref<10240x128xf32, #tpu.memory_space<hbm>>) dst(%dma_wait3A_171 : memref<80x128xf32, #tpu.memory_space<vmem>>)
      %run_scoped3A = arith.constant 0 : i32
      "tpu.region"() ({
        %run_scoped3A_206 = tpu.sem_alloc : memref<!tpu.dma_semaphore, #tpu.memory_space<semaphore_mem>>
        %dma_start3A_207 = arith.constant 0 : i32
        %dma_start3A_208 = arith.constant 0 : i32
        %dma_start3A_209 = tpu.memref_slice %arg15[%run_scoped3A, %dma_start3A_207, %dma_start3A_208] : memref<2x80x128xf32, #tpu.memory_space<vmem>> -> memref<1x80x128xf32, #tpu.memory_space<vmem>>
        %dma_start3A_210 = tpu.memref_squeeze %dma_start3A_209 : memref<1x80x128xf32, #tpu.memory_space<vmem>> -> memref<80x128xf32, #tpu.memory_space<vmem>>
        %dma_start3A_211 = arith.constant 0 : i32
        %dma_start3A_212 = tpu.memref_slice %arg14[%mul3A_151, %dma_start3A_211] : memref<128x80xi32, #tpu.memory_space<vmem>> -> memref<1x80xi32, #tpu.memory_space<vmem>>
        %dma_start3A_213 = tpu.memref_squeeze %dma_start3A_212 : memref<1x80xi32, #tpu.memory_space<vmem>> -> memref<80xi32, #tpu.memory_space<vmem>>
        %dma_start3A_214 = arith.constant 0 : i32
        %dma_start3A_215 = arith.constant 0 : i32
        %dma_start3A_216 = tpu.memref_slice %arg18[%dma_start3A_214, %dma_start3A_215] : memref<10240x128xf32, #tpu.memory_space<vmem_shared>> -> memref<10240x128xf32, #tpu.memory_space<vmem_shared>>
        tpu.enqueue_indirect_dma source(%dma_start3A_210 : memref<80x128xf32, #tpu.memory_space<vmem>>) target(%dma_start3A_216 : memref<10240x128xf32, #tpu.memory_space<vmem_shared>>) offsets(%dma_start3A_213 : memref<80xi32, #tpu.memory_space<vmem>>) semaphore(%run_scoped3A_206 : memref<!tpu.dma_semaphore, #tpu.memory_space<semaphore_mem>>) {add = true}
        %dma_wait3A_217 = arith.constant 0 : i32
        %dma_wait3A_218 = arith.constant 0 : i32
        %dma_wait3A_219 = tpu.memref_slice %arg15[%run_scoped3A, %dma_wait3A_217, %dma_wait3A_218] : memref<2x80x128xf32, #tpu.memory_space<vmem>> -> memref<1x80x128xf32, #tpu.memory_space<vmem>>
        %dma_wait3A_220 = tpu.memref_squeeze %dma_wait3A_219 : memref<1x80x128xf32, #tpu.memory_space<vmem>> -> memref<80x128xf32, #tpu.memory_space<vmem>>
        %dma_wait3A_221 = arith.constant 0 : i32
        %dma_wait3A_222 = tpu.memref_slice %arg14[%mul3A_151, %dma_wait3A_221] : memref<128x80xi32, #tpu.memory_space<vmem>> -> memref<1x80xi32, #tpu.memory_space<vmem>>
        %dma_wait3A_223 = tpu.memref_squeeze %dma_wait3A_222 : memref<1x80xi32, #tpu.memory_space<vmem>> -> memref<80xi32, #tpu.memory_space<vmem>>
        %dma_wait3A_224 = arith.constant 0 : i32
        %dma_wait3A_225 = arith.constant 0 : i32
        %dma_wait3A_226 = tpu.memref_slice %arg18[%dma_wait3A_224, %dma_wait3A_225] : memref<10240x128xf32, #tpu.memory_space<vmem_shared>> -> memref<10240x128xf32, #tpu.memory_space<vmem_shared>>
        tpu.wait_indirect_dma semaphore(%run_scoped3A_206 : memref<!tpu.dma_semaphore, #tpu.memory_space<semaphore_mem>>) src(%dma_wait3A_220 : memref<80x128xf32, #tpu.memory_space<vmem>>) dst(%dma_wait3A_226 : memref<10240x128xf32, #tpu.memory_space<vmem_shared>>)
        tpu.yield
      }) : () -> ()
      %add3A_176 = arith.constant 2 : i32
      %add3A_177 = arith.addi %mul3A_151, %add3A_176 : i32
      %min3A = arith.constant 126 : i32
      %min3A_178 = arith.minsi %add3A_177, %min3A : i32
      %mul3A_179 = arith.constant 80 : i32
      %mul3A_180 = arith.muli %min3A_178, %mul3A_179 : i32
      %dma_start3A_181 = arith.constant 0 : i32
      %dma_start3A_182 = arith.constant 0 : i32
      %dma_start3A_183 = arith.constant 0 : i32
      %dma_start3A_184 = tpu.memref_slice %arg15[%dma_start3A_181, %dma_start3A_182, %dma_start3A_183] : memref<2x80x128xf32, #tpu.memory_space<vmem>> -> memref<1x80x128xf32, #tpu.memory_space<vmem>>
      %dma_start3A_185 = tpu.memref_squeeze %dma_start3A_184 : memref<1x80x128xf32, #tpu.memory_space<vmem>> -> memref<80x128xf32, #tpu.memory_space<vmem>>
      %dma_start3A_186 = tpu.memref_slice %arg13[%mul3A_180] : memref<10240xi32, #tpu.memory_space<vmem>> -> memref<80xi32, #tpu.memory_space<vmem>>
      %dma_start3A_187 = arith.constant 0 : i32
      %dma_start3A_188 = arith.constant 0 : i32
      %dma_start3A_189 = tpu.memref_slice %arg6[%dma_start3A_187, %dma_start3A_188] : memref<10240x128xf32, #tpu.memory_space<hbm>> -> memref<10240x128xf32, #tpu.memory_space<hbm>>
      tpu.enqueue_indirect_dma source(%dma_start3A_189 : memref<10240x128xf32, #tpu.memory_space<hbm>>) target(%dma_start3A_185 : memref<80x128xf32, #tpu.memory_space<vmem>>) offsets(%dma_start3A_186 : memref<80xi32, #tpu.memory_space<vmem>>) semaphore(%arg16 : memref<!tpu.dma_semaphore, #tpu.memory_space<semaphore_mem>>)
      %add3A_190 = arith.constant 1 : i32
      %add3A_191 = arith.addi %mul3A_151, %add3A_190 : i32
      %mul3A_192 = arith.constant 80 : i32
      %mul3A_193 = arith.muli %add3A_191, %mul3A_192 : i32
      %dma_wait3A_194 = arith.constant 1 : i32
      %dma_wait3A_195 = arith.constant 0 : i32
      %dma_wait3A_196 = arith.constant 0 : i32
      %dma_wait3A_197 = tpu.memref_slice %arg15[%dma_wait3A_194, %dma_wait3A_195, %dma_wait3A_196] : memref<2x80x128xf32, #tpu.memory_space<vmem>> -> memref<1x80x128xf32, #tpu.memory_space<vmem>>
      %dma_wait3A_198 = tpu.memref_squeeze %dma_wait3A_197 : memref<1x80x128xf32, #tpu.memory_space<vmem>> -> memref<80x128xf32, #tpu.memory_space<vmem>>
      %dma_wait3A_199 = tpu.memref_slice %arg13[%mul3A_193] : memref<10240xi32, #tpu.memory_space<vmem>> -> memref<80xi32, #tpu.memory_space<vmem>>
      %dma_wait3A_200 = arith.constant 0 : i32
      %dma_wait3A_201 = arith.constant 0 : i32
      %dma_wait3A_202 = tpu.memref_slice %arg6[%dma_wait3A_200, %dma_wait3A_201] : memref<10240x128xf32, #tpu.memory_space<hbm>> -> memref<10240x128xf32, #tpu.memory_space<hbm>>
      tpu.wait_indirect_dma semaphore(%arg17 : memref<!tpu.dma_semaphore, #tpu.memory_space<semaphore_mem>>) src(%dma_wait3A_202 : memref<10240x128xf32, #tpu.memory_space<hbm>>) dst(%dma_wait3A_198 : memref<80x128xf32, #tpu.memory_space<vmem>>)
      %add3A_203 = arith.constant 1 : i32
      %add3A_204 = arith.addi %mul3A_151, %add3A_203 : i32
      %run_scoped3A_205 = arith.constant 1 : i32
      "tpu.region"() ({
        %run_scoped3A_206 = tpu.sem_alloc : memref<!tpu.dma_semaphore, #tpu.memory_space<semaphore_mem>>
        %dma_start3A_207 = arith.constant 0 : i32
        %dma_start3A_208 = arith.constant 0 : i32
        %dma_start3A_209 = tpu.memref_slice %arg15[%run_scoped3A_205, %dma_start3A_207, %dma_start3A_208] : memref<2x80x128xf32, #tpu.memory_space<vmem>> -> memref<1x80x128xf32, #tpu.memory_space<vmem>>
        %dma_start3A_210 = tpu.memref_squeeze %dma_start3A_209 : memref<1x80x128xf32, #tpu.memory_space<vmem>> -> memref<80x128xf32, #tpu.memory_space<vmem>>
        %dma_start3A_211 = arith.constant 0 : i32
        %dma_start3A_212 = tpu.memref_slice %arg14[%add3A_204, %dma_start3A_211] : memref<128x80xi32, #tpu.memory_space<vmem>> -> memref<1x80xi32, #tpu.memory_space<vmem>>
        %dma_start3A_213 = tpu.memref_squeeze %dma_start3A_212 : memref<1x80xi32, #tpu.memory_space<vmem>> -> memref<80xi32, #tpu.memory_space<vmem>>
        %dma_start3A_214 = arith.constant 0 : i32
        %dma_start3A_215 = arith.constant 0 : i32
        %dma_start3A_216 = tpu.memref_slice %arg18[%dma_start3A_214, %dma_start3A_215] : memref<10240x128xf32, #tpu.memory_space<vmem_shared>> -> memref<10240x128xf32, #tpu.memory_space<vmem_shared>>
        tpu.enqueue_indirect_dma source(%dma_start3A_210 : memref<80x128xf32, #tpu.memory_space<vmem>>) target(%dma_start3A_216 : memref<10240x128xf32, #tpu.memory_space<vmem_shared>>) offsets(%dma_start3A_213 : memref<80xi32, #tpu.memory_space<vmem>>) semaphore(%run_scoped3A_206 : memref<!tpu.dma_semaphore, #tpu.memory_space<semaphore_mem>>) {add = true}
        %dma_wait3A_217 = arith.constant 0 : i32
        %dma_wait3A_218 = arith.constant 0 : i32
        %dma_wait3A_219 = tpu.memref_slice %arg15[%run_scoped3A_205, %dma_wait3A_217, %dma_wait3A_218] : memref<2x80x128xf32, #tpu.memory_space<vmem>> -> memref<1x80x128xf32, #tpu.memory_space<vmem>>
        %dma_wait3A_220 = tpu.memref_squeeze %dma_wait3A_219 : memref<1x80x128xf32, #tpu.memory_space<vmem>> -> memref<80x128xf32, #tpu.memory_space<vmem>>
        %dma_wait3A_221 = arith.constant 0 : i32
        %dma_wait3A_222 = tpu.memref_slice %arg14[%add3A_204, %dma_wait3A_221] : memref<128x80xi32, #tpu.memory_space<vmem>> -> memref<1x80xi32, #tpu.memory_space<vmem>>
        %dma_wait3A_223 = tpu.memref_squeeze %dma_wait3A_222 : memref<1x80xi32, #tpu.memory_space<vmem>> -> memref<80xi32, #tpu.memory_space<vmem>>
        %dma_wait3A_224 = arith.constant 0 : i32
        %dma_wait3A_225 = arith.constant 0 : i32
        %dma_wait3A_226 = tpu.memref_slice %arg18[%dma_wait3A_224, %dma_wait3A_225] : memref<10240x128xf32, #tpu.memory_space<vmem_shared>> -> memref<10240x128xf32, #tpu.memory_space<vmem_shared>>
        tpu.wait_indirect_dma semaphore(%run_scoped3A_206 : memref<!tpu.dma_semaphore, #tpu.memory_space<semaphore_mem>>) src(%dma_wait3A_220 : memref<80x128xf32, #tpu.memory_space<vmem>>) dst(%dma_wait3A_226 : memref<10240x128xf32, #tpu.memory_space<vmem_shared>>)
        tpu.yield
      }) : () -> ()
    }
    %scan3A_56 = arith.constant 64 : i32
    %dma_wait3A_57 = arith.constant 0 : i32
    %dma_wait3A_58 = arith.constant 0 : i32
    %dma_wait3A_59 = arith.constant 0 : i32
    %dma_wait3A_60 = tpu.memref_slice %arg15[%dma_wait3A_57, %dma_wait3A_58, %dma_wait3A_59] : memref<2x80x128xf32, #tpu.memory_space<vmem>> -> memref<1x80x128xf32, #tpu.memory_space<vmem>>
    %dma_wait3A_61 = tpu.memref_squeeze %dma_wait3A_60 : memref<1x80x128xf32, #tpu.memory_space<vmem>> -> memref<80x128xf32, #tpu.memory_space<vmem>>
    %dma_wait3A_62 = arith.constant 0 : i32
    %dma_wait3A_63 = tpu.memref_slice %arg13[%dma_wait3A_62] : memref<10240xi32, #tpu.memory_space<vmem>> -> memref<80xi32, #tpu.memory_space<vmem>>
    %dma_wait3A_64 = arith.constant 0 : i32
    %dma_wait3A_65 = arith.constant 0 : i32
    %dma_wait3A_66 = tpu.memref_slice %arg6[%dma_wait3A_64, %dma_wait3A_65] : memref<10240x128xf32, #tpu.memory_space<hbm>> -> memref<10240x128xf32, #tpu.memory_space<hbm>>
    tpu.wait_indirect_dma semaphore(%arg16 : memref<!tpu.dma_semaphore, #tpu.memory_space<semaphore_mem>>) src(%dma_wait3A_66 : memref<10240x128xf32, #tpu.memory_space<hbm>>) dst(%dma_wait3A_61 : memref<80x128xf32, #tpu.memory_space<vmem>>)
    %barrier3A_67 = arith.constant 0 : index
    tpu.barrier barrier_id(%barrier3A_67)
    %mul3A_68 = arith.constant 640 : i32
    %mul3A_69 = arith.muli %arg1, %mul3A_68 : i32
    %mul3A_70 = arith.constant 10240 : i32
    %mul3A_71 = arith.muli %arg0, %mul3A_70 : i32
    %mul3A_72 = arith.constant 640 : i32
    %mul3A_73 = arith.muli %arg1, %mul3A_72 : i32
    %add3A_74 = arith.addi %mul3A_71, %mul3A_73 : i32
    "tpu.region"() ({
      %run_scoped3A = tpu.sem_alloc : memref<!tpu.dma_semaphore, #tpu.memory_space<semaphore_mem>>
      %dma_start3A_149 = arith.constant 0 : i32
      %dma_start3A_150 = tpu.memref_slice %arg10[%add3A_74, %dma_start3A_149] : memref<20480x128xf32, #tpu.memory_space<hbm>> -> memref<640x128xf32, #tpu.memory_space<hbm>>
      %dma_start3A_151 = arith.constant 0 : i32
      %dma_start3A_152 = tpu.memref_slice %arg18[%mul3A_69, %dma_start3A_151] : memref<10240x128xf32, #tpu.memory_space<vmem_shared>> -> memref<640x128xf32, #tpu.memory_space<vmem_shared>>
      tpu.enqueue_dma source(%dma_start3A_152 : memref<640x128xf32, #tpu.memory_space<vmem_shared>>) target(%dma_start3A_150 : memref<640x128xf32, #tpu.memory_space<hbm>>) target_semaphore(%run_scoped3A : memref<!tpu.dma_semaphore, #tpu.memory_space<semaphore_mem>>)
      %dma_wait3A_153 = arith.constant 0 : i32
      %dma_wait3A_154 = tpu.memref_slice %arg10[%add3A_74, %dma_wait3A_153] : memref<20480x128xf32, #tpu.memory_space<hbm>> -> memref<640x128xf32, #tpu.memory_space<hbm>>
      %dma_wait3A_155 = arith.constant 0 : i32
      %dma_wait3A_156 = tpu.memref_slice %arg18[%mul3A_69, %dma_wait3A_155] : memref<10240x128xf32, #tpu.memory_space<vmem_shared>> -> memref<640x128xf32, #tpu.memory_space<vmem_shared>>
      tpu.wait_dma2 semaphore(%run_scoped3A : memref<!tpu.dma_semaphore, #tpu.memory_space<semaphore_mem>>) src(%dma_wait3A_156 : memref<640x128xf32, #tpu.memory_space<vmem_shared>>) dst(%dma_wait3A_154 : memref<640x128xf32, #tpu.memory_space<hbm>>)
      tpu.yield
    }) : () -> ()
    %mul3A_75 = arith.constant 640 : i32
    %mul3A_76 = arith.muli %arg1, %mul3A_75 : i32
    "tpu.region"() ({
      %run_scoped3A = tpu.sem_alloc : memref<!tpu.dma_semaphore, #tpu.memory_space<semaphore_mem>>
      %dma_start3A_149 = arith.constant 0 : i32
      %dma_start3A_150 = tpu.memref_slice %arg18[%mul3A_76, %dma_start3A_149] : memref<10240x128xf32, #tpu.memory_space<vmem_shared>> -> memref<640x128xf32, #tpu.memory_space<vmem_shared>>
      tpu.enqueue_dma source(%arg4 : memref<640x128xf32, #tpu.memory_space<hbm>>) target(%dma_start3A_150 : memref<640x128xf32, #tpu.memory_space<vmem_shared>>) target_semaphore(%run_scoped3A : memref<!tpu.dma_semaphore, #tpu.memory_space<semaphore_mem>>)
      %dma_wait3A_151 = arith.constant 0 : i32
      %dma_wait3A_152 = tpu.memref_slice %arg18[%mul3A_76, %dma_wait3A_151] : memref<10240x128xf32, #tpu.memory_space<vmem_shared>> -> memref<640x128xf32, #tpu.memory_space<vmem_shared>>
      tpu.wait_dma2 semaphore(%run_scoped3A : memref<!tpu.dma_semaphore, #tpu.memory_space<semaphore_mem>>) src(%arg4 : memref<640x128xf32, #tpu.memory_space<hbm>>) dst(%dma_wait3A_152 : memref<640x128xf32, #tpu.memory_space<vmem_shared>>)
      tpu.yield
    }) : () -> ()
    %barrier3A_77 = arith.constant 0 : index
    tpu.barrier barrier_id(%barrier3A_77)
    %dma_start3A_78 = arith.constant 0 : i32
    %dma_start3A_79 = arith.constant 0 : i32
    %dma_start3A_80 = arith.constant 0 : i32
    %dma_start3A_81 = tpu.memref_slice %arg15[%dma_start3A_78, %dma_start3A_79, %dma_start3A_80] : memref<2x80x128xf32, #tpu.memory_space<vmem>> -> memref<1x80x128xf32, #tpu.memory_space<vmem>>
    %dma_start3A_82 = tpu.memref_squeeze %dma_start3A_81 : memref<1x80x128xf32, #tpu.memory_space<vmem>> -> memref<80x128xf32, #tpu.memory_space<vmem>>
    %dma_start3A_83 = arith.constant 0 : i32
    %dma_start3A_84 = tpu.memref_slice %arg13[%dma_start3A_83] : memref<10240xi32, #tpu.memory_space<vmem>> -> memref<80xi32, #tpu.memory_space<vmem>>
    %dma_start3A_85 = arith.constant 0 : i32
    %dma_start3A_86 = arith.constant 0 : i32
    %dma_start3A_87 = tpu.memref_slice %arg7[%dma_start3A_85, %dma_start3A_86] : memref<10240x128xf32, #tpu.memory_space<hbm>> -> memref<10240x128xf32, #tpu.memory_space<hbm>>
    tpu.enqueue_indirect_dma source(%dma_start3A_87 : memref<10240x128xf32, #tpu.memory_space<hbm>>) target(%dma_start3A_82 : memref<80x128xf32, #tpu.memory_space<vmem>>) offsets(%dma_start3A_84 : memref<80xi32, #tpu.memory_space<vmem>>) semaphore(%arg16 : memref<!tpu.dma_semaphore, #tpu.memory_space<semaphore_mem>>)
    %scan3A_88 = arith.constant 0 : i32
    %scan3A_89 = arith.constant 0 : i32
    %scan3A_90 = arith.constant 64 : i32
    %scan3A_91 = arith.addi %scan3A_89, %scan3A_90 : i32
    %scan3A_92 = arith.constant 1 : i32
    scf.for %scan3A_149 = %scan3A_89 to %scan3A_91 step %scan3A_92  : i32 {
      %mul3A_150 = arith.constant 2 : i32
      %mul3A_151 = arith.muli %mul3A_150, %scan3A_149 : i32
      %add3A_152 = arith.constant 1 : i32
      %add3A_153 = arith.addi %mul3A_151, %add3A_152 : i32
      %mul3A_154 = arith.constant 80 : i32
      %mul3A_155 = arith.muli %add3A_153, %mul3A_154 : i32
      %dma_start3A_156 = arith.constant 1 : i32
      %dma_start3A_157 = arith.constant 0 : i32
      %dma_start3A_158 = arith.constant 0 : i32
      %dma_start3A_159 = tpu.memref_slice %arg15[%dma_start3A_156, %dma_start3A_157, %dma_start3A_158] : memref<2x80x128xf32, #tpu.memory_space<vmem>> -> memref<1x80x128xf32, #tpu.memory_space<vmem>>
      %dma_start3A_160 = tpu.memref_squeeze %dma_start3A_159 : memref<1x80x128xf32, #tpu.memory_space<vmem>> -> memref<80x128xf32, #tpu.memory_space<vmem>>
      %dma_start3A_161 = tpu.memref_slice %arg13[%mul3A_155] : memref<10240xi32, #tpu.memory_space<vmem>> -> memref<80xi32, #tpu.memory_space<vmem>>
      %dma_start3A_162 = arith.constant 0 : i32
      %dma_start3A_163 = arith.constant 0 : i32
      %dma_start3A_164 = tpu.memref_slice %arg7[%dma_start3A_162, %dma_start3A_163] : memref<10240x128xf32, #tpu.memory_space<hbm>> -> memref<10240x128xf32, #tpu.memory_space<hbm>>
      tpu.enqueue_indirect_dma source(%dma_start3A_164 : memref<10240x128xf32, #tpu.memory_space<hbm>>) target(%dma_start3A_160 : memref<80x128xf32, #tpu.memory_space<vmem>>) offsets(%dma_start3A_161 : memref<80xi32, #tpu.memory_space<vmem>>) semaphore(%arg17 : memref<!tpu.dma_semaphore, #tpu.memory_space<semaphore_mem>>)
      %mul3A_165 = arith.constant 80 : i32
      %mul3A_166 = arith.muli %mul3A_151, %mul3A_165 : i32
      %dma_wait3A_167 = arith.constant 0 : i32
      %dma_wait3A_168 = arith.constant 0 : i32
      %dma_wait3A_169 = arith.constant 0 : i32
      %dma_wait3A_170 = tpu.memref_slice %arg15[%dma_wait3A_167, %dma_wait3A_168, %dma_wait3A_169] : memref<2x80x128xf32, #tpu.memory_space<vmem>> -> memref<1x80x128xf32, #tpu.memory_space<vmem>>
      %dma_wait3A_171 = tpu.memref_squeeze %dma_wait3A_170 : memref<1x80x128xf32, #tpu.memory_space<vmem>> -> memref<80x128xf32, #tpu.memory_space<vmem>>
      %dma_wait3A_172 = tpu.memref_slice %arg13[%mul3A_166] : memref<10240xi32, #tpu.memory_space<vmem>> -> memref<80xi32, #tpu.memory_space<vmem>>
      %dma_wait3A_173 = arith.constant 0 : i32
      %dma_wait3A_174 = arith.constant 0 : i32
      %dma_wait3A_175 = tpu.memref_slice %arg7[%dma_wait3A_173, %dma_wait3A_174] : memref<10240x128xf32, #tpu.memory_space<hbm>> -> memref<10240x128xf32, #tpu.memory_space<hbm>>
      tpu.wait_indirect_dma semaphore(%arg16 : memref<!tpu.dma_semaphore, #tpu.memory_space<semaphore_mem>>) src(%dma_wait3A_175 : memref<10240x128xf32, #tpu.memory_space<hbm>>) dst(%dma_wait3A_171 : memref<80x128xf32, #tpu.memory_space<vmem>>)
      %run_scoped3A = arith.constant 0 : i32
      "tpu.region"() ({
        %run_scoped3A_206 = tpu.sem_alloc : memref<!tpu.dma_semaphore, #tpu.memory_space<semaphore_mem>>
        %dma_start3A_207 = arith.constant 0 : i32
        %dma_start3A_208 = arith.constant 0 : i32
        %dma_start3A_209 = tpu.memref_slice %arg15[%run_scoped3A, %dma_start3A_207, %dma_start3A_208] : memref<2x80x128xf32, #tpu.memory_space<vmem>> -> memref<1x80x128xf32, #tpu.memory_space<vmem>>
        %dma_start3A_210 = tpu.memref_squeeze %dma_start3A_209 : memref<1x80x128xf32, #tpu.memory_space<vmem>> -> memref<80x128xf32, #tpu.memory_space<vmem>>
        %dma_start3A_211 = arith.constant 0 : i32
        %dma_start3A_212 = tpu.memref_slice %arg14[%mul3A_151, %dma_start3A_211] : memref<128x80xi32, #tpu.memory_space<vmem>> -> memref<1x80xi32, #tpu.memory_space<vmem>>
        %dma_start3A_213 = tpu.memref_squeeze %dma_start3A_212 : memref<1x80xi32, #tpu.memory_space<vmem>> -> memref<80xi32, #tpu.memory_space<vmem>>
        %dma_start3A_214 = arith.constant 0 : i32
        %dma_start3A_215 = arith.constant 0 : i32
        %dma_start3A_216 = tpu.memref_slice %arg18[%dma_start3A_214, %dma_start3A_215] : memref<10240x128xf32, #tpu.memory_space<vmem_shared>> -> memref<10240x128xf32, #tpu.memory_space<vmem_shared>>
        tpu.enqueue_indirect_dma source(%dma_start3A_210 : memref<80x128xf32, #tpu.memory_space<vmem>>) target(%dma_start3A_216 : memref<10240x128xf32, #tpu.memory_space<vmem_shared>>) offsets(%dma_start3A_213 : memref<80xi32, #tpu.memory_space<vmem>>) semaphore(%run_scoped3A_206 : memref<!tpu.dma_semaphore, #tpu.memory_space<semaphore_mem>>) {add = true}
        %dma_wait3A_217 = arith.constant 0 : i32
        %dma_wait3A_218 = arith.constant 0 : i32
        %dma_wait3A_219 = tpu.memref_slice %arg15[%run_scoped3A, %dma_wait3A_217, %dma_wait3A_218] : memref<2x80x128xf32, #tpu.memory_space<vmem>> -> memref<1x80x128xf32, #tpu.memory_space<vmem>>
        %dma_wait3A_220 = tpu.memref_squeeze %dma_wait3A_219 : memref<1x80x128xf32, #tpu.memory_space<vmem>> -> memref<80x128xf32, #tpu.memory_space<vmem>>
        %dma_wait3A_221 = arith.constant 0 : i32
        %dma_wait3A_222 = tpu.memref_slice %arg14[%mul3A_151, %dma_wait3A_221] : memref<128x80xi32, #tpu.memory_space<vmem>> -> memref<1x80xi32, #tpu.memory_space<vmem>>
        %dma_wait3A_223 = tpu.memref_squeeze %dma_wait3A_222 : memref<1x80xi32, #tpu.memory_space<vmem>> -> memref<80xi32, #tpu.memory_space<vmem>>
        %dma_wait3A_224 = arith.constant 0 : i32
        %dma_wait3A_225 = arith.constant 0 : i32
        %dma_wait3A_226 = tpu.memref_slice %arg18[%dma_wait3A_224, %dma_wait3A_225] : memref<10240x128xf32, #tpu.memory_space<vmem_shared>> -> memref<10240x128xf32, #tpu.memory_space<vmem_shared>>
        tpu.wait_indirect_dma semaphore(%run_scoped3A_206 : memref<!tpu.dma_semaphore, #tpu.memory_space<semaphore_mem>>) src(%dma_wait3A_220 : memref<80x128xf32, #tpu.memory_space<vmem>>) dst(%dma_wait3A_226 : memref<10240x128xf32, #tpu.memory_space<vmem_shared>>)
        tpu.yield
      }) : () -> ()
      %add3A_176 = arith.constant 2 : i32
      %add3A_177 = arith.addi %mul3A_151, %add3A_176 : i32
      %min3A = arith.constant 126 : i32
      %min3A_178 = arith.minsi %add3A_177, %min3A : i32
      %mul3A_179 = arith.constant 80 : i32
      %mul3A_180 = arith.muli %min3A_178, %mul3A_179 : i32
      %dma_start3A_181 = arith.constant 0 : i32
      %dma_start3A_182 = arith.constant 0 : i32
      %dma_start3A_183 = arith.constant 0 : i32
      %dma_start3A_184 = tpu.memref_slice %arg15[%dma_start3A_181, %dma_start3A_182, %dma_start3A_183] : memref<2x80x128xf32, #tpu.memory_space<vmem>> -> memref<1x80x128xf32, #tpu.memory_space<vmem>>
      %dma_start3A_185 = tpu.memref_squeeze %dma_start3A_184 : memref<1x80x128xf32, #tpu.memory_space<vmem>> -> memref<80x128xf32, #tpu.memory_space<vmem>>
      %dma_start3A_186 = tpu.memref_slice %arg13[%mul3A_180] : memref<10240xi32, #tpu.memory_space<vmem>> -> memref<80xi32, #tpu.memory_space<vmem>>
      %dma_start3A_187 = arith.constant 0 : i32
      %dma_start3A_188 = arith.constant 0 : i32
      %dma_start3A_189 = tpu.memref_slice %arg7[%dma_start3A_187, %dma_start3A_188] : memref<10240x128xf32, #tpu.memory_space<hbm>> -> memref<10240x128xf32, #tpu.memory_space<hbm>>
      tpu.enqueue_indirect_dma source(%dma_start3A_189 : memref<10240x128xf32, #tpu.memory_space<hbm>>) target(%dma_start3A_185 : memref<80x128xf32, #tpu.memory_space<vmem>>) offsets(%dma_start3A_186 : memref<80xi32, #tpu.memory_space<vmem>>) semaphore(%arg16 : memref<!tpu.dma_semaphore, #tpu.memory_space<semaphore_mem>>)
      %add3A_190 = arith.constant 1 : i32
      %add3A_191 = arith.addi %mul3A_151, %add3A_190 : i32
      %mul3A_192 = arith.constant 80 : i32
      %mul3A_193 = arith.muli %add3A_191, %mul3A_192 : i32
      %dma_wait3A_194 = arith.constant 1 : i32
      %dma_wait3A_195 = arith.constant 0 : i32
      %dma_wait3A_196 = arith.constant 0 : i32
      %dma_wait3A_197 = tpu.memref_slice %arg15[%dma_wait3A_194, %dma_wait3A_195, %dma_wait3A_196] : memref<2x80x128xf32, #tpu.memory_space<vmem>> -> memref<1x80x128xf32, #tpu.memory_space<vmem>>
      %dma_wait3A_198 = tpu.memref_squeeze %dma_wait3A_197 : memref<1x80x128xf32, #tpu.memory_space<vmem>> -> memref<80x128xf32, #tpu.memory_space<vmem>>
      %dma_wait3A_199 = tpu.memref_slice %arg13[%mul3A_193] : memref<10240xi32, #tpu.memory_space<vmem>> -> memref<80xi32, #tpu.memory_space<vmem>>
      %dma_wait3A_200 = arith.constant 0 : i32
      %dma_wait3A_201 = arith.constant 0 : i32
      %dma_wait3A_202 = tpu.memref_slice %arg7[%dma_wait3A_200, %dma_wait3A_201] : memref<10240x128xf32, #tpu.memory_space<hbm>> -> memref<10240x128xf32, #tpu.memory_space<hbm>>
      tpu.wait_indirect_dma semaphore(%arg17 : memref<!tpu.dma_semaphore, #tpu.memory_space<semaphore_mem>>) src(%dma_wait3A_202 : memref<10240x128xf32, #tpu.memory_space<hbm>>) dst(%dma_wait3A_198 : memref<80x128xf32, #tpu.memory_space<vmem>>)
      %add3A_203 = arith.constant 1 : i32
      %add3A_204 = arith.addi %mul3A_151, %add3A_203 : i32
      %run_scoped3A_205 = arith.constant 1 : i32
      "tpu.region"() ({
        %run_scoped3A_206 = tpu.sem_alloc : memref<!tpu.dma_semaphore, #tpu.memory_space<semaphore_mem>>
        %dma_start3A_207 = arith.constant 0 : i32
        %dma_start3A_208 = arith.constant 0 : i32
        %dma_start3A_209 = tpu.memref_slice %arg15[%run_scoped3A_205, %dma_start3A_207, %dma_start3A_208] : memref<2x80x128xf32, #tpu.memory_space<vmem>> -> memref<1x80x128xf32, #tpu.memory_space<vmem>>
        %dma_start3A_210 = tpu.memref_squeeze %dma_start3A_209 : memref<1x80x128xf32, #tpu.memory_space<vmem>> -> memref<80x128xf32, #tpu.memory_space<vmem>>
        %dma_start3A_211 = arith.constant 0 : i32
        %dma_start3A_212 = tpu.memref_slice %arg14[%add3A_204, %dma_start3A_211] : memref<128x80xi32, #tpu.memory_space<vmem>> -> memref<1x80xi32, #tpu.memory_space<vmem>>
        %dma_start3A_213 = tpu.memref_squeeze %dma_start3A_212 : memref<1x80xi32, #tpu.memory_space<vmem>> -> memref<80xi32, #tpu.memory_space<vmem>>
        %dma_start3A_214 = arith.constant 0 : i32
        %dma_start3A_215 = arith.constant 0 : i32
        %dma_start3A_216 = tpu.memref_slice %arg18[%dma_start3A_214, %dma_start3A_215] : memref<10240x128xf32, #tpu.memory_space<vmem_shared>> -> memref<10240x128xf32, #tpu.memory_space<vmem_shared>>
        tpu.enqueue_indirect_dma source(%dma_start3A_210 : memref<80x128xf32, #tpu.memory_space<vmem>>) target(%dma_start3A_216 : memref<10240x128xf32, #tpu.memory_space<vmem_shared>>) offsets(%dma_start3A_213 : memref<80xi32, #tpu.memory_space<vmem>>) semaphore(%run_scoped3A_206 : memref<!tpu.dma_semaphore, #tpu.memory_space<semaphore_mem>>) {add = true}
        %dma_wait3A_217 = arith.constant 0 : i32
        %dma_wait3A_218 = arith.constant 0 : i32
        %dma_wait3A_219 = tpu.memref_slice %arg15[%run_scoped3A_205, %dma_wait3A_217, %dma_wait3A_218] : memref<2x80x128xf32, #tpu.memory_space<vmem>> -> memref<1x80x128xf32, #tpu.memory_space<vmem>>
        %dma_wait3A_220 = tpu.memref_squeeze %dma_wait3A_219 : memref<1x80x128xf32, #tpu.memory_space<vmem>> -> memref<80x128xf32, #tpu.memory_space<vmem>>
        %dma_wait3A_221 = arith.constant 0 : i32
        %dma_wait3A_222 = tpu.memref_slice %arg14[%add3A_204, %dma_wait3A_221] : memref<128x80xi32, #tpu.memory_space<vmem>> -> memref<1x80xi32, #tpu.memory_space<vmem>>
        %dma_wait3A_223 = tpu.memref_squeeze %dma_wait3A_222 : memref<1x80xi32, #tpu.memory_space<vmem>> -> memref<80xi32, #tpu.memory_space<vmem>>
        %dma_wait3A_224 = arith.constant 0 : i32
        %dma_wait3A_225 = arith.constant 0 : i32
        %dma_wait3A_226 = tpu.memref_slice %arg18[%dma_wait3A_224, %dma_wait3A_225] : memref<10240x128xf32, #tpu.memory_space<vmem_shared>> -> memref<10240x128xf32, #tpu.memory_space<vmem_shared>>
        tpu.wait_indirect_dma semaphore(%run_scoped3A_206 : memref<!tpu.dma_semaphore, #tpu.memory_space<semaphore_mem>>) src(%dma_wait3A_220 : memref<80x128xf32, #tpu.memory_space<vmem>>) dst(%dma_wait3A_226 : memref<10240x128xf32, #tpu.memory_space<vmem_shared>>)
        tpu.yield
      }) : () -> ()
    }
    %scan3A_93 = arith.constant 64 : i32
    %dma_wait3A_94 = arith.constant 0 : i32
    %dma_wait3A_95 = arith.constant 0 : i32
    %dma_wait3A_96 = arith.constant 0 : i32
    %dma_wait3A_97 = tpu.memref_slice %arg15[%dma_wait3A_94, %dma_wait3A_95, %dma_wait3A_96] : memref<2x80x128xf32, #tpu.memory_space<vmem>> -> memref<1x80x128xf32, #tpu.memory_space<vmem>>
    %dma_wait3A_98 = tpu.memref_squeeze %dma_wait3A_97 : memref<1x80x128xf32, #tpu.memory_space<vmem>> -> memref<80x128xf32, #tpu.memory_space<vmem>>
    %dma_wait3A_99 = arith.constant 0 : i32
    %dma_wait3A_100 = tpu.memref_slice %arg13[%dma_wait3A_99] : memref<10240xi32, #tpu.memory_space<vmem>> -> memref<80xi32, #tpu.memory_space<vmem>>
    %dma_wait3A_101 = arith.constant 0 : i32
    %dma_wait3A_102 = arith.constant 0 : i32
    %dma_wait3A_103 = tpu.memref_slice %arg7[%dma_wait3A_101, %dma_wait3A_102] : memref<10240x128xf32, #tpu.memory_space<hbm>> -> memref<10240x128xf32, #tpu.memory_space<hbm>>
    tpu.wait_indirect_dma semaphore(%arg16 : memref<!tpu.dma_semaphore, #tpu.memory_space<semaphore_mem>>) src(%dma_wait3A_103 : memref<10240x128xf32, #tpu.memory_space<hbm>>) dst(%dma_wait3A_98 : memref<80x128xf32, #tpu.memory_space<vmem>>)
    %barrier3A_104 = arith.constant 0 : index
    tpu.barrier barrier_id(%barrier3A_104)
    %mul3A_105 = arith.constant 640 : i32
    %mul3A_106 = arith.muli %arg1, %mul3A_105 : i32
    %mul3A_107 = arith.constant 10240 : i32
    %mul3A_108 = arith.muli %arg0, %mul3A_107 : i32
    %mul3A_109 = arith.constant 640 : i32
    %mul3A_110 = arith.muli %arg1, %mul3A_109 : i32
    %add3A_111 = arith.addi %mul3A_108, %mul3A_110 : i32
    "tpu.region"() ({
      %run_scoped3A = tpu.sem_alloc : memref<!tpu.dma_semaphore, #tpu.memory_space<semaphore_mem>>
      %dma_start3A_149 = arith.constant 0 : i32
      %dma_start3A_150 = tpu.memref_slice %arg11[%add3A_111, %dma_start3A_149] : memref<20480x128xf32, #tpu.memory_space<hbm>> -> memref<640x128xf32, #tpu.memory_space<hbm>>
      %dma_start3A_151 = arith.constant 0 : i32
      %dma_start3A_152 = tpu.memref_slice %arg18[%mul3A_106, %dma_start3A_151] : memref<10240x128xf32, #tpu.memory_space<vmem_shared>> -> memref<640x128xf32, #tpu.memory_space<vmem_shared>>
      tpu.enqueue_dma source(%dma_start3A_152 : memref<640x128xf32, #tpu.memory_space<vmem_shared>>) target(%dma_start3A_150 : memref<640x128xf32, #tpu.memory_space<hbm>>) target_semaphore(%run_scoped3A : memref<!tpu.dma_semaphore, #tpu.memory_space<semaphore_mem>>)
      %dma_wait3A_153 = arith.constant 0 : i32
      %dma_wait3A_154 = tpu.memref_slice %arg11[%add3A_111, %dma_wait3A_153] : memref<20480x128xf32, #tpu.memory_space<hbm>> -> memref<640x128xf32, #tpu.memory_space<hbm>>
      %dma_wait3A_155 = arith.constant 0 : i32
      %dma_wait3A_156 = tpu.memref_slice %arg18[%mul3A_106, %dma_wait3A_155] : memref<10240x128xf32, #tpu.memory_space<vmem_shared>> -> memref<640x128xf32, #tpu.memory_space<vmem_shared>>
      tpu.wait_dma2 semaphore(%run_scoped3A : memref<!tpu.dma_semaphore, #tpu.memory_space<semaphore_mem>>) src(%dma_wait3A_156 : memref<640x128xf32, #tpu.memory_space<vmem_shared>>) dst(%dma_wait3A_154 : memref<640x128xf32, #tpu.memory_space<hbm>>)
      tpu.yield
    }) : () -> ()
    %mul3A_112 = arith.constant 640 : i32
    %mul3A_113 = arith.muli %arg1, %mul3A_112 : i32
    "tpu.region"() ({
      %run_scoped3A = tpu.sem_alloc : memref<!tpu.dma_semaphore, #tpu.memory_space<semaphore_mem>>
      %dma_start3A_149 = arith.constant 0 : i32
      %dma_start3A_150 = tpu.memref_slice %arg18[%mul3A_113, %dma_start3A_149] : memref<10240x128xf32, #tpu.memory_space<vmem_shared>> -> memref<640x128xf32, #tpu.memory_space<vmem_shared>>
      tpu.enqueue_dma source(%arg4 : memref<640x128xf32, #tpu.memory_space<hbm>>) target(%dma_start3A_150 : memref<640x128xf32, #tpu.memory_space<vmem_shared>>) target_semaphore(%run_scoped3A : memref<!tpu.dma_semaphore, #tpu.memory_space<semaphore_mem>>)
      %dma_wait3A_151 = arith.constant 0 : i32
      %dma_wait3A_152 = tpu.memref_slice %arg18[%mul3A_113, %dma_wait3A_151] : memref<10240x128xf32, #tpu.memory_space<vmem_shared>> -> memref<640x128xf32, #tpu.memory_space<vmem_shared>>
      tpu.wait_dma2 semaphore(%run_scoped3A : memref<!tpu.dma_semaphore, #tpu.memory_space<semaphore_mem>>) src(%arg4 : memref<640x128xf32, #tpu.memory_space<hbm>>) dst(%dma_wait3A_152 : memref<640x128xf32, #tpu.memory_space<vmem_shared>>)
      tpu.yield
    }) : () -> ()
    %barrier3A_114 = arith.constant 0 : index
    tpu.barrier barrier_id(%barrier3A_114)
    %dma_start3A_115 = arith.constant 0 : i32
    %dma_start3A_116 = arith.constant 0 : i32
    %dma_start3A_117 = arith.constant 0 : i32
    %dma_start3A_118 = tpu.memref_slice %arg15[%dma_start3A_115, %dma_start3A_116, %dma_start3A_117] : memref<2x80x128xf32, #tpu.memory_space<vmem>> -> memref<1x80x128xf32, #tpu.memory_space<vmem>>
    %dma_start3A_119 = tpu.memref_squeeze %dma_start3A_118 : memref<1x80x128xf32, #tpu.memory_space<vmem>> -> memref<80x128xf32, #tpu.memory_space<vmem>>
    %dma_start3A_120 = arith.constant 0 : i32
    %dma_start3A_121 = tpu.memref_slice %arg13[%dma_start3A_120] : memref<10240xi32, #tpu.memory_space<vmem>> -> memref<80xi32, #tpu.memory_space<vmem>>
    %dma_start3A_122 = arith.constant 0 : i32
    %dma_start3A_123 = arith.constant 0 : i32
    %dma_start3A_124 = tpu.memref_slice %arg8[%dma_start3A_122, %dma_start3A_123] : memref<10240x128xf32, #tpu.memory_space<hbm>> -> memref<10240x128xf32, #tpu.memory_space<hbm>>
    tpu.enqueue_indirect_dma source(%dma_start3A_124 : memref<10240x128xf32, #tpu.memory_space<hbm>>) target(%dma_start3A_119 : memref<80x128xf32, #tpu.memory_space<vmem>>) offsets(%dma_start3A_121 : memref<80xi32, #tpu.memory_space<vmem>>) semaphore(%arg16 : memref<!tpu.dma_semaphore, #tpu.memory_space<semaphore_mem>>)
    %scan3A_125 = arith.constant 0 : i32
    %scan3A_126 = arith.constant 0 : i32
    %scan3A_127 = arith.constant 64 : i32
    %scan3A_128 = arith.addi %scan3A_126, %scan3A_127 : i32
    %scan3A_129 = arith.constant 1 : i32
    scf.for %scan3A_149 = %scan3A_126 to %scan3A_128 step %scan3A_129  : i32 {
      %mul3A_150 = arith.constant 2 : i32
      %mul3A_151 = arith.muli %mul3A_150, %scan3A_149 : i32
      %add3A_152 = arith.constant 1 : i32
      %add3A_153 = arith.addi %mul3A_151, %add3A_152 : i32
      %mul3A_154 = arith.constant 80 : i32
      %mul3A_155 = arith.muli %add3A_153, %mul3A_154 : i32
      %dma_start3A_156 = arith.constant 1 : i32
      %dma_start3A_157 = arith.constant 0 : i32
      %dma_start3A_158 = arith.constant 0 : i32
      %dma_start3A_159 = tpu.memref_slice %arg15[%dma_start3A_156, %dma_start3A_157, %dma_start3A_158] : memref<2x80x128xf32, #tpu.memory_space<vmem>> -> memref<1x80x128xf32, #tpu.memory_space<vmem>>
      %dma_start3A_160 = tpu.memref_squeeze %dma_start3A_159 : memref<1x80x128xf32, #tpu.memory_space<vmem>> -> memref<80x128xf32, #tpu.memory_space<vmem>>
      %dma_start3A_161 = tpu.memref_slice %arg13[%mul3A_155] : memref<10240xi32, #tpu.memory_space<vmem>> -> memref<80xi32, #tpu.memory_space<vmem>>
      %dma_start3A_162 = arith.constant 0 : i32
      %dma_start3A_163 = arith.constant 0 : i32
      %dma_start3A_164 = tpu.memref_slice %arg8[%dma_start3A_162, %dma_start3A_163] : memref<10240x128xf32, #tpu.memory_space<hbm>> -> memref<10240x128xf32, #tpu.memory_space<hbm>>
      tpu.enqueue_indirect_dma source(%dma_start3A_164 : memref<10240x128xf32, #tpu.memory_space<hbm>>) target(%dma_start3A_160 : memref<80x128xf32, #tpu.memory_space<vmem>>) offsets(%dma_start3A_161 : memref<80xi32, #tpu.memory_space<vmem>>) semaphore(%arg17 : memref<!tpu.dma_semaphore, #tpu.memory_space<semaphore_mem>>)
      %mul3A_165 = arith.constant 80 : i32
      %mul3A_166 = arith.muli %mul3A_151, %mul3A_165 : i32
      %dma_wait3A_167 = arith.constant 0 : i32
      %dma_wait3A_168 = arith.constant 0 : i32
      %dma_wait3A_169 = arith.constant 0 : i32
      %dma_wait3A_170 = tpu.memref_slice %arg15[%dma_wait3A_167, %dma_wait3A_168, %dma_wait3A_169] : memref<2x80x128xf32, #tpu.memory_space<vmem>> -> memref<1x80x128xf32, #tpu.memory_space<vmem>>
      %dma_wait3A_171 = tpu.memref_squeeze %dma_wait3A_170 : memref<1x80x128xf32, #tpu.memory_space<vmem>> -> memref<80x128xf32, #tpu.memory_space<vmem>>
      %dma_wait3A_172 = tpu.memref_slice %arg13[%mul3A_166] : memref<10240xi32, #tpu.memory_space<vmem>> -> memref<80xi32, #tpu.memory_space<vmem>>
      %dma_wait3A_173 = arith.constant 0 : i32
      %dma_wait3A_174 = arith.constant 0 : i32
      %dma_wait3A_175 = tpu.memref_slice %arg8[%dma_wait3A_173, %dma_wait3A_174] : memref<10240x128xf32, #tpu.memory_space<hbm>> -> memref<10240x128xf32, #tpu.memory_space<hbm>>
      tpu.wait_indirect_dma semaphore(%arg16 : memref<!tpu.dma_semaphore, #tpu.memory_space<semaphore_mem>>) src(%dma_wait3A_175 : memref<10240x128xf32, #tpu.memory_space<hbm>>) dst(%dma_wait3A_171 : memref<80x128xf32, #tpu.memory_space<vmem>>)
      %run_scoped3A = arith.constant 0 : i32
      "tpu.region"() ({
        %run_scoped3A_206 = tpu.sem_alloc : memref<!tpu.dma_semaphore, #tpu.memory_space<semaphore_mem>>
        %dma_start3A_207 = arith.constant 0 : i32
        %dma_start3A_208 = arith.constant 0 : i32
        %dma_start3A_209 = tpu.memref_slice %arg15[%run_scoped3A, %dma_start3A_207, %dma_start3A_208] : memref<2x80x128xf32, #tpu.memory_space<vmem>> -> memref<1x80x128xf32, #tpu.memory_space<vmem>>
        %dma_start3A_210 = tpu.memref_squeeze %dma_start3A_209 : memref<1x80x128xf32, #tpu.memory_space<vmem>> -> memref<80x128xf32, #tpu.memory_space<vmem>>
        %dma_start3A_211 = arith.constant 0 : i32
        %dma_start3A_212 = tpu.memref_slice %arg14[%mul3A_151, %dma_start3A_211] : memref<128x80xi32, #tpu.memory_space<vmem>> -> memref<1x80xi32, #tpu.memory_space<vmem>>
        %dma_start3A_213 = tpu.memref_squeeze %dma_start3A_212 : memref<1x80xi32, #tpu.memory_space<vmem>> -> memref<80xi32, #tpu.memory_space<vmem>>
        %dma_start3A_214 = arith.constant 0 : i32
        %dma_start3A_215 = arith.constant 0 : i32
        %dma_start3A_216 = tpu.memref_slice %arg18[%dma_start3A_214, %dma_start3A_215] : memref<10240x128xf32, #tpu.memory_space<vmem_shared>> -> memref<10240x128xf32, #tpu.memory_space<vmem_shared>>
        tpu.enqueue_indirect_dma source(%dma_start3A_210 : memref<80x128xf32, #tpu.memory_space<vmem>>) target(%dma_start3A_216 : memref<10240x128xf32, #tpu.memory_space<vmem_shared>>) offsets(%dma_start3A_213 : memref<80xi32, #tpu.memory_space<vmem>>) semaphore(%run_scoped3A_206 : memref<!tpu.dma_semaphore, #tpu.memory_space<semaphore_mem>>) {add = true}
        %dma_wait3A_217 = arith.constant 0 : i32
        %dma_wait3A_218 = arith.constant 0 : i32
        %dma_wait3A_219 = tpu.memref_slice %arg15[%run_scoped3A, %dma_wait3A_217, %dma_wait3A_218] : memref<2x80x128xf32, #tpu.memory_space<vmem>> -> memref<1x80x128xf32, #tpu.memory_space<vmem>>
        %dma_wait3A_220 = tpu.memref_squeeze %dma_wait3A_219 : memref<1x80x128xf32, #tpu.memory_space<vmem>> -> memref<80x128xf32, #tpu.memory_space<vmem>>
        %dma_wait3A_221 = arith.constant 0 : i32
        %dma_wait3A_222 = tpu.memref_slice %arg14[%mul3A_151, %dma_wait3A_221] : memref<128x80xi32, #tpu.memory_space<vmem>> -> memref<1x80xi32, #tpu.memory_space<vmem>>
        %dma_wait3A_223 = tpu.memref_squeeze %dma_wait3A_222 : memref<1x80xi32, #tpu.memory_space<vmem>> -> memref<80xi32, #tpu.memory_space<vmem>>
        %dma_wait3A_224 = arith.constant 0 : i32
        %dma_wait3A_225 = arith.constant 0 : i32
        %dma_wait3A_226 = tpu.memref_slice %arg18[%dma_wait3A_224, %dma_wait3A_225] : memref<10240x128xf32, #tpu.memory_space<vmem_shared>> -> memref<10240x128xf32, #tpu.memory_space<vmem_shared>>
        tpu.wait_indirect_dma semaphore(%run_scoped3A_206 : memref<!tpu.dma_semaphore, #tpu.memory_space<semaphore_mem>>) src(%dma_wait3A_220 : memref<80x128xf32, #tpu.memory_space<vmem>>) dst(%dma_wait3A_226 : memref<10240x128xf32, #tpu.memory_space<vmem_shared>>)
        tpu.yield
      }) : () -> ()
      %add3A_176 = arith.constant 2 : i32
      %add3A_177 = arith.addi %mul3A_151, %add3A_176 : i32
      %min3A = arith.constant 126 : i32
      %min3A_178 = arith.minsi %add3A_177, %min3A : i32
      %mul3A_179 = arith.constant 80 : i32
      %mul3A_180 = arith.muli %min3A_178, %mul3A_179 : i32
      %dma_start3A_181 = arith.constant 0 : i32
      %dma_start3A_182 = arith.constant 0 : i32
      %dma_start3A_183 = arith.constant 0 : i32
      %dma_start3A_184 = tpu.memref_slice %arg15[%dma_start3A_181, %dma_start3A_182, %dma_start3A_183] : memref<2x80x128xf32, #tpu.memory_space<vmem>> -> memref<1x80x128xf32, #tpu.memory_space<vmem>>
      %dma_start3A_185 = tpu.memref_squeeze %dma_start3A_184 : memref<1x80x128xf32, #tpu.memory_space<vmem>> -> memref<80x128xf32, #tpu.memory_space<vmem>>
      %dma_start3A_186 = tpu.memref_slice %arg13[%mul3A_180] : memref<10240xi32, #tpu.memory_space<vmem>> -> memref<80xi32, #tpu.memory_space<vmem>>
      %dma_start3A_187 = arith.constant 0 : i32
      %dma_start3A_188 = arith.constant 0 : i32
      %dma_start3A_189 = tpu.memref_slice %arg8[%dma_start3A_187, %dma_start3A_188] : memref<10240x128xf32, #tpu.memory_space<hbm>> -> memref<10240x128xf32, #tpu.memory_space<hbm>>
      tpu.enqueue_indirect_dma source(%dma_start3A_189 : memref<10240x128xf32, #tpu.memory_space<hbm>>) target(%dma_start3A_185 : memref<80x128xf32, #tpu.memory_space<vmem>>) offsets(%dma_start3A_186 : memref<80xi32, #tpu.memory_space<vmem>>) semaphore(%arg16 : memref<!tpu.dma_semaphore, #tpu.memory_space<semaphore_mem>>)
      %add3A_190 = arith.constant 1 : i32
      %add3A_191 = arith.addi %mul3A_151, %add3A_190 : i32
      %mul3A_192 = arith.constant 80 : i32
      %mul3A_193 = arith.muli %add3A_191, %mul3A_192 : i32
      %dma_wait3A_194 = arith.constant 1 : i32
      %dma_wait3A_195 = arith.constant 0 : i32
      %dma_wait3A_196 = arith.constant 0 : i32
      %dma_wait3A_197 = tpu.memref_slice %arg15[%dma_wait3A_194, %dma_wait3A_195, %dma_wait3A_196] : memref<2x80x128xf32, #tpu.memory_space<vmem>> -> memref<1x80x128xf32, #tpu.memory_space<vmem>>
      %dma_wait3A_198 = tpu.memref_squeeze %dma_wait3A_197 : memref<1x80x128xf32, #tpu.memory_space<vmem>> -> memref<80x128xf32, #tpu.memory_space<vmem>>
      %dma_wait3A_199 = tpu.memref_slice %arg13[%mul3A_193] : memref<10240xi32, #tpu.memory_space<vmem>> -> memref<80xi32, #tpu.memory_space<vmem>>
      %dma_wait3A_200 = arith.constant 0 : i32
      %dma_wait3A_201 = arith.constant 0 : i32
      %dma_wait3A_202 = tpu.memref_slice %arg8[%dma_wait3A_200, %dma_wait3A_201] : memref<10240x128xf32, #tpu.memory_space<hbm>> -> memref<10240x128xf32, #tpu.memory_space<hbm>>
      tpu.wait_indirect_dma semaphore(%arg17 : memref<!tpu.dma_semaphore, #tpu.memory_space<semaphore_mem>>) src(%dma_wait3A_202 : memref<10240x128xf32, #tpu.memory_space<hbm>>) dst(%dma_wait3A_198 : memref<80x128xf32, #tpu.memory_space<vmem>>)
      %add3A_203 = arith.constant 1 : i32
      %add3A_204 = arith.addi %mul3A_151, %add3A_203 : i32
      %run_scoped3A_205 = arith.constant 1 : i32
      "tpu.region"() ({
        %run_scoped3A_206 = tpu.sem_alloc : memref<!tpu.dma_semaphore, #tpu.memory_space<semaphore_mem>>
        %dma_start3A_207 = arith.constant 0 : i32
        %dma_start3A_208 = arith.constant 0 : i32
        %dma_start3A_209 = tpu.memref_slice %arg15[%run_scoped3A_205, %dma_start3A_207, %dma_start3A_208] : memref<2x80x128xf32, #tpu.memory_space<vmem>> -> memref<1x80x128xf32, #tpu.memory_space<vmem>>
        %dma_start3A_210 = tpu.memref_squeeze %dma_start3A_209 : memref<1x80x128xf32, #tpu.memory_space<vmem>> -> memref<80x128xf32, #tpu.memory_space<vmem>>
        %dma_start3A_211 = arith.constant 0 : i32
        %dma_start3A_212 = tpu.memref_slice %arg14[%add3A_204, %dma_start3A_211] : memref<128x80xi32, #tpu.memory_space<vmem>> -> memref<1x80xi32, #tpu.memory_space<vmem>>
        %dma_start3A_213 = tpu.memref_squeeze %dma_start3A_212 : memref<1x80xi32, #tpu.memory_space<vmem>> -> memref<80xi32, #tpu.memory_space<vmem>>
        %dma_start3A_214 = arith.constant 0 : i32
        %dma_start3A_215 = arith.constant 0 : i32
        %dma_start3A_216 = tpu.memref_slice %arg18[%dma_start3A_214, %dma_start3A_215] : memref<10240x128xf32, #tpu.memory_space<vmem_shared>> -> memref<10240x128xf32, #tpu.memory_space<vmem_shared>>
        tpu.enqueue_indirect_dma source(%dma_start3A_210 : memref<80x128xf32, #tpu.memory_space<vmem>>) target(%dma_start3A_216 : memref<10240x128xf32, #tpu.memory_space<vmem_shared>>) offsets(%dma_start3A_213 : memref<80xi32, #tpu.memory_space<vmem>>) semaphore(%run_scoped3A_206 : memref<!tpu.dma_semaphore, #tpu.memory_space<semaphore_mem>>) {add = true}
        %dma_wait3A_217 = arith.constant 0 : i32
        %dma_wait3A_218 = arith.constant 0 : i32
        %dma_wait3A_219 = tpu.memref_slice %arg15[%run_scoped3A_205, %dma_wait3A_217, %dma_wait3A_218] : memref<2x80x128xf32, #tpu.memory_space<vmem>> -> memref<1x80x128xf32, #tpu.memory_space<vmem>>
        %dma_wait3A_220 = tpu.memref_squeeze %dma_wait3A_219 : memref<1x80x128xf32, #tpu.memory_space<vmem>> -> memref<80x128xf32, #tpu.memory_space<vmem>>
        %dma_wait3A_221 = arith.constant 0 : i32
        %dma_wait3A_222 = tpu.memref_slice %arg14[%add3A_204, %dma_wait3A_221] : memref<128x80xi32, #tpu.memory_space<vmem>> -> memref<1x80xi32, #tpu.memory_space<vmem>>
        %dma_wait3A_223 = tpu.memref_squeeze %dma_wait3A_222 : memref<1x80xi32, #tpu.memory_space<vmem>> -> memref<80xi32, #tpu.memory_space<vmem>>
        %dma_wait3A_224 = arith.constant 0 : i32
        %dma_wait3A_225 = arith.constant 0 : i32
        %dma_wait3A_226 = tpu.memref_slice %arg18[%dma_wait3A_224, %dma_wait3A_225] : memref<10240x128xf32, #tpu.memory_space<vmem_shared>> -> memref<10240x128xf32, #tpu.memory_space<vmem_shared>>
        tpu.wait_indirect_dma semaphore(%run_scoped3A_206 : memref<!tpu.dma_semaphore, #tpu.memory_space<semaphore_mem>>) src(%dma_wait3A_220 : memref<80x128xf32, #tpu.memory_space<vmem>>) dst(%dma_wait3A_226 : memref<10240x128xf32, #tpu.memory_space<vmem_shared>>)
        tpu.yield
      }) : () -> ()
    }
    %scan3A_130 = arith.constant 64 : i32
    %dma_wait3A_131 = arith.constant 0 : i32
    %dma_wait3A_132 = arith.constant 0 : i32
    %dma_wait3A_133 = arith.constant 0 : i32
    %dma_wait3A_134 = tpu.memref_slice %arg15[%dma_wait3A_131, %dma_wait3A_132, %dma_wait3A_133] : memref<2x80x128xf32, #tpu.memory_space<vmem>> -> memref<1x80x128xf32, #tpu.memory_space<vmem>>
    %dma_wait3A_135 = tpu.memref_squeeze %dma_wait3A_134 : memref<1x80x128xf32, #tpu.memory_space<vmem>> -> memref<80x128xf32, #tpu.memory_space<vmem>>
    %dma_wait3A_136 = arith.constant 0 : i32
    %dma_wait3A_137 = tpu.memref_slice %arg13[%dma_wait3A_136] : memref<10240xi32, #tpu.memory_space<vmem>> -> memref<80xi32, #tpu.memory_space<vmem>>
    %dma_wait3A_138 = arith.constant 0 : i32
    %dma_wait3A_139 = arith.constant 0 : i32
    %dma_wait3A_140 = tpu.memref_slice %arg8[%dma_wait3A_138, %dma_wait3A_139] : memref<10240x128xf32, #tpu.memory_space<hbm>> -> memref<10240x128xf32, #tpu.memory_space<hbm>>
    tpu.wait_indirect_dma semaphore(%arg16 : memref<!tpu.dma_semaphore, #tpu.memory_space<semaphore_mem>>) src(%dma_wait3A_140 : memref<10240x128xf32, #tpu.memory_space<hbm>>) dst(%dma_wait3A_135 : memref<80x128xf32, #tpu.memory_space<vmem>>)
    %barrier3A_141 = arith.constant 0 : index
    tpu.barrier barrier_id(%barrier3A_141)
    %mul3A_142 = arith.constant 640 : i32
    %mul3A_143 = arith.muli %arg1, %mul3A_142 : i32
    %mul3A_144 = arith.constant 10240 : i32
    %mul3A_145 = arith.muli %arg0, %mul3A_144 : i32
    %mul3A_146 = arith.constant 640 : i32
    %mul3A_147 = arith.muli %arg1, %mul3A_146 : i32
    %add3A_148 = arith.addi %mul3A_145, %mul3A_147 : i32
    "tpu.region"() ({
      %run_scoped3A = tpu.sem_alloc : memref<!tpu.dma_semaphore, #tpu.memory_space<semaphore_mem>>
      %dma_start3A_149 = arith.constant 0 : i32
      %dma_start3A_150 = tpu.memref_slice %arg12[%add3A_148, %dma_start3A_149] : memref<20480x128xf32, #tpu.memory_space<hbm>> -> memref<640x128xf32, #tpu.memory_space<hbm>>
      %dma_start3A_151 = arith.constant 0 : i32
      %dma_start3A_152 = tpu.memref_slice %arg18[%mul3A_143, %dma_start3A_151] : memref<10240x128xf32, #tpu.memory_space<vmem_shared>> -> memref<640x128xf32, #tpu.memory_space<vmem_shared>>
      tpu.enqueue_dma source(%dma_start3A_152 : memref<640x128xf32, #tpu.memory_space<vmem_shared>>) target(%dma_start3A_150 : memref<640x128xf32, #tpu.memory_space<hbm>>) target_semaphore(%run_scoped3A : memref<!tpu.dma_semaphore, #tpu.memory_space<semaphore_mem>>)
      %dma_wait3A_153 = arith.constant 0 : i32
      %dma_wait3A_154 = tpu.memref_slice %arg12[%add3A_148, %dma_wait3A_153] : memref<20480x128xf32, #tpu.memory_space<hbm>> -> memref<640x128xf32, #tpu.memory_space<hbm>>
      %dma_wait3A_155 = arith.constant 0 : i32
      %dma_wait3A_156 = tpu.memref_slice %arg18[%mul3A_143, %dma_wait3A_155] : memref<10240x128xf32, #tpu.memory_space<vmem_shared>> -> memref<640x128xf32, #tpu.memory_space<vmem_shared>>
      tpu.wait_dma2 semaphore(%run_scoped3A : memref<!tpu.dma_semaphore, #tpu.memory_space<semaphore_mem>>) src(%dma_wait3A_156 : memref<640x128xf32, #tpu.memory_space<vmem_shared>>) dst(%dma_wait3A_154 : memref<640x128xf32, #tpu.memory_space<hbm>>)
      tpu.yield
    }) : () -> ()
    return
  }
}

module attributes {stable_mosaic.version = 14 : i64} {
  func.func @_tc_scale_body(%arg0: i32, %arg1: memref<640x32xf32, #tpu.memory_space<vmem>>, %arg2: memref<640x32xf32, #tpu.memory_space<vmem>>, %arg3: memref<640x128xf32, #tpu.memory_space<vmem>>, %arg4: memref<640x128xf32, #tpu.memory_space<vmem>>, %arg5: memref<640x1xf32, #tpu.memory_space<vmem>>, %arg6: memref<640x1xf32, #tpu.memory_space<vmem>>) attributes {dimension_semantics = [#tpu.dimension_semantics<arbitrary>], iteration_bounds = array<i64: 16>, scalar_prefetch = 0 : i64, scratch_operands = 0 : i64, tpu.core_type = #tpu.core_type<tc>, window_params = [{transform_indices = @transform_0, window_bounds = array<i64: 640, 32>}, {transform_indices = @transform_1, window_bounds = array<i64: 640, 32>}, {transform_indices = @transform_2, window_bounds = array<i64: 640, 128>}, {transform_indices = @transform_3, window_bounds = array<i64: 640, 128>}, {transform_indices = @transform_4, window_bounds = array<i64: 640, 1>}, {transform_indices = @transform_5, window_bounds = array<i64: 640, 1>}]} {
    %get3A = arith.constant 0 : index
    %get3A_0 = arith.constant 0 : index
    %get3A_1 = vector.load %arg1[%get3A, %get3A_0] : memref<640x32xf32, #tpu.memory_space<vmem>>, vector<640x32xf32>
    %reduce_sum3A = arith.constant dense<0.000000e+00> : vector<640xf32>
    %reduce_sum3A_2 = vector.multi_reduction <add>, %get3A_1, %reduce_sum3A [1] : vector<640x32xf32> to vector<640xf32>
    %broadcast_in_dim3A = vector.shape_cast %reduce_sum3A_2 : vector<640xf32> to vector<640x1xf32>
    %max3A = arith.constant 1.000000e+00 : f32
    %max3A_3 = vector.broadcast %max3A : f32 to vector<640x1xf32>
    %max3A_4 = arith.maximumf %broadcast_in_dim3A, %max3A_3 : vector<640x1xf32>
    %rsqrt3A = math.rsqrt %max3A_4 : vector<640x1xf32>
    %get3A_5 = arith.constant 0 : index
    %get3A_6 = arith.constant 0 : index
    %get3A_7 = vector.load %arg2[%get3A_5, %get3A_6] : memref<640x32xf32, #tpu.memory_space<vmem>>, vector<640x32xf32>
    %reduce_sum3A_8 = arith.constant dense<0.000000e+00> : vector<640xf32>
    %reduce_sum3A_9 = vector.multi_reduction <add>, %get3A_7, %reduce_sum3A_8 [1] : vector<640x32xf32> to vector<640xf32>
    %broadcast_in_dim3A_10 = vector.shape_cast %reduce_sum3A_9 : vector<640xf32> to vector<640x1xf32>
    %max3A_11 = arith.constant 1.000000e+00 : f32
    %max3A_12 = vector.broadcast %max3A_11 : f32 to vector<640x1xf32>
    %max3A_13 = arith.maximumf %broadcast_in_dim3A_10, %max3A_12 : vector<640x1xf32>
    %rsqrt3A_14 = math.rsqrt %max3A_13 : vector<640x1xf32>
    %get3A_15 = arith.constant 0 : index
    %get3A_16 = arith.constant 0 : index
    %get3A_17 = vector.load %arg3[%get3A_15, %get3A_16] : memref<640x128xf32, #tpu.memory_space<vmem>>, vector<640x128xf32>
    %mul3A = vector.broadcast %rsqrt3A : vector<640x1xf32> to vector<640x128xf32>
    %mul3A_18 = arith.mulf %get3A_17, %mul3A : vector<640x128xf32>
    %swap3A = arith.constant 0 : index
    %swap3A_19 = arith.constant 0 : index
    %swap3A_20 = vector.load %arg4[%swap3A, %swap3A_19] : memref<640x128xf32, #tpu.memory_space<vmem>>, vector<640x128xf32>
    tpu.vector_store %arg4[%swap3A, %swap3A_19], %mul3A_18 {strides = array<i32>} : memref<640x128xf32, #tpu.memory_space<vmem>>, vector<640x128xf32>,
    %swap3A_21 = arith.constant 0 : index
    %swap3A_22 = arith.constant 0 : index
    %swap3A_23 = vector.load %arg5[%swap3A_21, %swap3A_22] : memref<640x1xf32, #tpu.memory_space<vmem>>, vector<640x1xf32>
    tpu.vector_store %arg5[%swap3A_21, %swap3A_22], %rsqrt3A {strides = array<i32>} : memref<640x1xf32, #tpu.memory_space<vmem>>, vector<640x1xf32>,
    %swap3A_24 = arith.constant 0 : index
    %swap3A_25 = arith.constant 0 : index
    %swap3A_26 = vector.load %arg6[%swap3A_24, %swap3A_25] : memref<640x1xf32, #tpu.memory_space<vmem>>, vector<640x1xf32>
    tpu.vector_store %arg6[%swap3A_24, %swap3A_25], %rsqrt3A_14 {strides = array<i32>} : memref<640x1xf32, #tpu.memory_space<vmem>>, vector<640x1xf32>,
    return
  }
  func.func @transform_0(%arg0: i32) -> (i32, i32) {
    %c0_i32 = arith.constant 0 : i32
    %c0_i32_0 = arith.constant 0 : i32
    return %arg0, %c0_i32 : i32, i32
  }
  func.func @transform_1(%arg0: i32) -> (i32, i32) {
    %c0_i32 = arith.constant 0 : i32
    %c0_i32_0 = arith.constant 0 : i32
    return %arg0, %c0_i32 : i32, i32
  }
  func.func @transform_2(%arg0: i32) -> (i32, i32) {
    %c0_i32 = arith.constant 0 : i32
    %c0_i32_0 = arith.constant 0 : i32
    return %arg0, %c0_i32 : i32, i32
  }
  func.func @transform_3(%arg0: i32) -> (i32, i32) {
    %c0_i32 = arith.constant 0 : i32
    %c0_i32_0 = arith.constant 0 : i32
    return %arg0, %c0_i32 : i32, i32
  }
  func.func @transform_4(%arg0: i32) -> (i32, i32) {
    %c0_i32 = arith.constant 0 : i32
    %c0_i32_0 = arith.constant 0 : i32
    return %arg0, %c0_i32 : i32, i32
  }
  func.func @transform_5(%arg0: i32) -> (i32, i32) {
    %c0_i32 = arith.constant 0 : i32
    %c0_i32_0 = arith.constant 0 : i32
    return %arg0, %c0_i32 : i32, i32
  }
}

module attributes {stable_mosaic.version = 14 : i64} {
  func.func @_tc_l1_body(%arg0: i32, %arg1: memref<640x128xf32, #tpu.memory_space<vmem>>, %arg2: memref<640x128xf32, #tpu.memory_space<vmem>>, %arg3: memref<640x1xf32, #tpu.memory_space<vmem>>, %arg4: memref<640x1xf32, #tpu.memory_space<vmem>>, %arg5: memref<128x512xf32, #tpu.memory_space<vmem>>, %arg6: memref<1x512xf32, #tpu.memory_space<vmem>>, %arg7: memref<1x1xf32, #tpu.memory_space<vmem>>, %arg8: memref<4x640x128xf32, #tpu.memory_space<vmem>>) attributes {dimension_semantics = [#tpu.dimension_semantics<arbitrary>], iteration_bounds = array<i64: 16>, scalar_prefetch = 0 : i64, scratch_operands = 0 : i64, tpu.core_type = #tpu.core_type<tc>, window_params = [{transform_indices = @transform_0, window_bounds = array<i64: 640, 128>}, {transform_indices = @transform_1, window_bounds = array<i64: 640, 128>}, {transform_indices = @transform_2, window_bounds = array<i64: 640, 1>}, {transform_indices = @transform_3, window_bounds = array<i64: 640, 1>}, {pipeline_mode = #tpu.pipeline_mode<synchronous>, transform_indices = @transform_4, window_bounds = array<i64: 128, 512>}, {pipeline_mode = #tpu.pipeline_mode<synchronous>, transform_indices = @transform_5, window_bounds = array<i64: 1, 512>}, {pipeline_mode = #tpu.pipeline_mode<synchronous>, transform_indices = @transform_6, window_bounds = array<i64: 1, 1>}, {transform_indices = @transform_7, window_bounds = array<i64: 4, 640, 128>}]} {
    %get3A = arith.constant 0 : index
    %get3A_0 = arith.constant 0 : index
    %get3A_1 = vector.load %arg1[%get3A, %get3A_0] : memref<640x128xf32, #tpu.memory_space<vmem>>, vector<640x128xf32>
    %get3A_2 = arith.constant 0 : index
    %get3A_3 = arith.constant 0 : index
    %get3A_4 = vector.load %arg2[%get3A_2, %get3A_3] : memref<640x128xf32, #tpu.memory_space<vmem>>, vector<640x128xf32>
    %add3A = arith.addf %get3A_1, %get3A_4 : vector<640x128xf32>
    %get3A_5 = arith.constant 0 : index
    %get3A_6 = arith.constant 0 : index
    %get3A_7 = vector.load %arg3[%get3A_5, %get3A_6] : memref<640x1xf32, #tpu.memory_space<vmem>>, vector<640x1xf32>
    %mul3A = vector.broadcast %get3A_7 : vector<640x1xf32> to vector<640x128xf32>
    %mul3A_8 = arith.mulf %add3A, %mul3A : vector<640x128xf32>
    %get3A_9 = arith.constant 0 : index
    %get3A_10 = arith.constant 0 : index
    %get3A_11 = vector.load %arg5[%get3A_9, %get3A_10] : memref<128x512xf32, #tpu.memory_space<vmem>>, vector<128x512xf32>
    %dot_general3A = arith.constant dense<0.000000e+00> : vector<640x512xf32>
    %dot_general3A_12 = tpu.matmul %mul3A_8, %get3A_11, %dot_general3A {dimension_numbers = #tpu.dot_dimension_numbers<[1], [0], [0], [1], [0, 0, 1, 1], [], []>, transpose_lhs_hint = false} : vector<640x128xf32>, vector<128x512xf32>, vector<640x512xf32> -> vector<640x512xf32>
    %get3A_13 = arith.constant 0 : index
    %get3A_14 = arith.constant 0 : index
    %get3A_15 = vector.load %arg6[%get3A_13, %get3A_14] : memref<1x512xf32, #tpu.memory_space<vmem>>, vector<1x512xf32>
    %add3A_16 = vector.broadcast %get3A_15 : vector<1x512xf32> to vector<640x512xf32>
    %add3A_17 = arith.addf %dot_general3A_12, %add3A_16 : vector<640x512xf32>
    %get3A_18 = arith.constant 0 : index
    %get3A_19 = arith.constant 0 : index
    %get3A_20 = vector.load %arg7[%get3A_18, %get3A_19] : memref<1x1xf32, #tpu.memory_space<vmem>>, vector<1x1xf32>
    %get3A_21 = vector.extract %get3A_20[0, 0] : f32 from vector<1x1xf32>
    %gt3A = arith.constant 0.000000e+00 : f32
    %gt3A_22 = vector.broadcast %gt3A : f32 to vector<640x512xf32>
    %gt3A_23 = arith.cmpf ogt, %add3A_17, %gt3A_22 : vector<640x512xf32>
    %mul3A_24 = vector.broadcast %get3A_21 : f32 to vector<640x512xf32>
    %mul3A_25 = arith.mulf %mul3A_24, %add3A_17 : vector<640x512xf32>
    %select_n3A = arith.select %gt3A_23, %add3A_17, %mul3A_25 : vector<640x512xi1>, vector<640x512xf32>
    %get3A_26 = arith.constant 0 : index
    %get3A_27 = arith.constant 0 : index
    %get3A_28 = vector.load %arg4[%get3A_26, %get3A_27] : memref<640x1xf32, #tpu.memory_space<vmem>>, vector<640x1xf32>
    %mul3A_29 = vector.broadcast %get3A_28 : vector<640x1xf32> to vector<640x512xf32>
    %mul3A_30 = arith.mulf %select_n3A, %mul3A_29 : vector<640x512xf32>
    %slice3A = vector.extract_strided_slice %mul3A_30 {offsets = [0, 0], sizes = [640, 128], strides = [1, 1]} : vector<640x512xf32> to vector<640x128xf32>
    %swap3A = arith.constant 0 : index
    %swap3A_31 = arith.constant 0 : index
    %swap3A_32 = arith.constant 0 : index
    %swap3A_33 = vector.load %arg8[%swap3A, %swap3A_31, %swap3A_32] : memref<4x640x128xf32, #tpu.memory_space<vmem>>, vector<1x640x128xf32>
    %swap3A_34 = vector.shape_cast %swap3A_33 : vector<1x640x128xf32> to vector<640x128xf32>
    %swap3A_35 = vector.shape_cast %slice3A : vector<640x128xf32> to vector<1x640x128xf32>
    tpu.vector_store %arg8[%swap3A, %swap3A_31, %swap3A_32], %swap3A_35 {strides = array<i32>} : memref<4x640x128xf32, #tpu.memory_space<vmem>>, vector<1x640x128xf32>,
    %slice3A_36 = vector.extract_strided_slice %mul3A_30 {offsets = [0, 128], sizes = [640, 128], strides = [1, 1]} : vector<640x512xf32> to vector<640x128xf32>
    %swap3A_37 = arith.constant 1 : index
    %swap3A_38 = arith.constant 0 : index
    %swap3A_39 = arith.constant 0 : index
    %swap3A_40 = vector.load %arg8[%swap3A_37, %swap3A_38, %swap3A_39] : memref<4x640x128xf32, #tpu.memory_space<vmem>>, vector<1x640x128xf32>
    %swap3A_41 = vector.shape_cast %swap3A_40 : vector<1x640x128xf32> to vector<640x128xf32>
    %swap3A_42 = vector.shape_cast %slice3A_36 : vector<640x128xf32> to vector<1x640x128xf32>
    tpu.vector_store %arg8[%swap3A_37, %swap3A_38, %swap3A_39], %swap3A_42 {strides = array<i32>} : memref<4x640x128xf32, #tpu.memory_space<vmem>>, vector<1x640x128xf32>,
    %slice3A_43 = vector.extract_strided_slice %mul3A_30 {offsets = [0, 256], sizes = [640, 128], strides = [1, 1]} : vector<640x512xf32> to vector<640x128xf32>
    %swap3A_44 = arith.constant 2 : index
    %swap3A_45 = arith.constant 0 : index
    %swap3A_46 = arith.constant 0 : index
    %swap3A_47 = vector.load %arg8[%swap3A_44, %swap3A_45, %swap3A_46] : memref<4x640x128xf32, #tpu.memory_space<vmem>>, vector<1x640x128xf32>
    %swap3A_48 = vector.shape_cast %swap3A_47 : vector<1x640x128xf32> to vector<640x128xf32>
    %swap3A_49 = vector.shape_cast %slice3A_43 : vector<640x128xf32> to vector<1x640x128xf32>
    tpu.vector_store %arg8[%swap3A_44, %swap3A_45, %swap3A_46], %swap3A_49 {strides = array<i32>} : memref<4x640x128xf32, #tpu.memory_space<vmem>>, vector<1x640x128xf32>,
    %slice3A_50 = vector.extract_strided_slice %mul3A_30 {offsets = [0, 384], sizes = [640, 128], strides = [1, 1]} : vector<640x512xf32> to vector<640x128xf32>
    %swap3A_51 = arith.constant 3 : index
    %swap3A_52 = arith.constant 0 : index
    %swap3A_53 = arith.constant 0 : index
    %swap3A_54 = vector.load %arg8[%swap3A_51, %swap3A_52, %swap3A_53] : memref<4x640x128xf32, #tpu.memory_space<vmem>>, vector<1x640x128xf32>
    %swap3A_55 = vector.shape_cast %swap3A_54 : vector<1x640x128xf32> to vector<640x128xf32>
    %swap3A_56 = vector.shape_cast %slice3A_50 : vector<640x128xf32> to vector<1x640x128xf32>
    tpu.vector_store %arg8[%swap3A_51, %swap3A_52, %swap3A_53], %swap3A_56 {strides = array<i32>} : memref<4x640x128xf32, #tpu.memory_space<vmem>>, vector<1x640x128xf32>,
    return
  }
  func.func @transform_0(%arg0: i32) -> (i32, i32) {
    %c0_i32 = arith.constant 0 : i32
    %c0_i32_0 = arith.constant 0 : i32
    return %arg0, %c0_i32 : i32, i32
  }
  func.func @transform_1(%arg0: i32) -> (i32, i32) {
    %add3A = arith.constant 16 : i32
    %add3A_0 = arith.addi %arg0, %add3A : i32
    %c0_i32 = arith.constant 0 : i32
    %c0_i32_1 = arith.constant 0 : i32
    return %add3A_0, %c0_i32 : i32, i32
  }
  func.func @transform_2(%arg0: i32) -> (i32, i32) {
    %c0_i32 = arith.constant 0 : i32
    %c0_i32_0 = arith.constant 0 : i32
    return %arg0, %c0_i32 : i32, i32
  }
  func.func @transform_3(%arg0: i32) -> (i32, i32) {
    %c0_i32 = arith.constant 0 : i32
    %c0_i32_0 = arith.constant 0 : i32
    return %arg0, %c0_i32 : i32, i32
  }
  func.func @transform_4(%arg0: i32) -> (i32, i32) {
    %c0_i32 = arith.constant 0 : i32
    %c0_i32_0 = arith.constant 0 : i32
    %c0_i32_1 = arith.constant 0 : i32
    return %c0_i32, %c0_i32_0 : i32, i32
  }
  func.func @transform_5(%arg0: i32) -> (i32, i32) {
    %c0_i32 = arith.constant 0 : i32
    %c0_i32_0 = arith.constant 0 : i32
    %c0_i32_1 = arith.constant 0 : i32
    return %c0_i32, %c0_i32_0 : i32, i32
  }
  func.func @transform_6(%arg0: i32) -> (i32, i32) {
    %c0_i32 = arith.constant 0 : i32
    %c0_i32_0 = arith.constant 0 : i32
    %c0_i32_1 = arith.constant 0 : i32
    return %c0_i32, %c0_i32_0 : i32, i32
  }
  func.func @transform_7(%arg0: i32) -> (i32, i32, i32) {
    %c0_i32 = arith.constant 0 : i32
    %c0_i32_0 = arith.constant 0 : i32
    %c0_i32_1 = arith.constant 0 : i32
    return %c0_i32, %arg0, %c0_i32_0 : i32, i32, i32
  }
}

module attributes {stable_mosaic.version = 14 : i64} {
  func.func @_tc_l2_body(%arg0: i32, %arg1: memref<640x128xf32, #tpu.memory_space<vmem>>, %arg2: memref<640x128xf32, #tpu.memory_space<vmem>>, %arg3: memref<640x128xf32, #tpu.memory_space<vmem>>, %arg4: memref<640x128xf32, #tpu.memory_space<vmem>>, %arg5: memref<640x128xf32, #tpu.memory_space<vmem>>, %arg6: memref<640x128xf32, #tpu.memory_space<vmem>>, %arg7: memref<640x128xf32, #tpu.memory_space<vmem>>, %arg8: memref<640x128xf32, #tpu.memory_space<vmem>>, %arg9: memref<640x1xf32, #tpu.memory_space<vmem>>, %arg10: memref<640x1xf32, #tpu.memory_space<vmem>>, %arg11: memref<512x512xf32, #tpu.memory_space<vmem>>, %arg12: memref<1x512xf32, #tpu.memory_space<vmem>>, %arg13: memref<1x1xf32, #tpu.memory_space<vmem>>, %arg14: memref<512x512xf32, #tpu.memory_space<vmem>>, %arg15: memref<512x128xf32, #tpu.memory_space<vmem>>, %arg16: memref<640x128xf32, #tpu.memory_space<vmem>>, %arg17: memref<512x128xf32, #tpu.memory_space<vmem>>) attributes {dimension_semantics = [#tpu.dimension_semantics<arbitrary>], iteration_bounds = array<i64: 16>, scalar_prefetch = 0 : i64, scratch_operands = 1 : i64, tpu.core_type = #tpu.core_type<tc>, window_params = [{transform_indices = @transform_0, window_bounds = array<i64: 640, 128>}, {transform_indices = @transform_1, window_bounds = array<i64: 640, 128>}, {transform_indices = @transform_2, window_bounds = array<i64: 640, 128>}, {transform_indices = @transform_3, window_bounds = array<i64: 640, 128>}, {transform_indices = @transform_4, window_bounds = array<i64: 640, 128>}, {transform_indices = @transform_5, window_bounds = array<i64: 640, 128>}, {transform_indices = @transform_6, window_bounds = array<i64: 640, 128>}, {transform_indices = @transform_7, window_bounds = array<i64: 640, 128>}, {transform_indices = @transform_8, window_bounds = array<i64: 640, 1>}, {transform_indices = @transform_9, window_bounds = array<i64: 640, 1>}, {pipeline_mode = #tpu.pipeline_mode<synchronous>, transform_indices = @transform_10, window_bounds = array<i64: 512, 512>}, {pipeline_mode = #tpu.pipeline_mode<synchronous>, transform_indices = @transform_11, window_bounds = array<i64: 1, 512>}, {pipeline_mode = #tpu.pipeline_mode<synchronous>, transform_indices = @transform_12, window_bounds = array<i64: 1, 1>}, {pipeline_mode = #tpu.pipeline_mode<synchronous>, transform_indices = @transform_13, window_bounds = array<i64: 512, 512>}, {pipeline_mode = #tpu.pipeline_mode<synchronous>, transform_indices = @transform_14, window_bounds = array<i64: 512, 128>}, {transform_indices = @transform_15, window_bounds = array<i64: 640, 128>}]} {
    %eq3A = arith.constant 0 : i32
    %eq3A_0 = arith.cmpi eq, %arg0, %eq3A : i32
    %convert_element_type3A = arith.extui %eq3A_0 : i1 to i32
    %cond3A = arith.constant 0 : i32
    %cond3A_1 = arith.cmpi ne, %convert_element_type3A, %cond3A : i32
    scf.if %cond3A_1 {
      %get3A_81 = arith.constant 0 : index
      %get3A_82 = arith.constant 0 : index
      %get3A_83 = vector.load %arg14[%get3A_81, %get3A_82] : memref<512x512xf32, #tpu.memory_space<vmem>>, vector<512x512xf32>
      %get3A_84 = arith.constant 0 : index
      %get3A_85 = arith.constant 0 : index
      %get3A_86 = vector.load %arg15[%get3A_84, %get3A_85] : memref<512x128xf32, #tpu.memory_space<vmem>>, vector<512x128xf32>
      %dot_general3A_87 = arith.constant dense<0.000000e+00> : vector<512x128xf32>
      %dot_general3A_88 = tpu.matmul %get3A_83, %get3A_86, %dot_general3A_87 {dimension_numbers = #tpu.dot_dimension_numbers<[1], [0], [0], [1], [0, 0, 1, 1], [], []>, transpose_lhs_hint = false} : vector<512x512xf32>, vector<512x128xf32>, vector<512x128xf32> -> vector<512x128xf32>
      %swap3A_89 = arith.constant 0 : index
      %swap3A_90 = arith.constant 0 : index
      %swap3A_91 = vector.load %arg17[%swap3A_89, %swap3A_90] : memref<512x128xf32, #tpu.memory_space<vmem>>, vector<512x128xf32>
      tpu.vector_store %arg17[%swap3A_89, %swap3A_90], %dot_general3A_88 {strides = array<i32>} : memref<512x128xf32, #tpu.memory_space<vmem>>, vector<512x128xf32>,
    } else {
    }
    %get3A = arith.constant 0 : index
    %get3A_2 = arith.constant 0 : index
    %get3A_3 = vector.load %arg9[%get3A, %get3A_2] : memref<640x1xf32, #tpu.memory_space<vmem>>, vector<640x1xf32>
    %get3A_4 = arith.constant 0 : index
    %get3A_5 = arith.constant 0 : index
    %get3A_6 = vector.load %arg11[%get3A_4, %get3A_5] : memref<512x512xf32, #tpu.memory_space<vmem>>, vector<512x512xf32>
    %broadcast_in_dim3A = arith.constant 0.000000e+00 : f32
    %broadcast_in_dim3A_7 = vector.broadcast %broadcast_in_dim3A : f32 to vector<640x512xf32>
    %get3A_8 = arith.constant 0 : index
    %get3A_9 = arith.constant 0 : index
    %get3A_10 = vector.load %arg12[%get3A_8, %get3A_9] : memref<1x512xf32, #tpu.memory_space<vmem>>, vector<1x512xf32>
    %add3A = vector.broadcast %get3A_10 : vector<1x512xf32> to vector<640x512xf32>
    %add3A_11 = arith.addf %broadcast_in_dim3A_7, %add3A : vector<640x512xf32>
    %get3A_12 = arith.constant 0 : index
    %get3A_13 = arith.constant 0 : index
    %get3A_14 = vector.load %arg1[%get3A_12, %get3A_13] : memref<640x128xf32, #tpu.memory_space<vmem>>, vector<640x128xf32>
    %get3A_15 = arith.constant 0 : index
    %get3A_16 = arith.constant 0 : index
    %get3A_17 = vector.load %arg2[%get3A_15, %get3A_16] : memref<640x128xf32, #tpu.memory_space<vmem>>, vector<640x128xf32>
    %add3A_18 = arith.addf %get3A_14, %get3A_17 : vector<640x128xf32>
    %mul3A = vector.broadcast %get3A_3 : vector<640x1xf32> to vector<640x128xf32>
    %mul3A_19 = arith.mulf %add3A_18, %mul3A : vector<640x128xf32>
    %slice3A = vector.extract_strided_slice %get3A_6 {offsets = [0, 0], sizes = [128, 512], strides = [1, 1]} : vector<512x512xf32> to vector<128x512xf32>
    %dot_general3A = arith.constant dense<0.000000e+00> : vector<640x512xf32>
    %dot_general3A_20 = tpu.matmul %mul3A_19, %slice3A, %dot_general3A {dimension_numbers = #tpu.dot_dimension_numbers<[1], [0], [0], [1], [0, 0, 1, 1], [], []>, transpose_lhs_hint = false} : vector<640x128xf32>, vector<128x512xf32>, vector<640x512xf32> -> vector<640x512xf32>
    %add3A_21 = arith.addf %add3A_11, %dot_general3A_20 : vector<640x512xf32>
    %get3A_22 = arith.constant 0 : index
    %get3A_23 = arith.constant 0 : index
    %get3A_24 = vector.load %arg3[%get3A_22, %get3A_23] : memref<640x128xf32, #tpu.memory_space<vmem>>, vector<640x128xf32>
    %get3A_25 = arith.constant 0 : index
    %get3A_26 = arith.constant 0 : index
    %get3A_27 = vector.load %arg4[%get3A_25, %get3A_26] : memref<640x128xf32, #tpu.memory_space<vmem>>, vector<640x128xf32>
    %add3A_28 = arith.addf %get3A_24, %get3A_27 : vector<640x128xf32>
    %mul3A_29 = vector.broadcast %get3A_3 : vector<640x1xf32> to vector<640x128xf32>
    %mul3A_30 = arith.mulf %add3A_28, %mul3A_29 : vector<640x128xf32>
    %slice3A_31 = vector.extract_strided_slice %get3A_6 {offsets = [128, 0], sizes = [128, 512], strides = [1, 1]} : vector<512x512xf32> to vector<128x512xf32>
    %dot_general3A_32 = arith.constant dense<0.000000e+00> : vector<640x512xf32>
    %dot_general3A_33 = tpu.matmul %mul3A_30, %slice3A_31, %dot_general3A_32 {dimension_numbers = #tpu.dot_dimension_numbers<[1], [0], [0], [1], [0, 0, 1, 1], [], []>, transpose_lhs_hint = false} : vector<640x128xf32>, vector<128x512xf32>, vector<640x512xf32> -> vector<640x512xf32>
    %add3A_34 = arith.addf %add3A_21, %dot_general3A_33 : vector<640x512xf32>
    %get3A_35 = arith.constant 0 : index
    %get3A_36 = arith.constant 0 : index
    %get3A_37 = vector.load %arg5[%get3A_35, %get3A_36] : memref<640x128xf32, #tpu.memory_space<vmem>>, vector<640x128xf32>
    %get3A_38 = arith.constant 0 : index
    %get3A_39 = arith.constant 0 : index
    %get3A_40 = vector.load %arg6[%get3A_38, %get3A_39] : memref<640x128xf32, #tpu.memory_space<vmem>>, vector<640x128xf32>
    %add3A_41 = arith.addf %get3A_37, %get3A_40 : vector<640x128xf32>
    %mul3A_42 = vector.broadcast %get3A_3 : vector<640x1xf32> to vector<640x128xf32>
    %mul3A_43 = arith.mulf %add3A_41, %mul3A_42 : vector<640x128xf32>
    %slice3A_44 = vector.extract_strided_slice %get3A_6 {offsets = [256, 0], sizes = [128, 512], strides = [1, 1]} : vector<512x512xf32> to vector<128x512xf32>
    %dot_general3A_45 = arith.constant dense<0.000000e+00> : vector<640x512xf32>
    %dot_general3A_46 = tpu.matmul %mul3A_43, %slice3A_44, %dot_general3A_45 {dimension_numbers = #tpu.dot_dimension_numbers<[1], [0], [0], [1], [0, 0, 1, 1], [], []>, transpose_lhs_hint = false} : vector<640x128xf32>, vector<128x512xf32>, vector<640x512xf32> -> vector<640x512xf32>
    %add3A_47 = arith.addf %add3A_34, %dot_general3A_46 : vector<640x512xf32>
    %get3A_48 = arith.constant 0 : index
    %get3A_49 = arith.constant 0 : index
    %get3A_50 = vector.load %arg7[%get3A_48, %get3A_49] : memref<640x128xf32, #tpu.memory_space<vmem>>, vector<640x128xf32>
    %get3A_51 = arith.constant 0 : index
    %get3A_52 = arith.constant 0 : index
    %get3A_53 = vector.load %arg8[%get3A_51, %get3A_52] : memref<640x128xf32, #tpu.memory_space<vmem>>, vector<640x128xf32>
    %add3A_54 = arith.addf %get3A_50, %get3A_53 : vector<640x128xf32>
    %mul3A_55 = vector.broadcast %get3A_3 : vector<640x1xf32> to vector<640x128xf32>
    %mul3A_56 = arith.mulf %add3A_54, %mul3A_55 : vector<640x128xf32>
    %slice3A_57 = vector.extract_strided_slice %get3A_6 {offsets = [384, 0], sizes = [128, 512], strides = [1, 1]} : vector<512x512xf32> to vector<128x512xf32>
    %dot_general3A_58 = arith.constant dense<0.000000e+00> : vector<640x512xf32>
    %dot_general3A_59 = tpu.matmul %mul3A_56, %slice3A_57, %dot_general3A_58 {dimension_numbers = #tpu.dot_dimension_numbers<[1], [0], [0], [1], [0, 0, 1, 1], [], []>, transpose_lhs_hint = false} : vector<640x128xf32>, vector<128x512xf32>, vector<640x512xf32> -> vector<640x512xf32>
    %add3A_60 = arith.addf %add3A_47, %dot_general3A_59 : vector<640x512xf32>
    %get3A_61 = arith.constant 0 : index
    %get3A_62 = arith.constant 0 : index
    %get3A_63 = vector.load %arg13[%get3A_61, %get3A_62] : memref<1x1xf32, #tpu.memory_space<vmem>>, vector<1x1xf32>
    %get3A_64 = vector.extract %get3A_63[0, 0] : f32 from vector<1x1xf32>
    %gt3A = arith.constant 0.000000e+00 : f32
    %gt3A_65 = vector.broadcast %gt3A : f32 to vector<640x512xf32>
    %gt3A_66 = arith.cmpf ogt, %add3A_60, %gt3A_65 : vector<640x512xf32>
    %mul3A_67 = vector.broadcast %get3A_64 : f32 to vector<640x512xf32>
    %mul3A_68 = arith.mulf %mul3A_67, %add3A_60 : vector<640x512xf32>
    %select_n3A = arith.select %gt3A_66, %add3A_60, %mul3A_68 : vector<640x512xi1>, vector<640x512xf32>
    %get3A_69 = arith.constant 0 : index
    %get3A_70 = arith.constant 0 : index
    %get3A_71 = vector.load %arg17[%get3A_69, %get3A_70] : memref<512x128xf32, #tpu.memory_space<vmem>>, vector<512x128xf32>
    %dot_general3A_72 = arith.constant dense<0.000000e+00> : vector<640x128xf32>
    %dot_general3A_73 = tpu.matmul %select_n3A, %get3A_71, %dot_general3A_72 {dimension_numbers = #tpu.dot_dimension_numbers<[1], [0], [0], [1], [0, 0, 1, 1], [], []>, transpose_lhs_hint = false} : vector<640x512xf32>, vector<512x128xf32>, vector<640x128xf32> -> vector<640x128xf32>
    %get3A_74 = arith.constant 0 : index
    %get3A_75 = arith.constant 0 : index
    %get3A_76 = vector.load %arg10[%get3A_74, %get3A_75] : memref<640x1xf32, #tpu.memory_space<vmem>>, vector<640x1xf32>
    %mul3A_77 = vector.broadcast %get3A_76 : vector<640x1xf32> to vector<640x128xf32>
    %mul3A_78 = arith.mulf %dot_general3A_73, %mul3A_77 : vector<640x128xf32>
    %swap3A = arith.constant 0 : index
    %swap3A_79 = arith.constant 0 : index
    %swap3A_80 = vector.load %arg16[%swap3A, %swap3A_79] : memref<640x128xf32, #tpu.memory_space<vmem>>, vector<640x128xf32>
    tpu.vector_store %arg16[%swap3A, %swap3A_79], %mul3A_78 {strides = array<i32>} : memref<640x128xf32, #tpu.memory_space<vmem>>, vector<640x128xf32>,
    return
  }
  func.func @transform_0(%arg0: i32) -> (i32, i32) {
    %c0_i32 = arith.constant 0 : i32
    %c0_i32_0 = arith.constant 0 : i32
    return %arg0, %c0_i32 : i32, i32
  }
  func.func @transform_1(%arg0: i32) -> (i32, i32) {
    %add3A = arith.constant 16 : i32
    %add3A_0 = arith.addi %arg0, %add3A : i32
    %c0_i32 = arith.constant 0 : i32
    %c0_i32_1 = arith.constant 0 : i32
    return %add3A_0, %c0_i32 : i32, i32
  }
  func.func @transform_2(%arg0: i32) -> (i32, i32) {
    %c0_i32 = arith.constant 0 : i32
    %c0_i32_0 = arith.constant 0 : i32
    return %arg0, %c0_i32 : i32, i32
  }
  func.func @transform_3(%arg0: i32) -> (i32, i32) {
    %add3A = arith.constant 16 : i32
    %add3A_0 = arith.addi %arg0, %add3A : i32
    %c0_i32 = arith.constant 0 : i32
    %c0_i32_1 = arith.constant 0 : i32
    return %add3A_0, %c0_i32 : i32, i32
  }
  func.func @transform_4(%arg0: i32) -> (i32, i32) {
    %c0_i32 = arith.constant 0 : i32
    %c0_i32_0 = arith.constant 0 : i32
    return %arg0, %c0_i32 : i32, i32
  }
  func.func @transform_5(%arg0: i32) -> (i32, i32) {
    %add3A = arith.constant 16 : i32
    %add3A_0 = arith.addi %arg0, %add3A : i32
    %c0_i32 = arith.constant 0 : i32
    %c0_i32_1 = arith.constant 0 : i32
    return %add3A_0, %c0_i32 : i32, i32
  }
  func.func @transform_6(%arg0: i32) -> (i32, i32) {
    %c0_i32 = arith.constant 0 : i32
    %c0_i32_0 = arith.constant 0 : i32
    return %arg0, %c0_i32 : i32, i32
  }
  func.func @transform_7(%arg0: i32) -> (i32, i32) {
    %add3A = arith.constant 16 : i32
    %add3A_0 = arith.addi %arg0, %add3A : i32
    %c0_i32 = arith.constant 0 : i32
    %c0_i32_1 = arith.constant 0 : i32
    return %add3A_0, %c0_i32 : i32, i32
  }
  func.func @transform_8(%arg0: i32) -> (i32, i32) {
    %c0_i32 = arith.constant 0 : i32
    %c0_i32_0 = arith.constant 0 : i32
    return %arg0, %c0_i32 : i32, i32
  }
  func.func @transform_9(%arg0: i32) -> (i32, i32) {
    %c0_i32 = arith.constant 0 : i32
    %c0_i32_0 = arith.constant 0 : i32
    return %arg0, %c0_i32 : i32, i32
  }
  func.func @transform_10(%arg0: i32) -> (i32, i32) {
    %c0_i32 = arith.constant 0 : i32
    %c0_i32_0 = arith.constant 0 : i32
    %c0_i32_1 = arith.constant 0 : i32
    return %c0_i32, %c0_i32_0 : i32, i32
  }
  func.func @transform_11(%arg0: i32) -> (i32, i32) {
    %c0_i32 = arith.constant 0 : i32
    %c0_i32_0 = arith.constant 0 : i32
    %c0_i32_1 = arith.constant 0 : i32
    return %c0_i32, %c0_i32_0 : i32, i32
  }
  func.func @transform_12(%arg0: i32) -> (i32, i32) {
    %c0_i32 = arith.constant 0 : i32
    %c0_i32_0 = arith.constant 0 : i32
    %c0_i32_1 = arith.constant 0 : i32
    return %c0_i32, %c0_i32_0 : i32, i32
  }
  func.func @transform_13(%arg0: i32) -> (i32, i32) {
    %c0_i32 = arith.constant 0 : i32
    %c0_i32_0 = arith.constant 0 : i32
    %c0_i32_1 = arith.constant 0 : i32
    return %c0_i32, %c0_i32_0 : i32, i32
  }
  func.func @transform_14(%arg0: i32) -> (i32, i32) {
    %c0_i32 = arith.constant 0 : i32
    %c0_i32_0 = arith.constant 0 : i32
    %c0_i32_1 = arith.constant 0 : i32
    return %c0_i32, %c0_i32_0 : i32, i32
  }
  func.func @transform_15(%arg0: i32) -> (i32, i32) {
    %c0_i32 = arith.constant 0 : i32
    %c0_i32_0 = arith.constant 0 : i32
    return %arg0, %c0_i32 : i32, i32
  }
}

module attributes {stable_mosaic.version = 14 : i64} {
  func.func @_tc_fin_body(%arg0: i32, %arg1: memref<640x128xf32, #tpu.memory_space<vmem>>, %arg2: memref<640x128xf32, #tpu.memory_space<vmem>>, %arg3: memref<640x1xf32, #tpu.memory_space<vmem>>, %arg4: memref<1x128xf32, #tpu.memory_space<vmem>>, %arg5: memref<640x128xf32, #tpu.memory_space<vmem>>) attributes {dimension_semantics = [#tpu.dimension_semantics<arbitrary>], iteration_bounds = array<i64: 16>, scalar_prefetch = 0 : i64, scratch_operands = 0 : i64, tpu.core_type = #tpu.core_type<tc>, window_params = [{transform_indices = @transform_0, window_bounds = array<i64: 640, 128>}, {transform_indices = @transform_1, window_bounds = array<i64: 640, 128>}, {transform_indices = @transform_2, window_bounds = array<i64: 640, 1>}, {pipeline_mode = #tpu.pipeline_mode<synchronous>, transform_indices = @transform_3, window_bounds = array<i64: 1, 128>}, {transform_indices = @transform_4, window_bounds = array<i64: 640, 128>}]} {
    %get3A = arith.constant 0 : index
    %get3A_0 = arith.constant 0 : index
    %get3A_1 = vector.load %arg1[%get3A, %get3A_0] : memref<640x128xf32, #tpu.memory_space<vmem>>, vector<640x128xf32>
    %get3A_2 = arith.constant 0 : index
    %get3A_3 = arith.constant 0 : index
    %get3A_4 = vector.load %arg2[%get3A_2, %get3A_3] : memref<640x128xf32, #tpu.memory_space<vmem>>, vector<640x128xf32>
    %add3A = arith.addf %get3A_1, %get3A_4 : vector<640x128xf32>
    %get3A_5 = arith.constant 0 : index
    %get3A_6 = arith.constant 0 : index
    %get3A_7 = vector.load %arg3[%get3A_5, %get3A_6] : memref<640x1xf32, #tpu.memory_space<vmem>>, vector<640x1xf32>
    %mul3A = vector.broadcast %get3A_7 : vector<640x1xf32> to vector<640x128xf32>
    %mul3A_8 = arith.mulf %add3A, %mul3A : vector<640x128xf32>
    %get3A_9 = arith.constant 0 : index
    %get3A_10 = arith.constant 0 : index
    %get3A_11 = vector.load %arg4[%get3A_9, %get3A_10] : memref<1x128xf32, #tpu.memory_space<vmem>>, vector<1x128xf32>
    %add3A_12 = vector.broadcast %get3A_11 : vector<1x128xf32> to vector<640x128xf32>
    %add3A_13 = arith.addf %mul3A_8, %add3A_12 : vector<640x128xf32>
    %swap3A = arith.constant 0 : index
    %swap3A_14 = arith.constant 0 : index
    %swap3A_15 = vector.load %arg5[%swap3A, %swap3A_14] : memref<640x128xf32, #tpu.memory_space<vmem>>, vector<640x128xf32>
    tpu.vector_store %arg5[%swap3A, %swap3A_14], %add3A_13 {strides = array<i32>} : memref<640x128xf32, #tpu.memory_space<vmem>>, vector<640x128xf32>,
    return
  }
  func.func @transform_0(%arg0: i32) -> (i32, i32) {
    %c0_i32 = arith.constant 0 : i32
    %c0_i32_0 = arith.constant 0 : i32
    return %arg0, %c0_i32 : i32, i32
  }
  func.func @transform_1(%arg0: i32) -> (i32, i32) {
    %add3A = arith.constant 16 : i32
    %add3A_0 = arith.addi %arg0, %add3A : i32
    %c0_i32 = arith.constant 0 : i32
    %c0_i32_1 = arith.constant 0 : i32
    return %add3A_0, %c0_i32 : i32, i32
  }
  func.func @transform_2(%arg0: i32) -> (i32, i32) {
    %c0_i32 = arith.constant 0 : i32
    %c0_i32_0 = arith.constant 0 : i32
    return %arg0, %c0_i32 : i32, i32
  }
  func.func @transform_3(%arg0: i32) -> (i32, i32) {
    %c0_i32 = arith.constant 0 : i32
    %c0_i32_0 = arith.constant 0 : i32
    %c0_i32_1 = arith.constant 0 : i32
    return %c0_i32, %c0_i32_0 : i32, i32
  }
  func.func @transform_4(%arg0: i32) -> (i32, i32) {
    %c0_i32 = arith.constant 0 : i32
    %c0_i32_0 = arith.constant 0 : i32
    return %arg0, %c0_i32 : i32, i32
  }
}

</mosaic_0001>

<sc_bundles>
// kernel: kernel.10.cloned.1.call-start
scs
__scs_entry_jumppad:
0x0: {  	(pc) =	sbr.rel $0x88, $3  }
0x1: {  	(tag) =	ssettag $0x0;
	lr =	simm.s32 $0x1  }
0x2: {  	[smem:$0x3F96] =	sst lr;
	_ =	strace $0xD0000000  }
0x3: {  	_ = 	snop  }
0x4: {  	_ = 	snop  }
0x5: {  	_ = 	snop  }
0x6: {  	_ = 	snop  }
0x7: {  	_ = 	snop  }
__scs_overlays_trampoline_lowered:
0x8: {  	[smem:$0x3FA5] =	sst s0  }
0x9: {  	[smem:$0x3FA6] =	sst s1  }
0xa: {  	[smem:$0x3FA7] =	sst s2  }
0xb: {  	[smem:$0x3FA8] =	sst s3  }
0xc: {  	[smem:$0x3FA9] =	sst s4  }
0xd: {  	[smem:$0x3FAA] =	sst s5  }
0xe: {  	[smem:$0x3FAB] =	sst s6  }
0xf: {  	[smem:$0x3FAC] =	sst s7  }
0x10: {  	[smem:$0x3FAD] =	sst s8  }
0x11: {  	[smem:$0x3FAE] =	sst s9;
	s0 =	simm.s32 @!p0 $0x0  }
0x12: {  	s1 =	sld [smem:$0x3F94];
	s0 =	simm.s32 @p0 $0x1  }
0x13: {  	[smem:$0x3FAF] =	sst s0;
	s0 =	simm.s32 @!p1 $0x0  }
0x14: {  	s2 =	sld [smem:$0x3F93];
	s0 =	simm.s32 @p1 $0x1  }
0x15: {  	[smem:$0x3FB0] =	sst s0;
	s0 =	simm.s32 @!p2 $0x0  }
0x16: {  	s3 =	sld [smem:$0x3FDB];
	s0 =	simm.s32 @p2 $0x1  }
0x17: {  	s4 =	simm.s32 $0x1BF5;
	[smem:$0x3FB2] =	sst s0  }
0x18: {  	s0 =	sld [smem:$0x3F95];
	_ =	swait.ge [sflag:s4], $0x0  }
0x19: {  	s7 =	sld [smem:$0x3F96]  }
0x1a: {  	s8 =	sadd.s32 $0xFFFFE003, lr  }
0x1b: {  	s9 =	sadd.s32 $0xFFFFFEF7, lr;
	s5 =	simm.s32 $0xFFFFFFFF;
	p2 =	slt.u32 s8, $0xFFFFF086  }
0x1c: {  	p1 =	slt.u32 s9, $0xF7A;
	s5 =	simm.s32 @!p2 $0x0  }
0x1d: {  	s5 =	simm.s32 @p1 $0x1;
	p0 =	seq.s32 s7, s2  }
0x1e: {  	s7 =	smul.u32 @!p0 $0xF7A, s2;
	p2 =	seq.s32 @!p0 s5, $0x0  }
0x1f: {  	s9 =	smul.u32 $0xF7A, s1;
	s8 =	simm.s32 @!p0 $0x1BF5;
	p2 =	por !p2, p0  }
0x20: {  	[sflag:s8] =	ssyncset.s32 @!p0 $0xFFFFF086;
	s6 =	sadd.s32 @!p0 s3, s7;
	s7 =	simm.s32 @!p0 $0x108  }
0x21: {  	s3 =	sadd.s32 s3, s9;
	s6 =	sadd.s32 @!p0 $0x88, s6;
	s7 =	simm.s32 @p2 $0x1082  }
0x22: {  	[simem:s7], [sflag:s8] =	dma.local @!p0 [hbm:s6], $0xF7A  }
0x23: {  	s9 =	sor.u32 $0xD0000000, s2;
	s6 =	simm.s32 $0x108;
	_ =	swait.ge @!p0 [sflag:s8], $0x0  }
0x24: {  	s3 =	sadd.s32 $0x88, s3;
	s6 =	simm.s32 @!p1 $0x1082;
	[sflag:s4] =	ssyncset.s32 $0xFFFFF086  }
0x25: {  	[simem:s6], [sflag:s4] =	dma.local [hbm:s3], $0xF7A  }
0x26: {  	[smem:$0x3F96] =	sst s1;
	(tag) =	ssettag s2;
	_ =	strace s9  }
0x27: {  	s1 =	sld [smem:$0x3FA6]  }
0x28: {  	s2 =	sld [smem:$0x3FA7]  }
0x29: {  	s4 =	sld [smem:$0x3FA9]  }
0x2a: {  	p0 =	seq.s32 s5, $0x0;
	s5 =	sld [smem:$0x3FAA]  }
0x2b: {  	s6 =	sld [smem:$0x3FAB]  }
0x2c: {  	s7 =	sld [smem:$0x3FAC]  }
0x2d: {  	s3 =	simm.s32 $0x108;
	s8 =	sld [smem:$0x3FAD]  }
0x2e: {  	s3 =	simm.s32 @!p0 $0x1082;
	s9 =	sld [smem:$0x3FAE]  }
0x2f: {  	lr =	sadd.s32 s0, s3;
	s0 =	sld [smem:$0x3FA5]  }
0x30: {  	s3 =	sld [smem:$0x3FA8]  }
0x31: {  	[smem:$0x3FB1] =	sst s10  }
0x32: {  	s10 =	sld [smem:$0x3FAF];
	_ =	sdelay $0x3  }
0x33: {  	p0 =	seq.s32 s10, $0x1;
	s10 =	sld [smem:$0x3FB1];
	_ =	sdelay $0x3  }
0x34: {  	[smem:$0x3FB1] =	sst s10  }
0x35: {  	s10 =	sld [smem:$0x3FB0];
	_ =	sdelay $0x3  }
0x36: {  	p1 =	seq.s32 s10, $0x1;
	s10 =	sld [smem:$0x3FB1];
	_ =	sdelay $0x3  }
0x37: {  	[smem:$0x3FB1] =	sst s10  }
0x38: {  	s10 =	sld [smem:$0x3FB2]  }
0x39: {  	_ = 	snop;
	(pc) =	sbr.ind lr, $3  }
0x3a: {  	_ = 	snop  }
0x3b: {  	_ = 	snop  }
0x3c: {  	p2 =	seq.s32 s10, $0x1;
	s10 =	sld [smem:$0x3FB1]  }
0x3d: {  	_ =	shalt  }
0x3e: {  	_ =	shalt  }
0x3f: {  	_ =	shalt  }
0x40: {  	_ =	shalt  }
0x41: {  	_ =	shalt  }
0x42: {  	_ =	shalt  }
0x43: {  	_ =	shalt  }
0x44: {  	_ =	shalt  }
0x45: {  	_ =	shalt  }
0x46: {  	_ =	shalt  }
0x47: {  	_ =	shalt  }
0x48: {  	_ =	shalt  }
0x49: {  	_ =	shalt  }
0x4a: {  	_ =	shalt  }
0x4b: {  	_ =	shalt  }
0x4c: {  	_ =	shalt  }
0x4d: {  	_ =	shalt  }
0x4e: {  	_ =	shalt  }
0x4f: {  	_ =	shalt  }
0x50: {  	_ =	shalt  }
0x51: {  	_ =	shalt  }
0x52: {  	_ =	shalt  }
0x53: {  	_ =	shalt  }
0x54: {  	_ =	shalt  }
0x55: {  	_ =	shalt  }
0x56: {  	_ =	shalt  }
0x57: {  	_ =	shalt  }
0x58: {  	_ =	shalt  }
0x59: {  	_ =	shalt  }
0x5a: {  	_ =	shalt  }
0x5b: {  	_ =	shalt  }
0x5c: {  	_ =	shalt  }
0x5d: {  	_ =	shalt  }
0x5e: {  	_ =	shalt  }
0x5f: {  	_ =	shalt  }
0x60: {  	_ =	shalt  }
0x61: {  	_ =	shalt  }
0x62: {  	_ =	shalt  }
0x63: {  	_ =	shalt  }
0x64: {  	_ =	shalt  }
0x65: {  	_ =	shalt  }
0x66: {  	_ =	shalt  }
0x67: {  	_ =	shalt  }
0x68: {  	_ =	shalt  }
0x69: {  	_ =	shalt  }
0x6a: {  	_ =	shalt  }
0x6b: {  	_ =	shalt  }
0x6c: {  	_ =	shalt  }
0x6d: {  	_ =	shalt  }
0x6e: {  	_ =	shalt  }
0x6f: {  	_ =	shalt  }
0x70: {  	_ =	shalt  }
0x71: {  	_ =	shalt  }
0x72: {  	_ =	shalt  }
0x73: {  	_ =	shalt  }
0x74: {  	_ =	shalt  }
0x75: {  	_ =	shalt  }
0x76: {  	_ =	shalt  }
0x77: {  	_ =	shalt  }
0x78: {  	_ =	shalt  }
0x79: {  	_ =	shalt  }
0x7a: {  	_ =	shalt  }
0x7b: {  	_ =	shalt  }
0x7c: {  	_ =	shalt  }
0x7d: {  	_ =	shalt  }
0x7e: {  	_ =	shalt  }
0x7f: {  	_ =	shalt  }
0x80: {  	_ =	shalt  }
0x81: {  	_ =	shalt  }
0x82: {  	_ =	shalt  }
0x83: {  	_ =	shalt  }
0x84: {  	_ =	shalt  }
0x85: {  	_ =	shalt  }
0x86: {  	_ =	shalt  }
0x87: {  	_ =	shalt  }
.Lfunc_end0:
.L_simem_size_0:
called_computation_lowered:
.L_overlay_start_0:
0x88: {  	s2 =	sld [smem:$0x3FD9]  }
0x89: {  	s3 =	sld [smem:$0x3FFE];
	_ =	sdelay $0x1  }
0x8a: {  	s1 =	srdreg.scid  }
0x8b: {  	s0 =	sand.u32 $0x1, s1  }
0x8c: {  	s17 =	sshll.u32 s0, $0xA;
	s2 =	sadd.s32 s3, s2  }
0x8d: {  	s2 =	sadd.s32 s2, s17  }
0x8e: {  	[smem:$0x3FBD] =	sst s2  }
0x8f: {  	_ = 	snop  }
0x90: {  	s2 =	sld [smem:$0x3FD0];
	(tm) =	ssettm $0x1  }
0x91: {  	s18 =	sld [smem:$0x3FFB];
	_ =	sdelay $0x3  }
0x92: {  	_ =	strace s18  }
0x93: {  	s3 =	sld [smem:$0x3FFC];
	_ =	sdelay $0x3  }
0x94: {  	_ =	strace s3  }
0x95: {  	s3 =	sld [smem:$0x3FFD];
	_ =	sdelay $0x3  }
0x96: {  	_ =	strace s3  }
0x97: {  	_ =	strace $0x8FFFFFFF  }
0x98: {  	s19 =	sld [smem:$0x3FDB];
	_ =	sdelay $0x1  }
0x99: {  	s4 =	simm.s32 $_scs_section_size  }
0x9a: {  	s5 =	simm.s32 $_size__tile_overlayer_lowered;
	s6 =	simm.s32 $_tile_overlayer_lowered  }
0x9b: {  	s22 =	simm.s32 $0x1BFF;
	s21 =	sshll.u32 s6, $0x1;
	s3 =	sadd.s32 s4, s19  }
0x9c: {  	s7 =	simm.s32 $0x0;
	s20 =	sshll.u32 s5, $0x1;
	s5 =	sadd.s32 s21, s3  }
0x9d: {  	[timem:s7], [sflag:s22] =	dma.local [hbm:s5], s20  }
0x9e: {  	_ =	swait.ge [sflag:s22], s20  }
0x9f: {  	s4 =	ssub.s32 $0x0, s20;
	[sflag:s22] =	ssyncset.done $0x0  }
0xa0: {  	[sflag:s22] =	ssyncadd.s32 s4;
	_ =	sdelay $0x1  }
0xa1: {  	s23 =	simm.s32 $0x1B8B  }
0xa2: {  	_ =	swait.ge [sflag:s23], $0x1  }
0xa3: {  	[sflag:s23] =	ssyncset.done $0x0  }
0xa4: {  	s25 =	simm.s32 $0x1B8E;
	s24 =	sld [smem:$0x3FFE];
	[sflag:s23] =	ssyncadd.s32 $0xFFFFFFFF  }
0xa5: {  	s26 =	simm.s32 $execute0_lowered;
	[smem:$0x3FD2] =	sst s25  }
0xa6: {  	s5 =	sshll.u32 s26, $0x1;
	_ =	strace $0x80000046;
	[dreg:$0x1] =	wrdreg $0xFFFFFFFF  }
0xa7: {  	s28 =	simm.s32 $_size_execute0_lowered;
	s3 =	sadd.s32 s3, s5;
	[dreg:$0x0] =	wrdreg $0x0  }
0xa8: {  	s5 =	sshll.u32 s28, $0x1;
	[dreg:$0x2] =	wrdreg s3  }
0xa9: {  	[dreg:$0x3] =	wrdreg s5  }
0xaa: {  	[dreg:$0x4] =	wrdreg $0xC0  }
0xab: {  	_ =	task [dreg:s7], $0x5FFFF  }
0xac: {  	[dreg:$0x1] =	wrdreg $0xFFFFFFFF  }
0xad: {  	[dreg:$0x0] =	wrdreg $0x60  }
0xae: {  	[dreg:$0x2] =	wrdreg s24  }
0xaf: {  	[dreg:$0x3] =	wrdreg s2  }
0xb0: {  	[dreg:$0x4] =	wrdreg $0x9  }
0xb1: {  	_ =	task.clear_ibuf [dreg:s7], $0x5FFFF;
	_ =	strace $0x90000046  }
0xb2: {  	s29 =	simm.s32 $0x9;
	_ =	strace $0x80000048  }
0xb3: {  	_ =	swait.ge [sflag:s29], $0x1  }
0xb4: {  	[sflag:s29] =	ssyncadd.s32 $0xFFFFFFFF  }
0xb5: {  	_ =	strace $0x90000048  }
0xb6: {  	_ =	sfence  }
0xb7: {  	s30 =	sld [smem:$0x0];
	_ =	sdelay $0x2  }
0xb8: {  	s31 =	sshll.u32 s1, $0xD;
	s1 =	sshrl.u32 s1, $0x2  }
0xb9: {  	s3 =	sand.u32 $0x4000, s31;
	s1 =	sadd.s32 s1, s30  }
0xba: {  	s0 =	sor.u32 s3, s0;
	s1 =	sshll.u32 s1, $0x11  }
0xbb: {  	s0 =	sor.u32 s1, s0  }
0xbc: {  	s0 =	sadd.s32 $0x8F2B, s0  }
0xbd: {  	[sflag:s0] =	ssyncadd.remote.s32 $0x1  }
0xbe: {  	_ =	sfence.sel $0xFFFF  }
0xbf: {  	[dreg:$0x0] =	wrdreg $0xFFFFFFFF;
	(pc) =	sbr.abs _section_cstart, $3  }
0xc0: {  	[dreg:$0x1] =	wrdreg $0xFFFFFFFF  }
0xc1: {  	_ =	task.clear_ibuf [dreg:s7], $0x2FFFF;
	_ =	strace $0x9FFFFFFF  }
0xc2: {  	(tm) =	ssettm $0x7FFFFFFF  }
0xc3: {  	_ =	shalt  }
tec
execute0_lowered:
.L_overlay_start_1:
0x0: {  	(tag) =	ssettag $0x1  }
0x1: {  	s0 =	srdreg.scid;
	s4 =	rddreg [dreg:$0x0]  }
0x2: {  	s5 =	rddreg [dreg:$0x1];
	s2 =	simm.s32 $0x0;
	s3 =	sand.u32 $0x1, s0  }
0x3: {  	s9 =	simm.s32 $0x2800;
	s0 =	stileid.u32;
	s1 =	sshll.u32 s3, $0x4  }
0x4: {  	s10 =	simm.s32 $0x5000;
	s11 =	simm.s32 $0x7800;
	s6 =	sor.u32 s0, s1  }
0x5: {  	s12 =	simm.s32 $0x0;
	[smem:$0x7FF] =	sst s2;
	s7 =	smul.u32 $0x500, s6  }
0x6: {  	s3 =	ssub.s32 $0x2, s3;
	s1 =	rddreg [dreg:$0x2];
	s6 =	smul.u32 $0x2800, s6  }
0x7: {  	_ =	strace $0x80000047;
	s8 =	sshrl.u32 s3, $0x1;
	s4 =	sadd.s32 s7, s4  }
0x8: {  	s8 =	ssub.s32 s3, s8;
	s6 =	sshrl.u32 s6, $0x3;
	s3 =	sadd.s32 $0xD400, s4  }
0x9: {  	s6 =	sadd.s32 s5, s6;
	s4 =	sadd.s32 $0x3400, s4;
	s5 =	sadd.s32 s5, s7  }
0xa: {  	v0 =	vimm.f32 $0.0e+00;
	v1 =	vimm.f32 $1.000000000e+00;
	s7 =	smax.u32 s8, $0x1;
	s8 =	simm.s32 $0x1;
	s6 =	sadd.s32 $0xA000, s6  }
.LBB2_1:
0xb: {  	[tilespmem:s2], [sflag:$0x1] =	stream.linear.gather [hbm4b:s3+s2], $0x2800, $0x38;
	[tilespmem:$0xA000] =	vst v63  }
0xc: {  	_ =	swait.ge [sflag:s8], $0x2800  }
0xd: {  	[sflag:s8] =	ssyncset.done $0x0  }
0xe: {  	[sflag:s8] =	ssyncadd.s32 $0xFFFFD800  }
0xf: {  	[tilespmem:s9], [sflag:$0x1] =	stream.linear.gather [hbm4b:s4+s2], $0x2800, $0x38;
	[tilespmem:$0xA000] =	vst v63  }
0x10: {  	_ =	swait.ge [sflag:s8], $0x2800  }
0x11: {  	[sflag:s8] =	ssyncset.done $0x0  }
0x12: {  	s13 =	simm.s32 $0x0;
	[sflag:s8] =	ssyncadd.s32 $0xFFFFD800  }
.LBB2_2:
0x13: {  	p0 =	sne.s32 s13, $0x9FC0  }
.Ltmp0:
0x14: {  	_ = 	snop;
	(pc) =	sbr.rel @p0 .LBB2_2-.Ltmp0, $4  }
0x15: {  	_ = 	snop  }
0x16: {  	s14 =	sshra.s32 s13, $0x2  }
0x17: {  	[tilespmem:s14+$0x5000] =	vst v0  }
0x18: {  	s13 =	sadd.s32 $0x40, s13;
	[tilespmem:s14+$0x7800] =	vst v0  }
0x19: {  	s14 =	simm.s32 $0x0;
	s13 =	simm.s32 $0x40  }
.LBB2_4:
0x1a: {  	p0 =	sne.s32 s13, $0x9FC0;
	v2 =	vld [tilespmem:s14+$0x0];
	_ =	sdelay $0x7  }
0x1b: {  	[tilespmem:v2+s10+$0x0] =	vst.idx.add.f32.msk $0xffff, v1  }
0x1c: {  	v2 =	vld [tilespmem:s14+$0x2800];
	_ =	sdelay $0x3  }
.Ltmp1:
0x1d: {  	(pc) =	sbr.rel @p0 .LBB2_4-.Ltmp1, $2  }
0x1e: {  	_ =	sdelay $0x2  }
0x1f: {  	s14 =	sshra.s32 s13, $0x2;
	s13 =	sadd.s32 $0x40, s13;
	[tilespmem:v2+s11+$0x0] =	vst.idx.add.f32.msk $0xffff, v1  }
0x20: {  	v2 =	vld [tilespmem:s14+$0x0];
	_ =	sdelay $0x7  }
0x21: {  	[tilespmem:v2+s10+$0x0] =	vst.idx.add.f32.msk $0xffff, v1  }
0x22: {  	v2 =	vld [tilespmem:s14+$0x2800];
	_ =	sdelay $0x7  }
0x23: {  	[tilespmem:v2+s11+$0x0] =	vst.idx.add.f32.msk $0xffff, v1  }
0x24: {  	[hbm4b:s5+s2] =	stream.linear.scatter [tilespmem:s10], [sflag:$0x1], $0x2800, $0x38;
	[tilespmem:$0xA000] =	vst v63  }
0x25: {  	s12 =	sadd.s32 $0x1, s12;
	_ =	swait.ge [sflag:s8], $0x2800  }
0x26: {  	p0 =	sne.s32 s12, s7;
	[sflag:s8] =	ssyncset.done $0x0  }
.Ltmp2:
0x27: {  	[sflag:s8] =	ssyncadd.s32 $0xFFFFD800;
	(pc) =	sbr.rel @p0 .LBB2_1-.Ltmp2, $4  }
0x28: {  	[hbm4b:s6+s2] =	stream.linear.scatter [tilespmem:s11], [sflag:$0x1], $0x2800, $0x38;
	[tilespmem:$0xA000] =	vst v63  }
0x29: {  	_ =	swait.ge [sflag:s8], $0x2800  }
0x2a: {  	[sflag:s8] =	ssyncset.done $0x0  }
0x2b: {  	[sflag:s8] =	ssyncadd.s32 $0xFFFFD800  }
0x2c: {  	_ =	sfence.sel $0x180000  }
0x2d: {  	[bflag:$0x0] =	sbarrier.arrive $0xFFFF  }
0x2e: {  	p0 =	sne.s32 s0, $0x0;
	_ =	strace $0x90000047  }
0x2f: {  	s0 =	sadd.s32 @!p0 $0x100000, s1;
	[bflag:$0x2] =	sbarrier.arrive $0xFFFF  }
0x30: {  	[sflag:s0] =	ssyncadd.tile.s32 @!p0 $0x1;
	_ =	shalt  }
.Lfunc_end2:
_tile_overlayer_lowered:
.L_overlay_start_2:
0x31: {  	(tag) =	ssettag $0x2  }
0x32: {  	s0 =	rddreg [dreg:$0x0];
	s2 =	stileid.u32  }
0x33: {  	s1 =	rddreg [dreg:$0x1];
	p0 =	sne.s32 s2, $0x0  }
0x34: {  	s3 =	rddreg [dreg:$0x2];
	[bflag:$0x3] =	sbarrier.arrive $0xFFFF;
	s2 =	simm.s32 @!p0 $0x1C01  }
0x35: {  	[timem:s3], [sflag:s2] =	dma.local @!p0 [hbm:s0], s1  }
0x36: {  	s0 =	simm.s32 @!p0 $0x1  }
0x37: {  	_ =	swait.ge @!p0 [sflag:s0], s1  }
0x38: {  	s1 =	ssub.s32 @!p0 $0x0, s1;
	[sflag:s0] =	ssyncset.done @!p0 $0x0  }
0x39: {  	[sflag:s0] =	ssyncadd.s32 @!p0 s1  }
0x3a: {  	[bflag:$0x3] =	sbarrier.arrive $0xFFFF  }
0x3b: {  	_ =	shalt  }

// kernel: kernel.13.cloned.1.call-start
scs
__scs_entry_jumppad:
0x0: {  	(pc) =	sbr.rel $0x88, $3  }
0x1: {  	(tag) =	ssettag $0x0;
	lr =	simm.s32 $0x1  }
0x2: {  	[smem:$0x3F96] =	sst lr;
	_ =	strace $0xD0000000  }
0x3: {  	_ = 	snop  }
0x4: {  	_ = 	snop  }
0x5: {  	_ = 	snop  }
0x6: {  	_ = 	snop  }
0x7: {  	_ = 	snop  }
__scs_overlays_trampoline_lowered:
0x8: {  	[smem:$0x3FA5] =	sst s0  }
0x9: {  	[smem:$0x3FA6] =	sst s1  }
0xa: {  	[smem:$0x3FA7] =	sst s2  }
0xb: {  	[smem:$0x3FA8] =	sst s3  }
0xc: {  	[smem:$0x3FA9] =	sst s4  }
0xd: {  	[smem:$0x3FAA] =	sst s5  }
0xe: {  	[smem:$0x3FAB] =	sst s6  }
0xf: {  	[smem:$0x3FAC] =	sst s7  }
0x10: {  	[smem:$0x3FAD] =	sst s8  }
0x11: {  	[smem:$0x3FAE] =	sst s9;
	s0 =	simm.s32 @!p0 $0x0  }
0x12: {  	s1 =	sld [smem:$0x3F94];
	s0 =	simm.s32 @p0 $0x1  }
0x13: {  	[smem:$0x3FAF] =	sst s0;
	s0 =	simm.s32 @!p1 $0x0  }
0x14: {  	s2 =	sld [smem:$0x3F93];
	s0 =	simm.s32 @p1 $0x1  }
0x15: {  	[smem:$0x3FB0] =	sst s0;
	s0 =	simm.s32 @!p2 $0x0  }
0x16: {  	s3 =	sld [smem:$0x3FDB];
	s0 =	simm.s32 @p2 $0x1  }
0x17: {  	s4 =	simm.s32 $0x1BF5;
	[smem:$0x3FB2] =	sst s0  }
0x18: {  	s0 =	sld [smem:$0x3F95];
	_ =	swait.ge [sflag:s4], $0x0  }
0x19: {  	s7 =	sld [smem:$0x3F96]  }
0x1a: {  	s8 =	sadd.s32 $0xFFFFE003, lr  }
0x1b: {  	s9 =	sadd.s32 $0xFFFFFEF7, lr;
	s5 =	simm.s32 $0xFFFFFFFF;
	p2 =	slt.u32 s8, $0xFFFFF086  }
0x1c: {  	p1 =	slt.u32 s9, $0xF7A;
	s5 =	simm.s32 @!p2 $0x0  }
0x1d: {  	s5 =	simm.s32 @p1 $0x1;
	p0 =	seq.s32 s7, s2  }
0x1e: {  	s7 =	smul.u32 @!p0 $0xF7A, s2;
	p2 =	seq.s32 @!p0 s5, $0x0  }
0x1f: {  	s9 =	smul.u32 $0xF7A, s1;
	s8 =	simm.s32 @!p0 $0x1BF5;
	p2 =	por !p2, p0  }
0x20: {  	[sflag:s8] =	ssyncset.s32 @!p0 $0xFFFFF086;
	s6 =	sadd.s32 @!p0 s3, s7;
	s7 =	simm.s32 @!p0 $0x108  }
0x21: {  	s3 =	sadd.s32 s3, s9;
	s6 =	sadd.s32 @!p0 $0x88, s6;
	s7 =	simm.s32 @p2 $0x1082  }
0x22: {  	[simem:s7], [sflag:s8] =	dma.local @!p0 [hbm:s6], $0xF7A  }
0x23: {  	s9 =	sor.u32 $0xD0000000, s2;
	s6 =	simm.s32 $0x108;
	_ =	swait.ge @!p0 [sflag:s8], $0x0  }
0x24: {  	s3 =	sadd.s32 $0x88, s3;
	s6 =	simm.s32 @!p1 $0x1082;
	[sflag:s4] =	ssyncset.s32 $0xFFFFF086  }
0x25: {  	[simem:s6], [sflag:s4] =	dma.local [hbm:s3], $0xF7A  }
0x26: {  	[smem:$0x3F96] =	sst s1;
	(tag) =	ssettag s2;
	_ =	strace s9  }
0x27: {  	s1 =	sld [smem:$0x3FA6]  }
0x28: {  	s2 =	sld [smem:$0x3FA7]  }
0x29: {  	s4 =	sld [smem:$0x3FA9]  }
0x2a: {  	p0 =	seq.s32 s5, $0x0;
	s5 =	sld [smem:$0x3FAA]  }
0x2b: {  	s6 =	sld [smem:$0x3FAB]  }
0x2c: {  	s7 =	sld [smem:$0x3FAC]  }
0x2d: {  	s3 =	simm.s32 $0x108;
	s8 =	sld [smem:$0x3FAD]  }
0x2e: {  	s3 =	simm.s32 @!p0 $0x1082;
	s9 =	sld [smem:$0x3FAE]  }
0x2f: {  	lr =	sadd.s32 s0, s3;
	s0 =	sld [smem:$0x3FA5]  }
0x30: {  	s3 =	sld [smem:$0x3FA8]  }
0x31: {  	[smem:$0x3FB1] =	sst s10  }
0x32: {  	s10 =	sld [smem:$0x3FAF];
	_ =	sdelay $0x3  }
0x33: {  	p0 =	seq.s32 s10, $0x1;
	s10 =	sld [smem:$0x3FB1];
	_ =	sdelay $0x3  }
0x34: {  	[smem:$0x3FB1] =	sst s10  }
0x35: {  	s10 =	sld [smem:$0x3FB0];
	_ =	sdelay $0x3  }
0x36: {  	p1 =	seq.s32 s10, $0x1;
	s10 =	sld [smem:$0x3FB1];
	_ =	sdelay $0x3  }
0x37: {  	[smem:$0x3FB1] =	sst s10  }
0x38: {  	s10 =	sld [smem:$0x3FB2]  }
0x39: {  	_ = 	snop;
	(pc) =	sbr.ind lr, $3  }
0x3a: {  	_ = 	snop  }
0x3b: {  	_ = 	snop  }
0x3c: {  	p2 =	seq.s32 s10, $0x1;
	s10 =	sld [smem:$0x3FB1]  }
0x3d: {  	_ =	shalt  }
0x3e: {  	_ =	shalt  }
0x3f: {  	_ =	shalt  }
0x40: {  	_ =	shalt  }
0x41: {  	_ =	shalt  }
0x42: {  	_ =	shalt  }
0x43: {  	_ =	shalt  }
0x44: {  	_ =	shalt  }
0x45: {  	_ =	shalt  }
0x46: {  	_ =	shalt  }
0x47: {  	_ =	shalt  }
0x48: {  	_ =	shalt  }
0x49: {  	_ =	shalt  }
0x4a: {  	_ =	shalt  }
0x4b: {  	_ =	shalt  }
0x4c: {  	_ =	shalt  }
0x4d: {  	_ =	shalt  }
0x4e: {  	_ =	shalt  }
0x4f: {  	_ =	shalt  }
0x50: {  	_ =	shalt  }
0x51: {  	_ =	shalt  }
0x52: {  	_ =	shalt  }
0x53: {  	_ =	shalt  }
0x54: {  	_ =	shalt  }
0x55: {  	_ =	shalt  }
0x56: {  	_ =	shalt  }
0x57: {  	_ =	shalt  }
0x58: {  	_ =	shalt  }
0x59: {  	_ =	shalt  }
0x5a: {  	_ =	shalt  }
0x5b: {  	_ =	shalt  }
0x5c: {  	_ =	shalt  }
0x5d: {  	_ =	shalt  }
0x5e: {  	_ =	shalt  }
0x5f: {  	_ =	shalt  }
0x60: {  	_ =	shalt  }
0x61: {  	_ =	shalt  }
0x62: {  	_ =	shalt  }
0x63: {  	_ =	shalt  }
0x64: {  	_ =	shalt  }
0x65: {  	_ =	shalt  }
0x66: {  	_ =	shalt  }
0x67: {  	_ =	shalt  }
0x68: {  	_ =	shalt  }
0x69: {  	_ =	shalt  }
0x6a: {  	_ =	shalt  }
0x6b: {  	_ =	shalt  }
0x6c: {  	_ =	shalt  }
0x6d: {  	_ =	shalt  }
0x6e: {  	_ =	shalt  }
0x6f: {  	_ =	shalt  }
0x70: {  	_ =	shalt  }
0x71: {  	_ =	shalt  }
0x72: {  	_ =	shalt  }
0x73: {  	_ =	shalt  }
0x74: {  	_ =	shalt  }
0x75: {  	_ =	shalt  }
0x76: {  	_ =	shalt  }
0x77: {  	_ =	shalt  }
0x78: {  	_ =	shalt  }
0x79: {  	_ =	shalt  }
0x7a: {  	_ =	shalt  }
0x7b: {  	_ =	shalt  }
0x7c: {  	_ =	shalt  }
0x7d: {  	_ =	shalt  }
0x7e: {  	_ =	shalt  }
0x7f: {  	_ =	shalt  }
0x80: {  	_ =	shalt  }
0x81: {  	_ =	shalt  }
0x82: {  	_ =	shalt  }
0x83: {  	_ =	shalt  }
0x84: {  	_ =	shalt  }
0x85: {  	_ =	shalt  }
0x86: {  	_ =	shalt  }
0x87: {  	_ =	shalt  }
.Lfunc_end0:
.L_simem_size_0:
called_computation.1_lowered:
.L_overlay_start_0:
0x88: {  	s2 =	sld [smem:$0x3FD9]  }
0x89: {  	s3 =	sld [smem:$0x3FFE];
	_ =	sdelay $0x1  }
0x8a: {  	s1 =	srdreg.scid  }
0x8b: {  	s0 =	sand.u32 $0x1, s1  }
0x8c: {  	s17 =	sshll.u32 s0, $0xA;
	s2 =	sadd.s32 s3, s2  }
0x8d: {  	s2 =	sadd.s32 s2, s17  }
0x8e: {  	[smem:$0x3FBD] =	sst s2  }
0x8f: {  	_ = 	snop  }
0x90: {  	s2 =	sld [smem:$0x3FD0];
	(tm) =	ssettm $0x1  }
0x91: {  	s18 =	sld [smem:$0x3FFB];
	_ =	sdelay $0x3  }
0x92: {  	_ =	strace s18  }
0x93: {  	s3 =	sld [smem:$0x3FFC];
	_ =	sdelay $0x3  }
0x94: {  	_ =	strace s3  }
0x95: {  	s3 =	sld [smem:$0x3FFD];
	_ =	sdelay $0x3  }
0x96: {  	_ =	strace s3  }
0x97: {  	_ =	strace $0x8FFFFFFF  }
0x98: {  	s19 =	sld [smem:$0x3FDB];
	_ =	sdelay $0x1  }
0x99: {  	s4 =	simm.s32 $_scs_section_size  }
0x9a: {  	s5 =	simm.s32 $_size__tile_overlayer_lowered;
	s6 =	simm.s32 $_tile_overlayer_lowered  }
0x9b: {  	s22 =	simm.s32 $0x1BFF;
	s21 =	sshll.u32 s6, $0x1;
	s3 =	sadd.s32 s4, s19  }
0x9c: {  	s7 =	simm.s32 $0x0;
	s20 =	sshll.u32 s5, $0x1;
	s5 =	sadd.s32 s21, s3  }
0x9d: {  	[timem:s7], [sflag:s22] =	dma.local [hbm:s5], s20  }
0x9e: {  	_ =	swait.ge [sflag:s22], s20  }
0x9f: {  	s4 =	ssub.s32 $0x0, s20;
	[sflag:s22] =	ssyncset.done $0x0  }
0xa0: {  	[sflag:s22] =	ssyncadd.s32 s4;
	_ =	sdelay $0x1  }
0xa1: {  	s23 =	simm.s32 $0x1B8B  }
0xa2: {  	_ =	swait.ge [sflag:s23], $0x1  }
0xa3: {  	[sflag:s23] =	ssyncset.done $0x0  }
0xa4: {  	s25 =	simm.s32 $0x1B8E;
	s24 =	sld [smem:$0x3FFE];
	[sflag:s23] =	ssyncadd.s32 $0xFFFFFFFF  }
0xa5: {  	s26 =	simm.s32 $execute0_lowered;
	[smem:$0x3FD2] =	sst s25  }
0xa6: {  	s5 =	sshll.u32 s26, $0x1;
	_ =	strace $0x80000049;
	[dreg:$0x1] =	wrdreg $0xFFFFFFFF  }
0xa7: {  	s28 =	simm.s32 $_size_execute0_lowered;
	s3 =	sadd.s32 s3, s5;
	[dreg:$0x0] =	wrdreg $0x0  }
0xa8: {  	s5 =	sshll.u32 s28, $0x1;
	[dreg:$0x2] =	wrdreg s3  }
0xa9: {  	[dreg:$0x3] =	wrdreg s5  }
0xaa: {  	[dreg:$0x4] =	wrdreg $0xC0  }
0xab: {  	_ =	task [dreg:s7], $0x5FFFF  }
0xac: {  	[dreg:$0x1] =	wrdreg $0xFFFFFFFF  }
0xad: {  	[dreg:$0x0] =	wrdreg $0x60  }
0xae: {  	[dreg:$0x2] =	wrdreg s24  }
0xaf: {  	[dreg:$0x3] =	wrdreg s2  }
0xb0: {  	[dreg:$0x4] =	wrdreg $0xB8000  }
0xb1: {  	[dreg:$0x5] =	wrdreg $0x9  }
0xb2: {  	_ =	task.clear_ibuf [dreg:s7], $0x6FFFF;
	_ =	strace $0x90000049  }
0xb3: {  	s29 =	simm.s32 $0x9;
	_ =	strace $0x8000004B  }
0xb4: {  	_ =	swait.ge [sflag:s29], $0x1  }
0xb5: {  	[sflag:s29] =	ssyncadd.s32 $0xFFFFFFFF  }
0xb6: {  	_ =	strace $0x9000004B  }
0xb7: {  	_ =	sfence  }
0xb8: {  	s30 =	sld [smem:$0x0];
	_ =	sdelay $0x2  }
0xb9: {  	s31 =	sshll.u32 s1, $0xD;
	s1 =	sshrl.u32 s1, $0x2  }
0xba: {  	s3 =	sand.u32 $0x4000, s31;
	s1 =	sadd.s32 s1, s30  }
0xbb: {  	s0 =	sor.u32 s3, s0;
	s1 =	sshll.u32 s1, $0x11  }
0xbc: {  	s0 =	sor.u32 s1, s0  }
0xbd: {  	s0 =	sadd.s32 $0x8F2B, s0  }
0xbe: {  	[sflag:s0] =	ssyncadd.remote.s32 $0x1  }
0xbf: {  	_ =	sfence.sel $0xFFFF  }
0xc0: {  	[dreg:$0x0] =	wrdreg $0xFFFFFFFF;
	(pc) =	sbr.abs _section_cstart, $3  }
0xc1: {  	[dreg:$0x1] =	wrdreg $0xFFFFFFFF  }
0xc2: {  	_ =	task.clear_ibuf [dreg:s7], $0x2FFFF;
	_ =	strace $0x9FFFFFFF  }
0xc3: {  	(tm) =	ssettm $0x7FFFFFFF  }
tec
execute0_lowered:
.L_overlay_start_1:
0x0: {  	(tag) =	ssettag $0x1  }
0x1: {  	s6 =	rddreg [dreg:$0x0]  }
0x2: {  	s0 =	srdreg.scid;
	s2 =	rddreg [dreg:$0x1]  }
0x3: {  	s3 =	rddreg [dreg:$0x2];
	s1 =	stileid.u32  }
0x4: {  	s4 =	simm.s32 $0x0;
	s13 =	simm.s32 $0x6800;
	s14 =	simm.s32 $0x50  }
0x5: {  	s15 =	simm.s32 $0x9000;
	s16 =	simm.s32 $0x1;
	s17 =	simm.s32 $0x2  }
0x6: {  	s5 =	sand.u32 $0x1, s0;
	s0 =	rddreg [dreg:$0x3];
	s9 =	smul.u32 $0x2800, s1  }
0x7: {  	s18 =	simm.s32 $0x0;
	[smem:$0x7FF] =	sst s4;
	s12 =	smul.u32 $0x50000, s1  }
0x8: {  	s31 =	sshll.u32 s1, $0x6;
	s7 =	sshll.u32 s5, $0x4;
	_ =	strace $0x8000004A  }
0x9: {  	s10 =	smul.u32 $0x28000, s5;
	s11 =	ssub.s32 $0x2, s5;
	s5 =	sadd.s32 $0x27400, s6  }
0xa: {  	s7 =	sor.u32 s1, s7;
	s29 =	sshrl.u32 s11, $0x1;
	s30 =	sshrl.u32 s12, $0x2  }
0xb: {  	s8 =	smul.u32 $0x500, s7;
	s7 =	sshll.u32 s7, $0xB;
	s9 =	sadd.s32 s9, s10  }
0xc: {  	s10 =	ssub.s32 s11, s29;
	s12 =	sadd.s32 s30, s3;
	s11 =	sor.u32 $0x1C03, s31  }
0xd: {  	s7 =	sadd.s32 s7, s6;
	s9 =	sadd.s32 s9, s6;
	s8 =	sadd.s32 s8, s6  }
0xe: {  	s12 =	sshrl.u32 s12, $0x3;
	s7 =	sadd.s32 $0x17400, s7;
	s6 =	sadd.s32 $0xD400, s8  }
0xf: {  	s8 =	sadd.s32 $0x4F400, s9;
	s9 =	smax.u32 s10, $0x1;
	s10 =	simm.s32 $0x3  }
.LBB2_1:
0x10: {  	[tilespmem:s4], [sflag:$0x3] =	stream.linear.gather [hbm4b:s6+s4], $0x2800, $0x38;
	[tilespmem:$0x1F800] =	vst v63  }
0x11: {  	_ =	swait.ge [sflag:s10], $0x2800  }
0x12: {  	[sflag:s10] =	ssyncset.done $0x0  }
0x13: {  	s19 =	simm.s32 $0x2800;
	[sflag:s10] =	ssyncadd.s32 $0xFFFFD800  }
0x14: {  	[tilespmem:s19], [sflag:$0x3] =	stream.linear.gather [hbm4b:s7+s4], $0x4000, $0x38;
	[tilespmem:$0x1F800] =	vst v63  }
0x15: {  	_ =	swait.ge [sflag:s10], $0x4000  }
0x16: {  	[sflag:s10] =	ssyncset.done $0x0  }
0x17: {  	[sflag:s10] =	ssyncadd.s32 $0xFFFFC000  }
0x18: {  	[spmem:s12], [sflag:s11] =	dma.local [hbm:s2], $0x2800  }
0x19: {  	_ =	swait.ge [sflag:s10], $0x2800  }
0x1a: {  	[sflag:s10] =	ssyncset.done $0x0  }
0x1b: {  	[sflag:s10] =	ssyncadd.s32 $0xFFFFD800  }
0x1c: {  	[bflag:$0x0] =	sbarrier.arrive $0xFFFF  }
0x1d: {  	[tilespmem:s13], [sflag:$0x1] =	stream.indirect.gather [hbm4b:s5+s14], $0x80, s4, s14, $0xb8;
	[tilespmem:$0x1F800] =	vst v63  }
0x1e: {  	_ = 	snop  }
0x1f: {  	[tilespmem:s15], [sflag:$0x2] =	stream.indirect.gather [hbm4b:s5+s14], $0x80, s14, s14, $0xb8;
	[tilespmem:$0x1F800] =	vst v63  }
0x20: {  	_ =	swait.ge [sflag:s16], $0x2800  }
0x21: {  	s20 =	smin.u32 s4, $0x7C;
	[sflag:s16] =	ssyncset.done $0x0  }
0x22: {  	s20 =	smul.u32 $0x140, s20;
	[sflag:s16] =	ssyncadd.s32 $0xFFFFD800  }
0x23: {  	[spmem:s3] =	stream.indirect.scatter.add.f32 [tilespmem:s13], [sflag:$0x3], $0x80, s19, s14, $0xb8;
	[tilespmem:$0x1F800] =	vst v63  }
0x24: {  	_ =	swait.ge [sflag:s10], $0x2800  }
0x25: {  	s20 =	sshrl.u32 s20, $0x2;
	[sflag:s10] =	ssyncset.done $0x0  }
0x26: {  	s20 =	sadd.s32 $0xA0, s20;
	[sflag:s10] =	ssyncadd.s32 $0xFFFFD800  }
0x27: {  	[tilespmem:s13], [sflag:$0x1] =	stream.indirect.gather [hbm4b:s5+s14], $0x80, s20, s14, $0xb8;
	[tilespmem:$0x1F800] =	vst v63  }
0x28: {  	_ =	swait.ge [sflag:s17], $0x2800  }
0x29: {  	[sflag:s17] =	ssyncset.done $0x0  }
0x2a: {  	s31 =	simm.s32 $0x2880;
	[sflag:s17] =	ssyncadd.s32 $0xFFFFD800  }
0x2b: {  	[spmem:s3] =	stream.indirect.scatter.add.f32 [tilespmem:s15], [sflag:$0x3], $0x80, s31, s14, $0xb8;
	[tilespmem:$0x1F800] =	vst v63  }
0x2c: {  	s21 =	simm.s32 $0x50;
	s20 =	simm.s32 $0x2;
	_ =	swait.ge [sflag:s10], $0x2800  }
.LBB2_2:
0x2d: {  	[sflag:s10] =	ssyncset.done $0x0  }
0x2e: {  	s19 =	sadd.s32 $0x100, s19;
	s21 =	sadd.s32 $0xA0, s21;
	s22 =	smov.u32 s20  }
0x2f: {  	p0 =	sne.s32 s20, $0x7E;
	s20 =	sadd.s32 $0x2, s20;
	[sflag:s10] =	ssyncadd.s32 $0xFFFFD800  }
0x30: {  	[tilespmem:s15], [sflag:$0x2] =	stream.indirect.gather [hbm4b:s5+s14], $0x80, s21, s14, $0xb8;
	[tilespmem:$0x1F800] =	vst v63  }
0x31: {  	_ =	swait.ge [sflag:s16], $0x2800  }
0x32: {  	s22 =	smin.u32 s22, $0x7C;
	[sflag:s16] =	ssyncset.done $0x0  }
0x33: {  	s22 =	smul.u32 $0x140, s22;
	[sflag:s16] =	ssyncadd.s32 $0xFFFFD800  }
0x34: {  	[spmem:s3] =	stream.indirect.scatter.add.f32 [tilespmem:s13], [sflag:$0x3], $0x80, s19, s14, $0xb8;
	[tilespmem:$0x1F800] =	vst v63  }
0x35: {  	s22 =	sshrl.u32 s22, $0x2;
	_ =	swait.ge [sflag:s10], $0x2800  }
0x36: {  	s22 =	sadd.s32 $0xA0, s22;
	[sflag:s10] =	ssyncset.done $0x0  }
0x37: {  	[sflag:s10] =	ssyncadd.s32 $0xFFFFD800  }
0x38: {  	[tilespmem:s13], [sflag:$0x1] =	stream.indirect.gather [hbm4b:s5+s14], $0x80, s22, s14, $0xb8;
	[tilespmem:$0x1F800] =	vst v63  }
.Ltmp0:
0x39: {  	_ =	swait.ge [sflag:s17], $0x2800;
	(pc) =	sbr.rel @p0 .LBB2_2-.Ltmp0, $4  }
0x3a: {  	s22 =	sadd.s32 $0x80, s19;
	[sflag:s17] =	ssyncset.done $0x0  }
0x3b: {  	[sflag:s17] =	ssyncadd.s32 $0xFFFFD800  }
0x3c: {  	[spmem:s3] =	stream.indirect.scatter.add.f32 [tilespmem:s15], [sflag:$0x3], $0x80, s22, s14, $0xb8;
	[tilespmem:$0x1F800] =	vst v63  }
0x3d: {  	_ =	swait.ge [sflag:s10], $0x2800  }
0x3e: {  	[sflag:s10] =	ssyncset.done $0x0  }
0x3f: {  	[sflag:s10] =	ssyncadd.s32 $0xFFFFD800  }
0x40: {  	_ =	swait.ge [sflag:s16], $0x2800  }
0x41: {  	s18 =	sadd.s32 $0x1, s18;
	[sflag:s16] =	ssyncset.done $0x0  }
0x42: {  	p0 =	sne.s32 s18, s9;
	[sflag:s16] =	ssyncadd.s32 $0xFFFFD800  }
.Ltmp1:
0x43: {  	[bflag:$0x0] =	sbarrier.arrive $0xFFFF;
	(pc) =	sbr.rel @p0 .LBB2_1-.Ltmp1, $4  }
0x44: {  	[hbm:s8], [sflag:s11] =	dma.local [spmem:s12], $0x2800  }
0x45: {  	_ =	swait.ge [sflag:s10], $0x2800  }
0x46: {  	[sflag:s10] =	ssyncset.done $0x0  }
0x47: {  	[sflag:s10] =	ssyncadd.s32 $0xFFFFD800  }
0x48: {  	_ =	sfence.sel $0x180000  }
0x49: {  	[bflag:$0x0] =	sbarrier.arrive $0xFFFF  }
0x4a: {  	p0 =	sne.s32 s1, $0x0;
	_ =	strace $0x9000004A  }
0x4b: {  	s0 =	sadd.s32 @!p0 $0x100000, s0;
	[bflag:$0x2] =	sbarrier.arrive $0xFFFF  }
0x4c: {  	[sflag:s0] =	ssyncadd.tile.s32 @!p0 $0x1;
	_ =	shalt  }
.Lfunc_end2:
_tile_overlayer_lowered:
.L_overlay_start_2:
0x4d: {  	(tag) =	ssettag $0x2  }
0x4e: {  	s0 =	rddreg [dreg:$0x0];
	s2 =	stileid.u32  }
0x4f: {  	s1 =	rddreg [dreg:$0x1];
	p0 =	sne.s32 s2, $0x0  }
0x50: {  	s3 =	rddreg [dreg:$0x2];
	[bflag:$0x3] =	sbarrier.arrive $0xFFFF;
	s2 =	simm.s32 @!p0 $0x1C03  }
0x51: {  	[timem:s3], [sflag:s2] =	dma.local @!p0 [hbm:s0], s1  }
0x52: {  	s0 =	simm.s32 @!p0 $0x3  }
0x53: {  	_ =	swait.ge @!p0 [sflag:s0], s1  }
0x54: {  	s1 =	ssub.s32 @!p0 $0x0, s1;
	[sflag:s0] =	ssyncset.done @!p0 $0x0  }
0x55: {  	[sflag:s0] =	ssyncadd.s32 @!p0 s1  }
0x56: {  	[bflag:$0x3] =	sbarrier.arrive $0xFFFF  }
0x57: {  	_ =	shalt  }

// kernel: kernel.16.cloned.1.call-start
scs
__scs_entry_jumppad:
0x0: {  	(pc) =	sbr.rel $0x88, $3  }
0x1: {  	(tag) =	ssettag $0x0;
	lr =	simm.s32 $0x1  }
0x2: {  	[smem:$0x3F96] =	sst lr;
	_ =	strace $0xD0000000  }
0x3: {  	_ = 	snop  }
0x4: {  	_ = 	snop  }
0x5: {  	_ = 	snop  }
0x6: {  	_ = 	snop  }
0x7: {  	_ = 	snop  }
__scs_overlays_trampoline_lowered:
0x8: {  	[smem:$0x3FA5] =	sst s0  }
0x9: {  	[smem:$0x3FA6] =	sst s1  }
0xa: {  	[smem:$0x3FA7] =	sst s2  }
0xb: {  	[smem:$0x3FA8] =	sst s3  }
0xc: {  	[smem:$0x3FA9] =	sst s4  }
0xd: {  	[smem:$0x3FAA] =	sst s5  }
0xe: {  	[smem:$0x3FAB] =	sst s6  }
0xf: {  	[smem:$0x3FAC] =	sst s7  }
0x10: {  	[smem:$0x3FAD] =	sst s8  }
0x11: {  	[smem:$0x3FAE] =	sst s9;
	s0 =	simm.s32 @!p0 $0x0  }
0x12: {  	s1 =	sld [smem:$0x3F94];
	s0 =	simm.s32 @p0 $0x1  }
0x13: {  	[smem:$0x3FAF] =	sst s0;
	s0 =	simm.s32 @!p1 $0x0  }
0x14: {  	s2 =	sld [smem:$0x3F93];
	s0 =	simm.s32 @p1 $0x1  }
0x15: {  	[smem:$0x3FB0] =	sst s0;
	s0 =	simm.s32 @!p2 $0x0  }
0x16: {  	s3 =	sld [smem:$0x3FDB];
	s0 =	simm.s32 @p2 $0x1  }
0x17: {  	s4 =	simm.s32 $0x1BF5;
	[smem:$0x3FB2] =	sst s0  }
0x18: {  	s0 =	sld [smem:$0x3F95];
	_ =	swait.ge [sflag:s4], $0x0  }
0x19: {  	s7 =	sld [smem:$0x3F96]  }
0x1a: {  	s8 =	sadd.s32 $0xFFFFE003, lr  }
0x1b: {  	s9 =	sadd.s32 $0xFFFFFEF7, lr;
	s5 =	simm.s32 $0xFFFFFFFF;
	p2 =	slt.u32 s8, $0xFFFFF086  }
0x1c: {  	p1 =	slt.u32 s9, $0xF7A;
	s5 =	simm.s32 @!p2 $0x0  }
0x1d: {  	s5 =	simm.s32 @p1 $0x1;
	p0 =	seq.s32 s7, s2  }
0x1e: {  	s7 =	smul.u32 @!p0 $0xF7A, s2;
	p2 =	seq.s32 @!p0 s5, $0x0  }
0x1f: {  	s9 =	smul.u32 $0xF7A, s1;
	s8 =	simm.s32 @!p0 $0x1BF5;
	p2 =	por !p2, p0  }
0x20: {  	[sflag:s8] =	ssyncset.s32 @!p0 $0xFFFFF086;
	s6 =	sadd.s32 @!p0 s3, s7;
	s7 =	simm.s32 @!p0 $0x108  }
0x21: {  	s3 =	sadd.s32 s3, s9;
	s6 =	sadd.s32 @!p0 $0x88, s6;
	s7 =	simm.s32 @p2 $0x1082  }
0x22: {  	[simem:s7], [sflag:s8] =	dma.local @!p0 [hbm:s6], $0xF7A  }
0x23: {  	s9 =	sor.u32 $0xD0000000, s2;
	s6 =	simm.s32 $0x108;
	_ =	swait.ge @!p0 [sflag:s8], $0x0  }
0x24: {  	s3 =	sadd.s32 $0x88, s3;
	s6 =	simm.s32 @!p1 $0x1082;
	[sflag:s4] =	ssyncset.s32 $0xFFFFF086  }
0x25: {  	[simem:s6], [sflag:s4] =	dma.local [hbm:s3], $0xF7A  }
0x26: {  	[smem:$0x3F96] =	sst s1;
	(tag) =	ssettag s2;
	_ =	strace s9  }
0x27: {  	s1 =	sld [smem:$0x3FA6]  }
0x28: {  	s2 =	sld [smem:$0x3FA7]  }
0x29: {  	s4 =	sld [smem:$0x3FA9]  }
0x2a: {  	p0 =	seq.s32 s5, $0x0;
	s5 =	sld [smem:$0x3FAA]  }
0x2b: {  	s6 =	sld [smem:$0x3FAB]  }
0x2c: {  	s7 =	sld [smem:$0x3FAC]  }
0x2d: {  	s3 =	simm.s32 $0x108;
	s8 =	sld [smem:$0x3FAD]  }
0x2e: {  	s3 =	simm.s32 @!p0 $0x1082;
	s9 =	sld [smem:$0x3FAE]  }
0x2f: {  	lr =	sadd.s32 s0, s3;
	s0 =	sld [smem:$0x3FA5]  }
0x30: {  	s3 =	sld [smem:$0x3FA8]  }
0x31: {  	[smem:$0x3FB1] =	sst s10  }
0x32: {  	s10 =	sld [smem:$0x3FAF];
	_ =	sdelay $0x3  }
0x33: {  	p0 =	seq.s32 s10, $0x1;
	s10 =	sld [smem:$0x3FB1];
	_ =	sdelay $0x3  }
0x34: {  	[smem:$0x3FB1] =	sst s10  }
0x35: {  	s10 =	sld [smem:$0x3FB0];
	_ =	sdelay $0x3  }
0x36: {  	p1 =	seq.s32 s10, $0x1;
	s10 =	sld [smem:$0x3FB1];
	_ =	sdelay $0x3  }
0x37: {  	[smem:$0x3FB1] =	sst s10  }
0x38: {  	s10 =	sld [smem:$0x3FB2]  }
0x39: {  	_ = 	snop;
	(pc) =	sbr.ind lr, $3  }
0x3a: {  	_ = 	snop  }
0x3b: {  	_ = 	snop  }
0x3c: {  	p2 =	seq.s32 s10, $0x1;
	s10 =	sld [smem:$0x3FB1]  }
0x3d: {  	_ =	shalt  }
0x3e: {  	_ =	shalt  }
0x3f: {  	_ =	shalt  }
0x40: {  	_ =	shalt  }
0x41: {  	_ =	shalt  }
0x42: {  	_ =	shalt  }
0x43: {  	_ =	shalt  }
0x44: {  	_ =	shalt  }
0x45: {  	_ =	shalt  }
0x46: {  	_ =	shalt  }
0x47: {  	_ =	shalt  }
0x48: {  	_ =	shalt  }
0x49: {  	_ =	shalt  }
0x4a: {  	_ =	shalt  }
0x4b: {  	_ =	shalt  }
0x4c: {  	_ =	shalt  }
0x4d: {  	_ =	shalt  }
0x4e: {  	_ =	shalt  }
0x4f: {  	_ =	shalt  }
0x50: {  	_ =	shalt  }
0x51: {  	_ =	shalt  }
0x52: {  	_ =	shalt  }
0x53: {  	_ =	shalt  }
0x54: {  	_ =	shalt  }
0x55: {  	_ =	shalt  }
0x56: {  	_ =	shalt  }
0x57: {  	_ =	shalt  }
0x58: {  	_ =	shalt  }
0x59: {  	_ =	shalt  }
0x5a: {  	_ =	shalt  }
0x5b: {  	_ =	shalt  }
0x5c: {  	_ =	shalt  }
0x5d: {  	_ =	shalt  }
0x5e: {  	_ =	shalt  }
0x5f: {  	_ =	shalt  }
0x60: {  	_ =	shalt  }
0x61: {  	_ =	shalt  }
0x62: {  	_ =	shalt  }
0x63: {  	_ =	shalt  }
0x64: {  	_ =	shalt  }
0x65: {  	_ =	shalt  }
0x66: {  	_ =	shalt  }
0x67: {  	_ =	shalt  }
0x68: {  	_ =	shalt  }
0x69: {  	_ =	shalt  }
0x6a: {  	_ =	shalt  }
0x6b: {  	_ =	shalt  }
0x6c: {  	_ =	shalt  }
0x6d: {  	_ =	shalt  }
0x6e: {  	_ =	shalt  }
0x6f: {  	_ =	shalt  }
0x70: {  	_ =	shalt  }
0x71: {  	_ =	shalt  }
0x72: {  	_ =	shalt  }
0x73: {  	_ =	shalt  }
0x74: {  	_ =	shalt  }
0x75: {  	_ =	shalt  }
0x76: {  	_ =	shalt  }
0x77: {  	_ =	shalt  }
0x78: {  	_ =	shalt  }
0x79: {  	_ =	shalt  }
0x7a: {  	_ =	shalt  }
0x7b: {  	_ =	shalt  }
0x7c: {  	_ =	shalt  }
0x7d: {  	_ =	shalt  }
0x7e: {  	_ =	shalt  }
0x7f: {  	_ =	shalt  }
0x80: {  	_ =	shalt  }
0x81: {  	_ =	shalt  }
0x82: {  	_ =	shalt  }
0x83: {  	_ =	shalt  }
0x84: {  	_ =	shalt  }
0x85: {  	_ =	shalt  }
0x86: {  	_ =	shalt  }
0x87: {  	_ =	shalt  }
.Lfunc_end0:
.L_simem_size_0:
called_computation.2_lowered:
.L_overlay_start_0:
0x88: {  	s2 =	sld [smem:$0x3FD9]  }
0x89: {  	s3 =	sld [smem:$0x3FFE];
	_ =	sdelay $0x1  }
0x8a: {  	s1 =	srdreg.scid  }
0x8b: {  	s0 =	sand.u32 $0x1, s1  }
0x8c: {  	s17 =	sshll.u32 s0, $0xA;
	s2 =	sadd.s32 s3, s2  }
0x8d: {  	s2 =	sadd.s32 s2, s17  }
0x8e: {  	[smem:$0x3FBD] =	sst s2  }
0x8f: {  	_ = 	snop  }
0x90: {  	s2 =	sld [smem:$0x3FD0];
	(tm) =	ssettm $0x1  }
0x91: {  	s18 =	sld [smem:$0x3FFB];
	_ =	sdelay $0x3  }
0x92: {  	_ =	strace s18  }
0x93: {  	s3 =	sld [smem:$0x3FFC];
	_ =	sdelay $0x3  }
0x94: {  	_ =	strace s3  }
0x95: {  	s3 =	sld [smem:$0x3FFD];
	_ =	sdelay $0x3  }
0x96: {  	_ =	strace s3  }
0x97: {  	_ =	strace $0x8FFFFFFF  }
0x98: {  	s19 =	sld [smem:$0x3FDB];
	_ =	sdelay $0x1  }
0x99: {  	s4 =	simm.s32 $_scs_section_size  }
0x9a: {  	s5 =	simm.s32 $_size__tile_overlayer_lowered;
	s6 =	simm.s32 $_tile_overlayer_lowered  }
0x9b: {  	s22 =	simm.s32 $0x1BFF;
	s21 =	sshll.u32 s6, $0x1;
	s3 =	sadd.s32 s4, s19  }
0x9c: {  	s7 =	simm.s32 $0x0;
	s20 =	sshll.u32 s5, $0x1;
	s5 =	sadd.s32 s21, s3  }
0x9d: {  	[timem:s7], [sflag:s22] =	dma.local [hbm:s5], s20  }
0x9e: {  	_ =	swait.ge [sflag:s22], s20  }
0x9f: {  	s4 =	ssub.s32 $0x0, s20;
	[sflag:s22] =	ssyncset.done $0x0  }
0xa0: {  	[sflag:s22] =	ssyncadd.s32 s4;
	_ =	sdelay $0x1  }
0xa1: {  	s23 =	simm.s32 $0x1B8B  }
0xa2: {  	_ =	swait.ge [sflag:s23], $0x1  }
0xa3: {  	[sflag:s23] =	ssyncset.done $0x0  }
0xa4: {  	s25 =	simm.s32 $0x1B8E;
	s24 =	sld [smem:$0x3FFE];
	[sflag:s23] =	ssyncadd.s32 $0xFFFFFFFF  }
0xa5: {  	s26 =	simm.s32 $execute0_lowered;
	[smem:$0x3FD2] =	sst s25  }
0xa6: {  	s5 =	sshll.u32 s26, $0x1;
	_ =	strace $0x8000004C;
	[dreg:$0x1] =	wrdreg $0xFFFFFFFF  }
0xa7: {  	s28 =	simm.s32 $_size_execute0_lowered;
	s3 =	sadd.s32 s3, s5;
	[dreg:$0x0] =	wrdreg $0x0  }
0xa8: {  	s5 =	sshll.u32 s28, $0x1;
	[dreg:$0x2] =	wrdreg s3  }
0xa9: {  	[dreg:$0x3] =	wrdreg s5  }
0xaa: {  	[dreg:$0x4] =	wrdreg $0xC0  }
0xab: {  	_ =	task [dreg:s7], $0x5FFFF  }
0xac: {  	[dreg:$0x1] =	wrdreg $0xFFFFFFFF  }
0xad: {  	[dreg:$0x0] =	wrdreg $0x60  }
0xae: {  	[dreg:$0x2] =	wrdreg s24  }
0xaf: {  	[dreg:$0x3] =	wrdreg s2  }
0xb0: {  	[dreg:$0x4] =	wrdreg $0xB8000  }
0xb1: {  	[dreg:$0x5] =	wrdreg $0x9  }
0xb2: {  	_ =	task.clear_ibuf [dreg:s7], $0x6FFFF;
	_ =	strace $0x9000004C  }
0xb3: {  	s29 =	simm.s32 $0x9;
	_ =	strace $0x8000004E  }
0xb4: {  	_ =	swait.ge [sflag:s29], $0x1  }
0xb5: {  	[sflag:s29] =	ssyncadd.s32 $0xFFFFFFFF  }
0xb6: {  	_ =	strace $0x9000004E  }
0xb7: {  	_ =	sfence  }
0xb8: {  	s30 =	sld [smem:$0x0];
	_ =	sdelay $0x2  }
0xb9: {  	s31 =	sshll.u32 s1, $0xD;
	s1 =	sshrl.u32 s1, $0x2  }
0xba: {  	s3 =	sand.u32 $0x4000, s31;
	s1 =	sadd.s32 s1, s30  }
0xbb: {  	s0 =	sor.u32 s3, s0;
	s1 =	sshll.u32 s1, $0x11  }
0xbc: {  	s0 =	sor.u32 s1, s0  }
0xbd: {  	s0 =	sadd.s32 $0x8F2B, s0  }
0xbe: {  	[sflag:s0] =	ssyncadd.remote.s32 $0x1  }
0xbf: {  	_ =	sfence.sel $0xFFFF  }
0xc0: {  	[dreg:$0x0] =	wrdreg $0xFFFFFFFF;
	(pc) =	sbr.abs _section_cstart, $3  }
0xc1: {  	[dreg:$0x1] =	wrdreg $0xFFFFFFFF  }
0xc2: {  	_ =	task.clear_ibuf [dreg:s7], $0x2FFFF;
	_ =	strace $0x9FFFFFFF  }
0xc3: {  	(tm) =	ssettm $0x7FFFFFFF  }
tec
execute0_lowered:
.L_overlay_start_1:
0x0: {  	(tag) =	ssettag $0x1  }
0x1: {  	s9 =	rddreg [dreg:$0x0]  }
0x2: {  	s0 =	srdreg.scid;
	s2 =	rddreg [dreg:$0x1]  }
0x3: {  	s3 =	rddreg [dreg:$0x2];
	s4 =	simm.s32 $0x0;
	s19 =	simm.s32 $0x6800  }
0x4: {  	s20 =	simm.s32 $0x50;
	s21 =	simm.s32 $0x9000;
	s22 =	simm.s32 $0x1  }
0x5: {  	s23 =	simm.s32 $0x2;
	s8 =	sand.u32 $0x1, s0;
	s0 =	stileid.u32  }
0x6: {  	s24 =	simm.s32 $0x0;
	[smem:$0x7FF] =	sst s4;
	s11 =	smul.u32 $0x280, s0  }
0x7: {  	s7 =	sadd.s32 $0xEF400, s9;
	s1 =	sshll.u32 s8, $0x4;
	s12 =	smul.u32 $0x2800, s8  }
0x8: {  	s30 =	ssub.s32 $0x2, s8;
	s14 =	smul.u32 $0x50000, s0;
	s8 =	sadd.s32 $0xC7400, s9  }
0x9: {  	s17 =	sshll.u32 s0, $0x6;
	s5 =	sor.u32 s0, s1;
	s1 =	rddreg [dreg:$0x3]  }
0xa: {  	_ =	strace $0x8000004D;
	s15 =	sshrl.u32 s30, $0x1;
	s17 =	sor.u32 $0x1C03, s17  }
0xb: {  	s6 =	smul.u32 $0x500, s5;
	s29 =	sshll.u32 s5, $0xB;
	s5 =	sadd.s32 $0x13F400, s9  }
0xc: {  	s11 =	sadd.s32 s11, s12;
	s15 =	ssub.s32 s30, s15;
	s31 =	sshrl.u32 s14, $0x2  }
0xd: {  	s13 =	sadd.s32 s29, s9;
	s11 =	sshll.u32 s11, $0x4;
	s18 =	sadd.s32 s31, s3  }
0xe: {  	s15 =	smax.u32 s15, $0x1;
	s10 =	sadd.s32 s6, s9;
	s6 =	sadd.s32 $0x117400, s9  }
0xf: {  	s16 =	sadd.s32 s11, s9;
	s18 =	sshrl.u32 s18, $0x3;
	s9 =	sadd.s32 $0xD400, s10  }
0x10: {  	s10 =	sadd.s32 $0x17400, s13;
	s11 =	sadd.s32 $0x27400, s16;
	s12 =	sadd.s32 $0x77400, s16  }
0x11: {  	s13 =	sadd.s32 $0x167400, s16;
	s14 =	sadd.s32 $0x1B7400, s16;
	s16 =	simm.s32 $0x3  }
.LBB2_1:
0x12: {  	[tilespmem:s4], [sflag:$0x3] =	stream.linear.gather [hbm4b:s9+s4], $0x2800, $0x38;
	[tilespmem:$0x1F800] =	vst v63  }
0x13: {  	_ =	swait.ge [sflag:s16], $0x2800  }
0x14: {  	[sflag:s16] =	ssyncset.done $0x0  }
0x15: {  	s25 =	simm.s32 $0x2800;
	[sflag:s16] =	ssyncadd.s32 $0xFFFFD800  }
0x16: {  	[tilespmem:s25], [sflag:$0x3] =	stream.linear.gather [hbm4b:s10+s4], $0x4000, $0x38;
	[tilespmem:$0x1F800] =	vst v63  }
0x17: {  	_ =	swait.ge [sflag:s16], $0x4000  }
0x18: {  	[sflag:s16] =	ssyncset.done $0x0  }
0x19: {  	[sflag:s16] =	ssyncadd.s32 $0xFFFFC000  }
0x1a: {  	[spmem:s18], [sflag:s17] =	dma.local [hbm:s2], $0x2800  }
0x1b: {  	_ =	swait.ge [sflag:s16], $0x2800  }
0x1c: {  	[sflag:s16] =	ssyncset.done $0x0  }
0x1d: {  	[sflag:s16] =	ssyncadd.s32 $0xFFFFD800  }
0x1e: {  	[bflag:$0x0] =	sbarrier.arrive $0xFFFF  }
0x1f: {  	[tilespmem:s19], [sflag:$0x1] =	stream.indirect.gather [hbm4b:s5+s20], $0x80, s4, s20, $0xb8;
	[tilespmem:$0x1F800] =	vst v63  }
0x20: {  	_ = 	snop  }
0x21: {  	[tilespmem:s21], [sflag:$0x2] =	stream.indirect.gather [hbm4b:s5+s20], $0x80, s20, s20, $0xb8;
	[tilespmem:$0x1F800] =	vst v63  }
0x22: {  	_ =	swait.ge [sflag:s22], $0x2800  }
0x23: {  	s26 =	smin.u32 s4, $0x7C;
	[sflag:s22] =	ssyncset.done $0x0  }
0x24: {  	s26 =	smul.u32 $0x140, s26;
	[sflag:s22] =	ssyncadd.s32 $0xFFFFD800  }
0x25: {  	[spmem:s3] =	stream.indirect.scatter.add.f32 [tilespmem:s19], [sflag:$0x3], $0x80, s25, s20, $0xb8;
	[tilespmem:$0x1F800] =	vst v63  }
0x26: {  	_ =	swait.ge [sflag:s16], $0x2800  }
0x27: {  	s26 =	sshrl.u32 s26, $0x2;
	[sflag:s16] =	ssyncset.done $0x0  }
0x28: {  	s26 =	sadd.s32 $0xA0, s26;
	[sflag:s16] =	ssyncadd.s32 $0xFFFFD800  }
0x29: {  	[tilespmem:s19], [sflag:$0x1] =	stream.indirect.gather [hbm4b:s5+s20], $0x80, s26, s20, $0xb8;
	[tilespmem:$0x1F800] =	vst v63  }
0x2a: {  	_ =	swait.ge [sflag:s23], $0x2800  }
0x2b: {  	[sflag:s23] =	ssyncset.done $0x0  }
0x2c: {  	s31 =	simm.s32 $0x2880;
	[sflag:s23] =	ssyncadd.s32 $0xFFFFD800  }
0x2d: {  	[spmem:s3] =	stream.indirect.scatter.add.f32 [tilespmem:s21], [sflag:$0x3], $0x80, s31, s20, $0xb8;
	[tilespmem:$0x1F800] =	vst v63  }
0x2e: {  	s28 =	simm.s32 $0x50;
	s26 =	simm.s32 $0x2;
	_ =	swait.ge [sflag:s16], $0x2800  }
.LBB2_2:
0x2f: {  	[sflag:s16] =	ssyncset.done $0x0  }
0x30: {  	s25 =	sadd.s32 $0x100, s25;
	s28 =	sadd.s32 $0xA0, s28;
	s29 =	smov.u32 s26  }
0x31: {  	p0 =	sne.s32 s26, $0x7E;
	s26 =	sadd.s32 $0x2, s26;
	[sflag:s16] =	ssyncadd.s32 $0xFFFFD800  }
0x32: {  	[tilespmem:s21], [sflag:$0x2] =	stream.indirect.gather [hbm4b:s5+s20], $0x80, s28, s20, $0xb8;
	[tilespmem:$0x1F800] =	vst v63  }
0x33: {  	_ =	swait.ge [sflag:s22], $0x2800  }
0x34: {  	s29 =	smin.u32 s29, $0x7C;
	[sflag:s22] =	ssyncset.done $0x0  }
0x35: {  	s29 =	smul.u32 $0x140, s29;
	[sflag:s22] =	ssyncadd.s32 $0xFFFFD800  }
0x36: {  	[spmem:s3] =	stream.indirect.scatter.add.f32 [tilespmem:s19], [sflag:$0x3], $0x80, s25, s20, $0xb8;
	[tilespmem:$0x1F800] =	vst v63  }
0x37: {  	s29 =	sshrl.u32 s29, $0x2;
	_ =	swait.ge [sflag:s16], $0x2800  }
0x38: {  	s29 =	sadd.s32 $0xA0, s29;
	[sflag:s16] =	ssyncset.done $0x0  }
0x39: {  	[sflag:s16] =	ssyncadd.s32 $0xFFFFD800  }
0x3a: {  	[tilespmem:s19], [sflag:$0x1] =	stream.indirect.gather [hbm4b:s5+s20], $0x80, s29, s20, $0xb8;
	[tilespmem:$0x1F800] =	vst v63  }
.Ltmp0:
0x3b: {  	_ =	swait.ge [sflag:s23], $0x2800;
	(pc) =	sbr.rel @p0 .LBB2_2-.Ltmp0, $4  }
0x3c: {  	s29 =	sadd.s32 $0x80, s25;
	[sflag:s23] =	ssyncset.done $0x0  }
0x3d: {  	[sflag:s23] =	ssyncadd.s32 $0xFFFFD800  }
0x3e: {  	[spmem:s3] =	stream.indirect.scatter.add.f32 [tilespmem:s21], [sflag:$0x3], $0x80, s29, s20, $0xb8;
	[tilespmem:$0x1F800] =	vst v63  }
0x3f: {  	_ =	swait.ge [sflag:s16], $0x2800  }
0x40: {  	[sflag:s16] =	ssyncset.done $0x0  }
0x41: {  	[sflag:s16] =	ssyncadd.s32 $0xFFFFD800  }
0x42: {  	_ =	swait.ge [sflag:s22], $0x2800  }
0x43: {  	[sflag:s22] =	ssyncset.done $0x0  }
0x44: {  	[sflag:s22] =	ssyncadd.s32 $0xFFFFD800  }
0x45: {  	[bflag:$0x0] =	sbarrier.arrive $0xFFFF  }
0x46: {  	[hbm:s11], [sflag:s17] =	dma.local [spmem:s18], $0x2800  }
0x47: {  	_ =	swait.ge [sflag:s16], $0x2800  }
0x48: {  	[sflag:s16] =	ssyncset.done $0x0  }
0x49: {  	[sflag:s16] =	ssyncadd.s32 $0xFFFFD800  }
0x4a: {  	[spmem:s18], [sflag:s17] =	dma.local [hbm:s2], $0x2800  }
0x4b: {  	_ =	swait.ge [sflag:s16], $0x2800  }
0x4c: {  	[sflag:s16] =	ssyncset.done $0x0  }
0x4d: {  	[sflag:s16] =	ssyncadd.s32 $0xFFFFD800  }
0x4e: {  	s25 =	simm.s32 $0x50;
	s26 =	simm.s32 $0x0;
	[bflag:$0x0] =	sbarrier.arrive $0xFFFF  }
0x4f: {  	[tilespmem:s19], [sflag:$0x1] =	stream.indirect.gather [hbm4b:s6+s25], $0x80, s26, s25, $0xb8;
	[tilespmem:$0x1F800] =	vst v63  }
0x50: {  	_ = 	snop  }
0x51: {  	[tilespmem:s21], [sflag:$0x2] =	stream.indirect.gather [hbm4b:s6+s20], $0x80, s25, s20, $0xb8;
	[tilespmem:$0x1F800] =	vst v63  }
0x52: {  	_ =	swait.ge [sflag:s22], $0x2800  }
0x53: {  	s28 =	smin.u32 s26, $0x7C;
	[sflag:s22] =	ssyncset.done $0x0  }
0x54: {  	s28 =	smul.u32 $0x140, s28;
	s26 =	simm.s32 $0x2800;
	[sflag:s22] =	ssyncadd.s32 $0xFFFFD800  }
0x55: {  	[spmem:s3] =	stream.indirect.scatter.add.f32 [tilespmem:s19], [sflag:$0x3], $0x80, s26, s20, $0xb8;
	[tilespmem:$0x1F800] =	vst v63  }
0x56: {  	_ =	swait.ge [sflag:s16], $0x2800  }
0x57: {  	s28 =	sshrl.u32 s28, $0x2;
	[sflag:s16] =	ssyncset.done $0x0  }
0x58: {  	s28 =	sadd.s32 $0xA0, s28;
	[sflag:s16] =	ssyncadd.s32 $0xFFFFD800  }
0x59: {  	[tilespmem:s19], [sflag:$0x1] =	stream.indirect.gather [hbm4b:s6+s20], $0x80, s28, s20, $0xb8;
	[tilespmem:$0x1F800] =	vst v63  }
0x5a: {  	_ =	swait.ge [sflag:s23], $0x2800  }
0x5b: {  	[sflag:s23] =	ssyncset.done $0x0  }
0x5c: {  	s28 =	simm.s32 $0x2880;
	[sflag:s23] =	ssyncadd.s32 $0xFFFFD800  }
0x5d: {  	[spmem:s3] =	stream.indirect.scatter.add.f32 [tilespmem:s21], [sflag:$0x3], $0x80, s28, s20, $0xb8;
	[tilespmem:$0x1F800] =	vst v63  }
0x5e: {  	s28 =	simm.s32 $0x2;
	_ =	swait.ge [sflag:s16], $0x2800  }
.LBB2_4:
0x5f: {  	[sflag:s16] =	ssyncset.done $0x0  }
0x60: {  	s26 =	sadd.s32 $0x100, s26;
	s25 =	sadd.s32 $0xA0, s25;
	s29 =	smov.u32 s28  }
0x61: {  	p0 =	sne.s32 s28, $0x7E;
	s28 =	sadd.s32 $0x2, s28;
	[sflag:s16] =	ssyncadd.s32 $0xFFFFD800  }
0x62: {  	[tilespmem:s21], [sflag:$0x2] =	stream.indirect.gather [hbm4b:s6+s20], $0x80, s25, s20, $0xb8;
	[tilespmem:$0x1F800] =	vst v63  }
0x63: {  	_ =	swait.ge [sflag:s22], $0x2800  }
0x64: {  	s29 =	smin.u32 s29, $0x7C;
	[sflag:s22] =	ssyncset.done $0x0  }
0x65: {  	s29 =	smul.u32 $0x140, s29;
	[sflag:s22] =	ssyncadd.s32 $0xFFFFD800  }
0x66: {  	[spmem:s3] =	stream.indirect.scatter.add.f32 [tilespmem:s19], [sflag:$0x3], $0x80, s26, s20, $0xb8;
	[tilespmem:$0x1F800] =	vst v63  }
0x67: {  	s29 =	sshrl.u32 s29, $0x2;
	_ =	swait.ge [sflag:s16], $0x2800  }
0x68: {  	s29 =	sadd.s32 $0xA0, s29;
	[sflag:s16] =	ssyncset.done $0x0  }
0x69: {  	[sflag:s16] =	ssyncadd.s32 $0xFFFFD800  }
0x6a: {  	[tilespmem:s19], [sflag:$0x1] =	stream.indirect.gather [hbm4b:s6+s20], $0x80, s29, s20, $0xb8;
	[tilespmem:$0x1F800] =	vst v63  }
.Ltmp1:
0x6b: {  	_ =	swait.ge [sflag:s23], $0x2800;
	(pc) =	sbr.rel @p0 .LBB2_4-.Ltmp1, $4  }
0x6c: {  	s29 =	sadd.s32 $0x80, s26;
	[sflag:s23] =	ssyncset.done $0x0  }
0x6d: {  	[sflag:s23] =	ssyncadd.s32 $0xFFFFD800  }
0x6e: {  	[spmem:s3] =	stream.indirect.scatter.add.f32 [tilespmem:s21], [sflag:$0x3], $0x80, s29, s20, $0xb8;
	[tilespmem:$0x1F800] =	vst v63  }
0x6f: {  	_ =	swait.ge [sflag:s16], $0x2800  }
0x70: {  	[sflag:s16] =	ssyncset.done $0x0  }
0x71: {  	[sflag:s16] =	ssyncadd.s32 $0xFFFFD800  }
0x72: {  	_ =	swait.ge [sflag:s22], $0x2800  }
0x73: {  	[sflag:s22] =	ssyncset.done $0x0  }
0x74: {  	[sflag:s22] =	ssyncadd.s32 $0xFFFFD800  }
0x75: {  	[bflag:$0x0] =	sbarrier.arrive $0xFFFF  }
0x76: {  	[hbm:s12], [sflag:s17] =	dma.local [spmem:s18], $0x2800  }
0x77: {  	_ =	swait.ge [sflag:s16], $0x2800  }
0x78: {  	[sflag:s16] =	ssyncset.done $0x0  }
0x79: {  	[sflag:s16] =	ssyncadd.s32 $0xFFFFD800  }
0x7a: {  	[spmem:s18], [sflag:s17] =	dma.local [hbm:s2], $0x2800  }
0x7b: {  	_ =	swait.ge [sflag:s16], $0x2800  }
0x7c: {  	[sflag:s16] =	ssyncset.done $0x0  }
0x7d: {  	[sflag:s16] =	ssyncadd.s32 $0xFFFFD800  }
0x7e: {  	s25 =	simm.s32 $0x50;
	s26 =	simm.s32 $0x0;
	[bflag:$0x0] =	sbarrier.arrive $0xFFFF  }
0x7f: {  	[tilespmem:s19], [sflag:$0x1] =	stream.indirect.gather [hbm4b:s7+s25], $0x80, s26, s25, $0xb8;
	[tilespmem:$0x1F800] =	vst v63  }
0x80: {  	_ = 	snop  }
0x81: {  	[tilespmem:s21], [sflag:$0x2] =	stream.indirect.gather [hbm4b:s7+s20], $0x80, s25, s20, $0xb8;
	[tilespmem:$0x1F800] =	vst v63  }
0x82: {  	_ =	swait.ge [sflag:s22], $0x2800  }
0x83: {  	s28 =	smin.u32 s26, $0x7C;
	[sflag:s22] =	ssyncset.done $0x0  }
0x84: {  	s28 =	smul.u32 $0x140, s28;
	s26 =	simm.s32 $0x2800;
	[sflag:s22] =	ssyncadd.s32 $0xFFFFD800  }
0x85: {  	[spmem:s3] =	stream.indirect.scatter.add.f32 [tilespmem:s19], [sflag:$0x3], $0x80, s26, s20, $0xb8;
	[tilespmem:$0x1F800] =	vst v63  }
0x86: {  	_ =	swait.ge [sflag:s16], $0x2800  }
0x87: {  	s28 =	sshrl.u32 s28, $0x2;
	[sflag:s16] =	ssyncset.done $0x0  }
0x88: {  	s28 =	sadd.s32 $0xA0, s28;
	[sflag:s16] =	ssyncadd.s32 $0xFFFFD800  }
0x89: {  	[tilespmem:s19], [sflag:$0x1] =	stream.indirect.gather [hbm4b:s7+s20], $0x80, s28, s20, $0xb8;
	[tilespmem:$0x1F800] =	vst v63  }
0x8a: {  	_ =	swait.ge [sflag:s23], $0x2800  }
0x8b: {  	[sflag:s23] =	ssyncset.done $0x0  }
0x8c: {  	s28 =	simm.s32 $0x2880;
	[sflag:s23] =	ssyncadd.s32 $0xFFFFD800  }
0x8d: {  	[spmem:s3] =	stream.indirect.scatter.add.f32 [tilespmem:s21], [sflag:$0x3], $0x80, s28, s20, $0xb8;
	[tilespmem:$0x1F800] =	vst v63  }
0x8e: {  	s28 =	simm.s32 $0x2;
	_ =	swait.ge [sflag:s16], $0x2800  }
.LBB2_6:
0x8f: {  	[sflag:s16] =	ssyncset.done $0x0  }
0x90: {  	s26 =	sadd.s32 $0x100, s26;
	s25 =	sadd.s32 $0xA0, s25;
	s29 =	smov.u32 s28  }
0x91: {  	p0 =	sne.s32 s28, $0x7E;
	s28 =	sadd.s32 $0x2, s28;
	[sflag:s16] =	ssyncadd.s32 $0xFFFFD800  }
0x92: {  	[tilespmem:s21], [sflag:$0x2] =	stream.indirect.gather [hbm4b:s7+s20], $0x80, s25, s20, $0xb8;
	[tilespmem:$0x1F800] =	vst v63  }
0x93: {  	_ =	swait.ge [sflag:s22], $0x2800  }
0x94: {  	s29 =	smin.u32 s29, $0x7C;
	[sflag:s22] =	ssyncset.done $0x0  }
0x95: {  	s29 =	smul.u32 $0x140, s29;
	[sflag:s22] =	ssyncadd.s32 $0xFFFFD800  }
0x96: {  	[spmem:s3] =	stream.indirect.scatter.add.f32 [tilespmem:s19], [sflag:$0x3], $0x80, s26, s20, $0xb8;
	[tilespmem:$0x1F800] =	vst v63  }
0x97: {  	s29 =	sshrl.u32 s29, $0x2;
	_ =	swait.ge [sflag:s16], $0x2800  }
0x98: {  	s29 =	sadd.s32 $0xA0, s29;
	[sflag:s16] =	ssyncset.done $0x0  }
0x99: {  	[sflag:s16] =	ssyncadd.s32 $0xFFFFD800  }
0x9a: {  	[tilespmem:s19], [sflag:$0x1] =	stream.indirect.gather [hbm4b:s7+s20], $0x80, s29, s20, $0xb8;
	[tilespmem:$0x1F800] =	vst v63  }
.Ltmp2:
0x9b: {  	_ =	swait.ge [sflag:s23], $0x2800;
	(pc) =	sbr.rel @p0 .LBB2_6-.Ltmp2, $4  }
0x9c: {  	s29 =	sadd.s32 $0x80, s26;
	[sflag:s23] =	ssyncset.done $0x0  }
0x9d: {  	[sflag:s23] =	ssyncadd.s32 $0xFFFFD800  }
0x9e: {  	[spmem:s3] =	stream.indirect.scatter.add.f32 [tilespmem:s21], [sflag:$0x3], $0x80, s29, s20, $0xb8;
	[tilespmem:$0x1F800] =	vst v63  }
0x9f: {  	_ =	swait.ge [sflag:s16], $0x2800  }
0xa0: {  	[sflag:s16] =	ssyncset.done $0x0  }
0xa1: {  	[sflag:s16] =	ssyncadd.s32 $0xFFFFD800  }
0xa2: {  	_ =	swait.ge [sflag:s22], $0x2800  }
0xa3: {  	[sflag:s22] =	ssyncset.done $0x0  }
0xa4: {  	[sflag:s22] =	ssyncadd.s32 $0xFFFFD800  }
0xa5: {  	[bflag:$0x0] =	sbarrier.arrive $0xFFFF  }
0xa6: {  	[hbm:s13], [sflag:s17] =	dma.local [spmem:s18], $0x2800  }
0xa7: {  	_ =	swait.ge [sflag:s16], $0x2800  }
0xa8: {  	[sflag:s16] =	ssyncset.done $0x0  }
0xa9: {  	[sflag:s16] =	ssyncadd.s32 $0xFFFFD800  }
0xaa: {  	[spmem:s18], [sflag:s17] =	dma.local [hbm:s2], $0x2800  }
0xab: {  	_ =	swait.ge [sflag:s16], $0x2800  }
0xac: {  	[sflag:s16] =	ssyncset.done $0x0  }
0xad: {  	[sflag:s16] =	ssyncadd.s32 $0xFFFFD800  }
0xae: {  	s25 =	simm.s32 $0x50;
	s26 =	simm.s32 $0x0;
	[bflag:$0x0] =	sbarrier.arrive $0xFFFF  }
0xaf: {  	[tilespmem:s19], [sflag:$0x1] =	stream.indirect.gather [hbm4b:s8+s25], $0x80, s26, s25, $0xb8;
	[tilespmem:$0x1F800] =	vst v63  }
0xb0: {  	_ = 	snop  }
0xb1: {  	[tilespmem:s21], [sflag:$0x2] =	stream.indirect.gather [hbm4b:s8+s20], $0x80, s25, s20, $0xb8;
	[tilespmem:$0x1F800] =	vst v63  }
0xb2: {  	_ =	swait.ge [sflag:s22], $0x2800  }
0xb3: {  	s28 =	smin.u32 s26, $0x7C;
	[sflag:s22] =	ssyncset.done $0x0  }
0xb4: {  	s28 =	smul.u32 $0x140, s28;
	s26 =	simm.s32 $0x2800;
	[sflag:s22] =	ssyncadd.s32 $0xFFFFD800  }
0xb5: {  	[spmem:s3] =	stream.indirect.scatter.add.f32 [tilespmem:s19], [sflag:$0x3], $0x80, s26, s20, $0xb8;
	[tilespmem:$0x1F800] =	vst v63  }
0xb6: {  	_ =	swait.ge [sflag:s16], $0x2800  }
0xb7: {  	s28 =	sshrl.u32 s28, $0x2;
	[sflag:s16] =	ssyncset.done $0x0  }
0xb8: {  	s28 =	sadd.s32 $0xA0, s28;
	[sflag:s16] =	ssyncadd.s32 $0xFFFFD800  }
0xb9: {  	[tilespmem:s19], [sflag:$0x1] =	stream.indirect.gather [hbm4b:s8+s20], $0x80, s28, s20, $0xb8;
	[tilespmem:$0x1F800] =	vst v63  }
0xba: {  	_ =	swait.ge [sflag:s23], $0x2800  }
0xbb: {  	[sflag:s23] =	ssyncset.done $0x0  }
0xbc: {  	s28 =	simm.s32 $0x2880;
	[sflag:s23] =	ssyncadd.s32 $0xFFFFD800  }
0xbd: {  	[spmem:s3] =	stream.indirect.scatter.add.f32 [tilespmem:s21], [sflag:$0x3], $0x80, s28, s20, $0xb8;
	[tilespmem:$0x1F800] =	vst v63  }
0xbe: {  	s28 =	simm.s32 $0x2;
	_ =	swait.ge [sflag:s16], $0x2800  }
.LBB2_8:
0xbf: {  	[sflag:s16] =	ssyncset.done $0x0  }
0xc0: {  	s26 =	sadd.s32 $0x100, s26;
	s25 =	sadd.s32 $0xA0, s25;
	s29 =	smov.u32 s28  }
0xc1: {  	p0 =	sne.s32 s28, $0x7E;
	s28 =	sadd.s32 $0x2, s28;
	[sflag:s16] =	ssyncadd.s32 $0xFFFFD800  }
0xc2: {  	[tilespmem:s21], [sflag:$0x2] =	stream.indirect.gather [hbm4b:s8+s20], $0x80, s25, s20, $0xb8;
	[tilespmem:$0x1F800] =	vst v63  }
0xc3: {  	_ =	swait.ge [sflag:s22], $0x2800  }
0xc4: {  	s29 =	smin.u32 s29, $0x7C;
	[sflag:s22] =	ssyncset.done $0x0  }
0xc5: {  	s29 =	smul.u32 $0x140, s29;
	[sflag:s22] =	ssyncadd.s32 $0xFFFFD800  }
0xc6: {  	[spmem:s3] =	stream.indirect.scatter.add.f32 [tilespmem:s19], [sflag:$0x3], $0x80, s26, s20, $0xb8;
	[tilespmem:$0x1F800] =	vst v63  }
0xc7: {  	s29 =	sshrl.u32 s29, $0x2;
	_ =	swait.ge [sflag:s16], $0x2800  }
0xc8: {  	s29 =	sadd.s32 $0xA0, s29;
	[sflag:s16] =	ssyncset.done $0x0  }
0xc9: {  	[sflag:s16] =	ssyncadd.s32 $0xFFFFD800  }
0xca: {  	[tilespmem:s19], [sflag:$0x1] =	stream.indirect.gather [hbm4b:s8+s20], $0x80, s29, s20, $0xb8;
	[tilespmem:$0x1F800] =	vst v63  }
.Ltmp3:
0xcb: {  	_ =	swait.ge [sflag:s23], $0x2800;
	(pc) =	sbr.rel @p0 .LBB2_8-.Ltmp3, $4  }
0xcc: {  	s29 =	sadd.s32 $0x80, s26;
	[sflag:s23] =	ssyncset.done $0x0  }
0xcd: {  	[sflag:s23] =	ssyncadd.s32 $0xFFFFD800  }
0xce: {  	[spmem:s3] =	stream.indirect.scatter.add.f32 [tilespmem:s21], [sflag:$0x3], $0x80, s29, s20, $0xb8;
	[tilespmem:$0x1F800] =	vst v63  }
0xcf: {  	_ =	swait.ge [sflag:s16], $0x2800  }
0xd0: {  	[sflag:s16] =	ssyncset.done $0x0  }
0xd1: {  	[sflag:s16] =	ssyncadd.s32 $0xFFFFD800  }
0xd2: {  	_ =	swait.ge [sflag:s22], $0x2800  }
0xd3: {  	s24 =	sadd.s32 $0x1, s24;
	[sflag:s22] =	ssyncset.done $0x0  }
0xd4: {  	p0 =	sne.s32 s24, s15;
	[sflag:s22] =	ssyncadd.s32 $0xFFFFD800  }
.Ltmp4:
0xd5: {  	[bflag:$0x0] =	sbarrier.arrive $0xFFFF;
	(pc) =	sbr.rel @p0 .LBB2_1-.Ltmp4, $4  }
0xd6: {  	[hbm:s14], [sflag:s17] =	dma.local [spmem:s18], $0x2800  }
0xd7: {  	_ =	swait.ge [sflag:s16], $0x2800  }
0xd8: {  	[sflag:s16] =	ssyncset.done $0x0  }
0xd9: {  	[sflag:s16] =	ssyncadd.s32 $0xFFFFD800  }
0xda: {  	_ =	sfence.sel $0x180000  }
0xdb: {  	[bflag:$0x0] =	sbarrier.arrive $0xFFFF  }
0xdc: {  	p0 =	sne.s32 s0, $0x0;
	_ =	strace $0x9000004D  }
0xdd: {  	s0 =	sadd.s32 @!p0 $0x100000, s1;
	[bflag:$0x2] =	sbarrier.arrive $0xFFFF  }
0xde: {  	[sflag:s0] =	ssyncadd.tile.s32 @!p0 $0x1;
	_ =	shalt  }
.Lfunc_end2:
_tile_overlayer_lowered:
.L_overlay_start_2:
0xdf: {  	(tag) =	ssettag $0x2  }
0xe0: {  	s0 =	rddreg [dreg:$0x0];
	s2 =	stileid.u32  }
0xe1: {  	s1 =	rddreg [dreg:$0x1];
	p0 =	sne.s32 s2, $0x0  }
0xe2: {  	s3 =	rddreg [dreg:$0x2];
	[bflag:$0x3] =	sbarrier.arrive $0xFFFF;
	s2 =	simm.s32 @!p0 $0x1C03  }
0xe3: {  	[timem:s3], [sflag:s2] =	dma.local @!p0 [hbm:s0], s1  }
0xe4: {  	s0 =	simm.s32 @!p0 $0x3  }
0xe5: {  	_ =	swait.ge @!p0 [sflag:s0], s1  }
0xe6: {  	s1 =	ssub.s32 @!p0 $0x0, s1;
	[sflag:s0] =	ssyncset.done @!p0 $0x0  }
0xe7: {  	[sflag:s0] =	ssyncadd.s32 @!p0 s1  }
0xe8: {  	[bflag:$0x3] =	sbarrier.arrive $0xFFFF  }
0xe9: {  	_ =	shalt  }

// kernel: kernel.19.cloned.1.call-start
scs
__scs_entry_jumppad:
0x0: {  	(pc) =	sbr.rel $0x88, $3  }
0x1: {  	(tag) =	ssettag $0x0;
	lr =	simm.s32 $0x1  }
0x2: {  	[smem:$0x3F96] =	sst lr;
	_ =	strace $0xD0000000  }
0x3: {  	_ = 	snop  }
0x4: {  	_ = 	snop  }
0x5: {  	_ = 	snop  }
0x6: {  	_ = 	snop  }
0x7: {  	_ = 	snop  }
__scs_overlays_trampoline_lowered:
0x8: {  	[smem:$0x3FA5] =	sst s0  }
0x9: {  	[smem:$0x3FA6] =	sst s1  }
0xa: {  	[smem:$0x3FA7] =	sst s2  }
0xb: {  	[smem:$0x3FA8] =	sst s3  }
0xc: {  	[smem:$0x3FA9] =	sst s4  }
0xd: {  	[smem:$0x3FAA] =	sst s5  }
0xe: {  	[smem:$0x3FAB] =	sst s6  }
0xf: {  	[smem:$0x3FAC] =	sst s7  }
0x10: {  	[smem:$0x3FAD] =	sst s8  }
0x11: {  	[smem:$0x3FAE] =	sst s9;
	s0 =	simm.s32 @!p0 $0x0  }
0x12: {  	s1 =	sld [smem:$0x3F94];
	s0 =	simm.s32 @p0 $0x1  }
0x13: {  	[smem:$0x3FAF] =	sst s0;
	s0 =	simm.s32 @!p1 $0x0  }
0x14: {  	s2 =	sld [smem:$0x3F93];
	s0 =	simm.s32 @p1 $0x1  }
0x15: {  	[smem:$0x3FB0] =	sst s0;
	s0 =	simm.s32 @!p2 $0x0  }
0x16: {  	s3 =	sld [smem:$0x3FDB];
	s0 =	simm.s32 @p2 $0x1  }
0x17: {  	s4 =	simm.s32 $0x1BF5;
	[smem:$0x3FB2] =	sst s0  }
0x18: {  	s0 =	sld [smem:$0x3F95];
	_ =	swait.ge [sflag:s4], $0x0  }
0x19: {  	s7 =	sld [smem:$0x3F96]  }
0x1a: {  	s8 =	sadd.s32 $0xFFFFE003, lr  }
0x1b: {  	s9 =	sadd.s32 $0xFFFFFEF7, lr;
	s5 =	simm.s32 $0xFFFFFFFF;
	p2 =	slt.u32 s8, $0xFFFFF086  }
0x1c: {  	p1 =	slt.u32 s9, $0xF7A;
	s5 =	simm.s32 @!p2 $0x0  }
0x1d: {  	s5 =	simm.s32 @p1 $0x1;
	p0 =	seq.s32 s7, s2  }
0x1e: {  	s7 =	smul.u32 @!p0 $0xF7A, s2;
	p2 =	seq.s32 @!p0 s5, $0x0  }
0x1f: {  	s9 =	smul.u32 $0xF7A, s1;
	s8 =	simm.s32 @!p0 $0x1BF5;
	p2 =	por !p2, p0  }
0x20: {  	[sflag:s8] =	ssyncset.s32 @!p0 $0xFFFFF086;
	s6 =	sadd.s32 @!p0 s3, s7;
	s7 =	simm.s32 @!p0 $0x108  }
0x21: {  	s3 =	sadd.s32 s3, s9;
	s6 =	sadd.s32 @!p0 $0x88, s6;
	s7 =	simm.s32 @p2 $0x1082  }
0x22: {  	[simem:s7], [sflag:s8] =	dma.local @!p0 [hbm:s6], $0xF7A  }
0x23: {  	s9 =	sor.u32 $0xD0000000, s2;
	s6 =	simm.s32 $0x108;
	_ =	swait.ge @!p0 [sflag:s8], $0x0  }
0x24: {  	s3 =	sadd.s32 $0x88, s3;
	s6 =	simm.s32 @!p1 $0x1082;
	[sflag:s4] =	ssyncset.s32 $0xFFFFF086  }
0x25: {  	[simem:s6], [sflag:s4] =	dma.local [hbm:s3], $0xF7A  }
0x26: {  	[smem:$0x3F96] =	sst s1;
	(tag) =	ssettag s2;
	_ =	strace s9  }
0x27: {  	s1 =	sld [smem:$0x3FA6]  }
0x28: {  	s2 =	sld [smem:$0x3FA7]  }
0x29: {  	s4 =	sld [smem:$0x3FA9]  }
0x2a: {  	p0 =	seq.s32 s5, $0x0;
	s5 =	sld [smem:$0x3FAA]  }
0x2b: {  	s6 =	sld [smem:$0x3FAB]  }
0x2c: {  	s7 =	sld [smem:$0x3FAC]  }
0x2d: {  	s3 =	simm.s32 $0x108;
	s8 =	sld [smem:$0x3FAD]  }
0x2e: {  	s3 =	simm.s32 @!p0 $0x1082;
	s9 =	sld [smem:$0x3FAE]  }
0x2f: {  	lr =	sadd.s32 s0, s3;
	s0 =	sld [smem:$0x3FA5]  }
0x30: {  	s3 =	sld [smem:$0x3FA8]  }
0x31: {  	[smem:$0x3FB1] =	sst s10  }
0x32: {  	s10 =	sld [smem:$0x3FAF];
	_ =	sdelay $0x3  }
0x33: {  	p0 =	seq.s32 s10, $0x1;
	s10 =	sld [smem:$0x3FB1];
	_ =	sdelay $0x3  }
0x34: {  	[smem:$0x3FB1] =	sst s10  }
0x35: {  	s10 =	sld [smem:$0x3FB0];
	_ =	sdelay $0x3  }
0x36: {  	p1 =	seq.s32 s10, $0x1;
	s10 =	sld [smem:$0x3FB1];
	_ =	sdelay $0x3  }
0x37: {  	[smem:$0x3FB1] =	sst s10  }
0x38: {  	s10 =	sld [smem:$0x3FB2]  }
0x39: {  	_ = 	snop;
	(pc) =	sbr.ind lr, $3  }
0x3a: {  	_ = 	snop  }
0x3b: {  	_ = 	snop  }
0x3c: {  	p2 =	seq.s32 s10, $0x1;
	s10 =	sld [smem:$0x3FB1]  }
0x3d: {  	_ =	shalt  }
0x3e: {  	_ =	shalt  }
0x3f: {  	_ =	shalt  }
0x40: {  	_ =	shalt  }
0x41: {  	_ =	shalt  }
0x42: {  	_ =	shalt  }
0x43: {  	_ =	shalt  }
0x44: {  	_ =	shalt  }
0x45: {  	_ =	shalt  }
0x46: {  	_ =	shalt  }
0x47: {  	_ =	shalt  }
0x48: {  	_ =	shalt  }
0x49: {  	_ =	shalt  }
0x4a: {  	_ =	shalt  }
0x4b: {  	_ =	shalt  }
0x4c: {  	_ =	shalt  }
0x4d: {  	_ =	shalt  }
0x4e: {  	_ =	shalt  }
0x4f: {  	_ =	shalt  }
0x50: {  	_ =	shalt  }
0x51: {  	_ =	shalt  }
0x52: {  	_ =	shalt  }
0x53: {  	_ =	shalt  }
0x54: {  	_ =	shalt  }
0x55: {  	_ =	shalt  }
0x56: {  	_ =	shalt  }
0x57: {  	_ =	shalt  }
0x58: {  	_ =	shalt  }
0x59: {  	_ =	shalt  }
0x5a: {  	_ =	shalt  }
0x5b: {  	_ =	shalt  }
0x5c: {  	_ =	shalt  }
0x5d: {  	_ =	shalt  }
0x5e: {  	_ =	shalt  }
0x5f: {  	_ =	shalt  }
0x60: {  	_ =	shalt  }
0x61: {  	_ =	shalt  }
0x62: {  	_ =	shalt  }
0x63: {  	_ =	shalt  }
0x64: {  	_ =	shalt  }
0x65: {  	_ =	shalt  }
0x66: {  	_ =	shalt  }
0x67: {  	_ =	shalt  }
0x68: {  	_ =	shalt  }
0x69: {  	_ =	shalt  }
0x6a: {  	_ =	shalt  }
0x6b: {  	_ =	shalt  }
0x6c: {  	_ =	shalt  }
0x6d: {  	_ =	shalt  }
0x6e: {  	_ =	shalt  }
0x6f: {  	_ =	shalt  }
0x70: {  	_ =	shalt  }
0x71: {  	_ =	shalt  }
0x72: {  	_ =	shalt  }
0x73: {  	_ =	shalt  }
0x74: {  	_ =	shalt  }
0x75: {  	_ =	shalt  }
0x76: {  	_ =	shalt  }
0x77: {  	_ =	shalt  }
0x78: {  	_ =	shalt  }
0x79: {  	_ =	shalt  }
0x7a: {  	_ =	shalt  }
0x7b: {  	_ =	shalt  }
0x7c: {  	_ =	shalt  }
0x7d: {  	_ =	shalt  }
0x7e: {  	_ =	shalt  }
0x7f: {  	_ =	shalt  }
0x80: {  	_ =	shalt  }
0x81: {  	_ =	shalt  }
0x82: {  	_ =	shalt  }
0x83: {  	_ =	shalt  }
0x84: {  	_ =	shalt  }
0x85: {  	_ =	shalt  }
0x86: {  	_ =	shalt  }
0x87: {  	_ =	shalt  }
.Lfunc_end0:
.L_simem_size_0:
called_computation.3_lowered:
.L_overlay_start_0:
0x88: {  	s2 =	sld [smem:$0x3FD9]  }
0x89: {  	s3 =	sld [smem:$0x3FFE];
	_ =	sdelay $0x1  }
0x8a: {  	s1 =	srdreg.scid  }
0x8b: {  	s0 =	sand.u32 $0x1, s1  }
0x8c: {  	s17 =	sshll.u32 s0, $0xA;
	s2 =	sadd.s32 s3, s2  }
0x8d: {  	s2 =	sadd.s32 s2, s17  }
0x8e: {  	[smem:$0x3FBD] =	sst s2  }
0x8f: {  	_ = 	snop  }
0x90: {  	s2 =	sld [smem:$0x3FD0];
	(tm) =	ssettm $0x1  }
0x91: {  	s18 =	sld [smem:$0x3FFB];
	_ =	sdelay $0x3  }
0x92: {  	_ =	strace s18  }
0x93: {  	s3 =	sld [smem:$0x3FFC];
	_ =	sdelay $0x3  }
0x94: {  	_ =	strace s3  }
0x95: {  	s3 =	sld [smem:$0x3FFD];
	_ =	sdelay $0x3  }
0x96: {  	_ =	strace s3  }
0x97: {  	_ =	strace $0x8FFFFFFF  }
0x98: {  	s19 =	sld [smem:$0x3FDB];
	_ =	sdelay $0x1  }
0x99: {  	s4 =	simm.s32 $_scs_section_size  }
0x9a: {  	s5 =	simm.s32 $_size__tile_overlayer_lowered;
	s6 =	simm.s32 $_tile_overlayer_lowered  }
0x9b: {  	s22 =	simm.s32 $0x1BFF;
	s21 =	sshll.u32 s6, $0x1;
	s3 =	sadd.s32 s4, s19  }
0x9c: {  	s7 =	simm.s32 $0x0;
	s20 =	sshll.u32 s5, $0x1;
	s5 =	sadd.s32 s21, s3  }
0x9d: {  	[timem:s7], [sflag:s22] =	dma.local [hbm:s5], s20  }
0x9e: {  	_ =	swait.ge [sflag:s22], s20  }
0x9f: {  	s4 =	ssub.s32 $0x0, s20;
	[sflag:s22] =	ssyncset.done $0x0  }
0xa0: {  	[sflag:s22] =	ssyncadd.s32 s4;
	_ =	sdelay $0x1  }
0xa1: {  	s23 =	simm.s32 $0x1B8B  }
0xa2: {  	_ =	swait.ge [sflag:s23], $0x1  }
0xa3: {  	[sflag:s23] =	ssyncset.done $0x0  }
0xa4: {  	s25 =	simm.s32 $0x1B8E;
	s24 =	sld [smem:$0x3FFE];
	[sflag:s23] =	ssyncadd.s32 $0xFFFFFFFF  }
0xa5: {  	s26 =	simm.s32 $execute0_lowered;
	[smem:$0x3FD2] =	sst s25  }
0xa6: {  	s5 =	sshll.u32 s26, $0x1;
	_ =	strace $0x8000004F;
	[dreg:$0x1] =	wrdreg $0xFFFFFFFF  }
0xa7: {  	s28 =	simm.s32 $_size_execute0_lowered;
	s3 =	sadd.s32 s3, s5;
	[dreg:$0x0] =	wrdreg $0x0  }
0xa8: {  	s5 =	sshll.u32 s28, $0x1;
	[dreg:$0x2] =	wrdreg s3  }
0xa9: {  	[dreg:$0x3] =	wrdreg s5  }
0xaa: {  	[dreg:$0x4] =	wrdreg $0xC0  }
0xab: {  	_ =	task [dreg:s7], $0x5FFFF  }
0xac: {  	[dreg:$0x1] =	wrdreg $0xFFFFFFFF  }
0xad: {  	[dreg:$0x0] =	wrdreg $0x60  }
0xae: {  	[dreg:$0x2] =	wrdreg s24  }
0xaf: {  	[dreg:$0x3] =	wrdreg s2  }
0xb0: {  	[dreg:$0x4] =	wrdreg $0xB8000  }
0xb1: {  	[dreg:$0x5] =	wrdreg $0x9  }
0xb2: {  	_ =	task.clear_ibuf [dreg:s7], $0x6FFFF;
	_ =	strace $0x9000004F  }
0xb3: {  	s29 =	simm.s32 $0x9;
	_ =	strace $0x80000051  }
0xb4: {  	_ =	swait.ge [sflag:s29], $0x1  }
0xb5: {  	[sflag:s29] =	ssyncadd.s32 $0xFFFFFFFF  }
0xb6: {  	_ =	strace $0x90000051  }
0xb7: {  	_ =	sfence  }
0xb8: {  	s30 =	sld [smem:$0x0];
	_ =	sdelay $0x2  }
0xb9: {  	s31 =	sshll.u32 s1, $0xD;
	s1 =	sshrl.u32 s1, $0x2  }
0xba: {  	s3 =	sand.u32 $0x4000, s31;
	s1 =	sadd.s32 s1, s30  }
0xbb: {  	s0 =	sor.u32 s3, s0;
	s1 =	sshll.u32 s1, $0x11  }
0xbc: {  	s0 =	sor.u32 s1, s0  }
0xbd: {  	s0 =	sadd.s32 $0x8F2B, s0  }
0xbe: {  	[sflag:s0] =	ssyncadd.remote.s32 $0x1  }
0xbf: {  	_ =	sfence.sel $0xFFFF  }
0xc0: {  	[dreg:$0x0] =	wrdreg $0xFFFFFFFF;
	(pc) =	sbr.abs _section_cstart, $3  }
0xc1: {  	[dreg:$0x1] =	wrdreg $0xFFFFFFFF  }
0xc2: {  	_ =	task.clear_ibuf [dreg:s7], $0x2FFFF;
	_ =	strace $0x9FFFFFFF  }
0xc3: {  	(tm) =	ssettm $0x7FFFFFFF  }
tec
execute0_lowered:
.L_overlay_start_1:
0x0: {  	(tag) =	ssettag $0x1  }
0x1: {  	s6 =	rddreg [dreg:$0x0]  }
0x2: {  	s0 =	srdreg.scid;
	s2 =	rddreg [dreg:$0x1]  }
0x3: {  	s3 =	rddreg [dreg:$0x2];
	s1 =	stileid.u32  }
0x4: {  	s4 =	simm.s32 $0x0;
	s13 =	simm.s32 $0x6800;
	s14 =	simm.s32 $0x50  }
0x5: {  	s15 =	simm.s32 $0x9000;
	s16 =	simm.s32 $0x1;
	s17 =	simm.s32 $0x2  }
0x6: {  	s5 =	sand.u32 $0x1, s0;
	s0 =	rddreg [dreg:$0x3];
	s9 =	smul.u32 $0x2800, s1  }
0x7: {  	s18 =	simm.s32 $0x0;
	[smem:$0x7FF] =	sst s4;
	s12 =	smul.u32 $0x50000, s1  }
0x8: {  	s31 =	sshll.u32 s1, $0x6;
	s7 =	sshll.u32 s5, $0x4;
	_ =	strace $0x80000050  }
0x9: {  	s10 =	smul.u32 $0x28000, s5;
	s11 =	ssub.s32 $0x2, s5;
	s5 =	sadd.s32 $0x27400, s6  }
0xa: {  	s7 =	sor.u32 s1, s7;
	s29 =	sshrl.u32 s11, $0x1;
	s30 =	sshrl.u32 s12, $0x2  }
0xb: {  	s8 =	smul.u32 $0x500, s7;
	s7 =	sshll.u32 s7, $0xB;
	s9 =	sadd.s32 s9, s10  }
0xc: {  	s10 =	ssub.s32 s11, s29;
	s12 =	sadd.s32 s30, s3;
	s11 =	sor.u32 $0x1C03, s31  }
0xd: {  	s7 =	sadd.s32 s7, s6;
	s9 =	sadd.s32 s9, s6;
	s8 =	sadd.s32 s8, s6  }
0xe: {  	s12 =	sshrl.u32 s12, $0x3;
	s7 =	sadd.s32 $0x17400, s7;
	s6 =	sadd.s32 $0xD400, s8  }
0xf: {  	s8 =	sadd.s32 $0x4F400, s9;
	s9 =	smax.u32 s10, $0x1;
	s10 =	simm.s32 $0x3  }
.LBB2_1:
0x10: {  	[tilespmem:s4], [sflag:$0x3] =	stream.linear.gather [hbm4b:s6+s4], $0x2800, $0x38;
	[tilespmem:$0x1F800] =	vst v63  }
0x11: {  	_ =	swait.ge [sflag:s10], $0x2800  }
0x12: {  	[sflag:s10] =	ssyncset.done $0x0  }
0x13: {  	s19 =	simm.s32 $0x2800;
	[sflag:s10] =	ssyncadd.s32 $0xFFFFD800  }
0x14: {  	[tilespmem:s19], [sflag:$0x3] =	stream.linear.gather [hbm4b:s7+s4], $0x4000, $0x38;
	[tilespmem:$0x1F800] =	vst v63  }
0x15: {  	_ =	swait.ge [sflag:s10], $0x4000  }
0x16: {  	[sflag:s10] =	ssyncset.done $0x0  }
0x17: {  	[sflag:s10] =	ssyncadd.s32 $0xFFFFC000  }
0x18: {  	[spmem:s12], [sflag:s11] =	dma.local [hbm:s2], $0x2800  }
0x19: {  	_ =	swait.ge [sflag:s10], $0x2800  }
0x1a: {  	[sflag:s10] =	ssyncset.done $0x0  }
0x1b: {  	[sflag:s10] =	ssyncadd.s32 $0xFFFFD800  }
0x1c: {  	[bflag:$0x0] =	sbarrier.arrive $0xFFFF  }
0x1d: {  	[tilespmem:s13], [sflag:$0x1] =	stream.indirect.gather [hbm4b:s5+s14], $0x80, s4, s14, $0xb8;
	[tilespmem:$0x1F800] =	vst v63  }
0x1e: {  	_ = 	snop  }
0x1f: {  	[tilespmem:s15], [sflag:$0x2] =	stream.indirect.gather [hbm4b:s5+s14], $0x80, s14, s14, $0xb8;
	[tilespmem:$0x1F800] =	vst v63  }
0x20: {  	_ =	swait.ge [sflag:s16], $0x2800  }
0x21: {  	s20 =	smin.u32 s4, $0x7C;
	[sflag:s16] =	ssyncset.done $0x0  }
0x22: {  	s20 =	smul.u32 $0x140, s20;
	[sflag:s16] =	ssyncadd.s32 $0xFFFFD800  }
0x23: {  	[spmem:s3] =	stream.indirect.scatter.add.f32 [tilespmem:s13], [sflag:$0x3], $0x80, s19, s14, $0xb8;
	[tilespmem:$0x1F800] =	vst v63  }
0x24: {  	_ =	swait.ge [sflag:s10], $0x2800  }
0x25: {  	s20 =	sshrl.u32 s20, $0x2;
	[sflag:s10] =	ssyncset.done $0x0  }
0x26: {  	s20 =	sadd.s32 $0xA0, s20;
	[sflag:s10] =	ssyncadd.s32 $0xFFFFD800  }
0x27: {  	[tilespmem:s13], [sflag:$0x1] =	stream.indirect.gather [hbm4b:s5+s14], $0x80, s20, s14, $0xb8;
	[tilespmem:$0x1F800] =	vst v63  }
0x28: {  	_ =	swait.ge [sflag:s17], $0x2800  }
0x29: {  	[sflag:s17] =	ssyncset.done $0x0  }
0x2a: {  	s31 =	simm.s32 $0x2880;
	[sflag:s17] =	ssyncadd.s32 $0xFFFFD800  }
0x2b: {  	[spmem:s3] =	stream.indirect.scatter.add.f32 [tilespmem:s15], [sflag:$0x3], $0x80, s31, s14, $0xb8;
	[tilespmem:$0x1F800] =	vst v63  }
0x2c: {  	s21 =	simm.s32 $0x50;
	s20 =	simm.s32 $0x2;
	_ =	swait.ge [sflag:s10], $0x2800  }
.LBB2_2:
0x2d: {  	[sflag:s10] =	ssyncset.done $0x0  }
0x2e: {  	s19 =	sadd.s32 $0x100, s19;
	s21 =	sadd.s32 $0xA0, s21;
	s22 =	smov.u32 s20  }
0x2f: {  	p0 =	sne.s32 s20, $0x7E;
	s20 =	sadd.s32 $0x2, s20;
	[sflag:s10] =	ssyncadd.s32 $0xFFFFD800  }
0x30: {  	[tilespmem:s15], [sflag:$0x2] =	stream.indirect.gather [hbm4b:s5+s14], $0x80, s21, s14, $0xb8;
	[tilespmem:$0x1F800] =	vst v63  }
0x31: {  	_ =	swait.ge [sflag:s16], $0x2800  }
0x32: {  	s22 =	smin.u32 s22, $0x7C;
	[sflag:s16] =	ssyncset.done $0x0  }
0x33: {  	s22 =	smul.u32 $0x140, s22;
	[sflag:s16] =	ssyncadd.s32 $0xFFFFD800  }
0x34: {  	[spmem:s3] =	stream.indirect.scatter.add.f32 [tilespmem:s13], [sflag:$0x3], $0x80, s19, s14, $0xb8;
	[tilespmem:$0x1F800] =	vst v63  }
0x35: {  	s22 =	sshrl.u32 s22, $0x2;
	_ =	swait.ge [sflag:s10], $0x2800  }
0x36: {  	s22 =	sadd.s32 $0xA0, s22;
	[sflag:s10] =	ssyncset.done $0x0  }
0x37: {  	[sflag:s10] =	ssyncadd.s32 $0xFFFFD800  }
0x38: {  	[tilespmem:s13], [sflag:$0x1] =	stream.indirect.gather [hbm4b:s5+s14], $0x80, s22, s14, $0xb8;
	[tilespmem:$0x1F800] =	vst v63  }
.Ltmp0:
0x39: {  	_ =	swait.ge [sflag:s17], $0x2800;
	(pc) =	sbr.rel @p0 .LBB2_2-.Ltmp0, $4  }
0x3a: {  	s22 =	sadd.s32 $0x80, s19;
	[sflag:s17] =	ssyncset.done $0x0  }
0x3b: {  	[sflag:s17] =	ssyncadd.s32 $0xFFFFD800  }
0x3c: {  	[spmem:s3] =	stream.indirect.scatter.add.f32 [tilespmem:s15], [sflag:$0x3], $0x80, s22, s14, $0xb8;
	[tilespmem:$0x1F800] =	vst v63  }
0x3d: {  	_ =	swait.ge [sflag:s10], $0x2800  }
0x3e: {  	[sflag:s10] =	ssyncset.done $0x0  }
0x3f: {  	[sflag:s10] =	ssyncadd.s32 $0xFFFFD800  }
0x40: {  	_ =	swait.ge [sflag:s16], $0x2800  }
0x41: {  	s18 =	sadd.s32 $0x1, s18;
	[sflag:s16] =	ssyncset.done $0x0  }
0x42: {  	p0 =	sne.s32 s18, s9;
	[sflag:s16] =	ssyncadd.s32 $0xFFFFD800  }
.Ltmp1:
0x43: {  	[bflag:$0x0] =	sbarrier.arrive $0xFFFF;
	(pc) =	sbr.rel @p0 .LBB2_1-.Ltmp1, $4  }
0x44: {  	[hbm:s8], [sflag:s11] =	dma.local [spmem:s12], $0x2800  }
0x45: {  	_ =	swait.ge [sflag:s10], $0x2800  }
0x46: {  	[sflag:s10] =	ssyncset.done $0x0  }
0x47: {  	[sflag:s10] =	ssyncadd.s32 $0xFFFFD800  }
0x48: {  	_ =	sfence.sel $0x180000  }
0x49: {  	[bflag:$0x0] =	sbarrier.arrive $0xFFFF  }
0x4a: {  	p0 =	sne.s32 s1, $0x0;
	_ =	strace $0x90000050  }
0x4b: {  	s0 =	sadd.s32 @!p0 $0x100000, s0;
	[bflag:$0x2] =	sbarrier.arrive $0xFFFF  }
0x4c: {  	[sflag:s0] =	ssyncadd.tile.s32 @!p0 $0x1;
	_ =	shalt  }
.Lfunc_end2:
_tile_overlayer_lowered:
.L_overlay_start_2:
0x4d: {  	(tag) =	ssettag $0x2  }
0x4e: {  	s0 =	rddreg [dreg:$0x0];
	s2 =	stileid.u32  }
0x4f: {  	s1 =	rddreg [dreg:$0x1];
	p0 =	sne.s32 s2, $0x0  }
0x50: {  	s3 =	rddreg [dreg:$0x2];
	[bflag:$0x3] =	sbarrier.arrive $0xFFFF;
	s2 =	simm.s32 @!p0 $0x1C03  }
0x51: {  	[timem:s3], [sflag:s2] =	dma.local @!p0 [hbm:s0], s1  }
0x52: {  	s0 =	simm.s32 @!p0 $0x3  }
0x53: {  	_ =	swait.ge @!p0 [sflag:s0], s1  }
0x54: {  	s1 =	ssub.s32 @!p0 $0x0, s1;
	[sflag:s0] =	ssyncset.done @!p0 $0x0  }
0x55: {  	[sflag:s0] =	ssyncadd.s32 @!p0 s1  }
0x56: {  	[bflag:$0x3] =	sbarrier.arrive $0xFFFF  }
0x57: {  	_ =	shalt  }

</sc_bundles>
